<compile_context>
chip_gen: v7x
topology: tpu7x:2x2x1
jax: 0.10.2.dev20260603
libtpu: 0.0.44.dev20260713+nightly
codegen_flags: <defaults>
</compile_context>

<pallas_src>
import functools
import numpy as np
import jax
import jax.numpy as jnp
from jax import lax
from jax.experimental import pallas as pl
from jax.experimental.pallas import tpu as pltpu
from jax.experimental.pallas import tpu_sc as plsc

F = 128
BLK = 2000
L = 16
try:
    _info = plsc.get_sparse_core_info()
    NC, NS = _info.num_cores, _info.num_subcores
except Exception:
    NC, NS = 2, 16
NW = NC * NS
CHUNK = 3136
NPAD = NW * CHUNK


def _softplus(w):
    return jnp.maximum(w, 0.0) + jnp.log(1.0 + jnp.exp(-jnp.abs(w)))


def _swish(u):
    return u * (1.0 / (1.0 + jnp.exp(-u)))


def _dot(a, b, dims):
    return jax.lax.dot_general(a, b, (dims, ((), ())),
                               preferred_element_type=jnp.float32)


def _body_a(seg_ref, x_ref, esc_ref, wqk_ref, bqk_ref, a_ref, *, nseg):
    x = x_ref[...]
    seg = seg_ref[0]
    t = _dot(wqk_ref[...], x, ((1,), (1,))) + bqk_ref[0]
    ids = lax.broadcasted_iota(jnp.int32, (nseg, BLK), 0)
    oh = (ids == seg).astype(jnp.float32)
    esc_g = _dot(esc_ref[...], oh, ((1,), (0,)))
    a_ref[...] = _softplus(esc_g * t).reshape(1, 1, BLK)


def _sc_b1(a_hbm, seg_hbm, pan_hbm, a_v, seg_v, pan_v, *, nseg):
    wid = lax.axis_index("s") * NC + lax.axis_index("c")
    base = wid * CHUNK
    pltpu.sync_copy(a_hbm.at[pl.ds(base, CHUNK)], a_v)
    pltpu.sync_copy(seg_hbm.at[pl.ds(base, CHUNK)], seg_v)
    for k in range(nseg // L):
        pan_v[pl.ds(k * L, L)] = jnp.zeros((L,), jnp.float32)

    def body(j, c):
        idx = seg_v[pl.ds(j * L, L)]
        av = a_v[pl.ds(j * L, L)]
        plsc.addupdate_scatter(pan_v, [idx], av)
        return c

    lax.fori_loop(0, CHUNK // L, body, 0)
    pltpu.sync_copy(pan_v, pan_hbm.at[pl.ds(wid * nseg, nseg)])


def _sc_b2(a_hbm, seg_hbm, pan_hbm, etab_hbm, coeff_hbm,
           a_v, seg_v, pan_v, anorm_v, etab_v, coeff_v, *, nseg):
    wid = lax.axis_index("s") * NC + lax.axis_index("c")
    base = wid * CHUNK
    pltpu.sync_copy(a_hbm.at[pl.ds(base, CHUNK)], a_v)
    pltpu.sync_copy(seg_hbm.at[pl.ds(base, CHUNK)], seg_v)
    pltpu.sync_copy(pan_hbm, pan_v)
    pltpu.sync_copy(etab_hbm, etab_v)
    for k in range(nseg // L):
        def rbody(r, acc):
            return acc + pan_v[pl.ds(r * nseg + k * L, L)]
        anorm_v[pl.ds(k * L, L)] = lax.fori_loop(
            0, NW, rbody, jnp.zeros((L,), jnp.float32))

    def body(j, c):
        idx = seg_v[pl.ds(j * L, L)]
        av = a_v[pl.ds(j * L, L)]
        ag = plsc.load_gather(anorm_v, [idx])
        eg = plsc.load_gather(etab_v, [idx])
        coeff_v[pl.ds(j * L, L)] = av / (ag + 1e-8) * eg
        return c

    lax.fori_loop(0, CHUNK // L, body, 0)
    pltpu.sync_copy(coeff_v, coeff_hbm.at[pl.ds(base, CHUNK)])


def _body_c(coeff_ref, wv_ref, w1_ref, w2_ref, wl_ref, out_ref):
    coeff = coeff_ref[0]
    scaled = _dot(coeff, wv_ref[...], ((0,), (0,)))
    s1 = _swish(scaled)
    u = _dot(s1, w1_ref[...], ((1,), (1,)))
    s2 = _swish(u)
    h = scaled + _dot(s2, w2_ref[...], ((1,), (1,)))
    out_ref[...] = _dot(_swish(h), wl_ref[...], ((1,), (1,)))


def kernel(x, E, num_batch, batch_seg, Wq, bq, Wk, Wv, W1, W2, Wl):
    N = x.shape[0]
    nseg = E.shape[0]
    nblk = N // BLK
    inv = np.float32(1.0 / np.sqrt(F))

    wqk = (Wq.T @ Wk).reshape(1, F) * inv
    bqk = (bq @ Wk).reshape(1, 1) * inv
    e = jnp.abs(E)
    esc = (e / jnp.maximum(e, 1.0)).reshape(1, nseg)
    seg3 = batch_seg.reshape(nblk, 1, BLK)
    wv = Wv.reshape(1, F)

    a3 = pl.pallas_call(
        functools.partial(_body_a, nseg=nseg),
        grid=(nblk,),
        in_specs=[
            pl.BlockSpec((1, 1, BLK), lambda i: (i, 0, 0)),
            pl.BlockSpec((BLK, F), lambda i: (i, 0)),
            pl.BlockSpec((1, nseg), lambda i: (0, 0)),
            pl.BlockSpec((1, F), lambda i: (0, 0)),
            pl.BlockSpec((1, 1), lambda i: (0, 0)),
        ],
        out_specs=pl.BlockSpec((1, 1, BLK), lambda i: (i, 0, 0)),
        out_shape=jax.ShapeDtypeStruct((nblk, 1, BLK), jnp.float32),
    )(seg3, x, esc, wqk, bqk)

    a_pad = jnp.pad(a3.reshape(N), (0, NPAD - N))
    seg_pad = jnp.pad(batch_seg, (0, NPAD - N))

    mesh = plsc.VectorSubcoreMesh(core_axis_name="c", subcore_axis_name="s")

    pan = pl.kernel(
        functools.partial(_sc_b1, nseg=nseg),
        out_type=jax.ShapeDtypeStruct((NW * nseg,), jnp.float32),
        mesh=mesh,
        compiler_params=pltpu.CompilerParams(needs_layout_passes=False),
        scratch_types=[
            pltpu.VMEM((CHUNK,), jnp.float32),
            pltpu.VMEM((CHUNK,), jnp.int32),
            pltpu.VMEM((nseg,), jnp.float32),
        ],
    )(a_pad, seg_pad)

    coeff = pl.kernel(
        functools.partial(_sc_b2, nseg=nseg),
        out_type=jax.ShapeDtypeStruct((NPAD,), jnp.float32),
        mesh=mesh,
        compiler_params=pltpu.CompilerParams(needs_layout_passes=False),
        scratch_types=[
            pltpu.VMEM((CHUNK,), jnp.float32),
            pltpu.VMEM((CHUNK,), jnp.int32),
            pltpu.VMEM((NW * nseg,), jnp.float32),
            pltpu.VMEM((nseg,), jnp.float32),
            pltpu.VMEM((nseg,), jnp.float32),
            pltpu.VMEM((CHUNK,), jnp.float32),
        ],
    )(a_pad, seg_pad, pan, e)

    coeff3 = coeff[:N].reshape(nblk, 1, BLK)

    out = pl.pallas_call(
        _body_c,
        grid=(nblk,),
        in_specs=[
            pl.BlockSpec((1, 1, BLK), lambda i: (i, 0, 0)),
            pl.BlockSpec((1, F), lambda i: (0, 0)),
            pl.BlockSpec((F, F), lambda i: (0, 0)),
            pl.BlockSpec((F, F), lambda i: (0, 0)),
            pl.BlockSpec((F, F), lambda i: (0, 0)),
        ],
        out_specs=pl.BlockSpec((BLK, F), lambda i: (i, 0)),
        out_shape=jax.ShapeDtypeStruct((N, F), jnp.float32),
    )(coeff3, wv, W1, W2, Wl)
    return out

# --- scband reference (transcript-rebuilt; emitter-appended) ---
"""Pipeline reference for scband-electronic-embedding-68247030333990 (READ-ONLY COPY).

The authoritative reference and input builder live on the scoring server;
editing this copy changes nothing except your own understanding.
"""

import jax, jax.numpy as jnp
import numpy as np


def swish(x):
    return x * jax.nn.sigmoid(x)


def setup_inputs(seed: int = 0) -> dict:
    key = jax.random.key(seed)
    ks = jax.random.split(key, 12)
    N, F, B = 100000, 128, 512
    x = jax.random.normal(ks[0], (N, F), dtype=jnp.float32)
    E = jax.random.normal(ks[1], (B,), dtype=jnp.float32)
    batch_seg = jnp.sort(jax.random.randint(ks[2], (N,), 0, B, dtype=jnp.int32))
    s = 1.0 / np.sqrt(F)
    Wq = jax.random.normal(ks[3], (F, F), dtype=jnp.float32) * s
    bq = jnp.zeros((F,), dtype=jnp.float32)
    Wk = jax.random.normal(ks[4], (F, 1), dtype=jnp.float32)
    Wv = jax.random.normal(ks[5], (F, 1), dtype=jnp.float32)
    W1 = jax.random.normal(ks[6], (F, F), dtype=jnp.float32) * s
    W2 = jax.random.normal(ks[7], (F, F), dtype=jnp.float32) * s
    Wl = jax.random.normal(ks[8], (F, F), dtype=jnp.float32) * s
    return {"x": x, "E": E, "num_batch": B, "batch_seg": batch_seg,
            "Wq": Wq, "bq": bq, "Wk": Wk, "Wv": Wv, "W1": W1, "W2": W2, "Wl": Wl}


def reference(x, E, num_batch, batch_seg, Wq, bq, Wk, Wv, W1, W2, Wl):
    eps = 1e-8
    # single-head attention over per-molecule electronic state (is_charge=False)
    q = x @ Wq.T + bq                              # [N, F]
    e = jnp.abs(E)[:, None]                        # [B, 1]
    enorm = jnp.maximum(e, jnp.ones_like(e))
    k = ((e / enorm) @ Wk.T)[batch_seg]            # [N, F] gather per atom
    v = (e @ Wv.T)[batch_seg]                      # [N, F] gather per atom
    weights = jnp.sum(k * q, axis=-1) / jnp.sqrt(jnp.asarray(k.shape[-1], jnp.float32))
    a = jax.nn.softplus(weights)                   # [N]
    a = jnp.where(batch_seg < num_batch, a, jnp.zeros_like(a))
    anorm = jax.ops.segment_sum(a, batch_seg, num_segments=E.shape[0])  # [B]
    scaled = (a / (anorm[batch_seg] + eps))[:, None] * v               # [N, F]
    # ResidualMLP (SpookyNet-style): num_residual=1 pre-activation residual
    # block, then activation + output linear (bias=False)
    h = scaled + (swish(swish(scaled) @ W1.T) @ W2.T)
    out = swish(h) @ Wl.T
    return out

if __name__ == "__main__":
    import jax
    _d = setup_inputs()
    print(jax.jit(kernel)(*tuple(_d.values())))

</pallas_src>

<mosaic_0001>
#map = affine_map<(d0, d1) -> (0)>
module attributes {stable_mosaic.version = 14 : i64} {
  func.func @_sc_b1(%arg0: i32, %arg1: i32, %arg2: memref<100352xf32, #tpu.memory_space<hbm>>, %arg3: memref<100352xi32, #tpu.memory_space<hbm>>, %arg4: memref<16384xf32, #tpu.memory_space<hbm>>, %arg5: memref<3136xf32, #tpu.memory_space<vmem>>, %arg6: memref<3136xi32, #tpu.memory_space<vmem>>, %arg7: memref<512xf32, #tpu.memory_space<vmem>>) attributes {dimension_semantics = [#tpu.dimension_semantics<core_parallel>, #tpu.dimension_semantics<subcore_parallel>], iteration_bounds = array<i64: 2, 16>, scalar_prefetch = 0 : i64, scratch_operands = 3 : i64, tpu.core_type = #tpu.core_type<sc_vector_subcore>, window_params = [{transform_indices = #map}, {transform_indices = #map}, {transform_indices = #map}]} {
    %mul3A = arith.constant 2 : i32
    %mul3A_0 = arith.muli %arg1, %mul3A : i32
    %add3A = arith.addi %mul3A_0, %arg0 : i32
    %mul3A_1 = arith.constant 3136 : i32
    %mul3A_2 = arith.muli %add3A, %mul3A_1 : i32
    "tpu.region"() ({
      %run_scoped3A = tpu.sem_alloc : memref<!tpu.dma_semaphore, #tpu.memory_space<semaphore_mem>>
      %dma_start3A = tpu.memref_slice %arg2[%mul3A_2] : memref<100352xf32, #tpu.memory_space<hbm>> -> memref<3136xf32, #tpu.memory_space<hbm>>
      %dma_start3A_136 = tpu.memref_slice %arg2[%mul3A_2] : memref<100352xf32, #tpu.memory_space<hbm>> -> memref<3136xf32, #tpu.memory_space<hbm>>
      tpu.enqueue_dma source(%dma_start3A_136 : memref<3136xf32, #tpu.memory_space<hbm>>) target(%arg5 : memref<3136xf32, #tpu.memory_space<vmem>>) target_semaphore(%run_scoped3A : memref<!tpu.dma_semaphore, #tpu.memory_space<semaphore_mem>>)
      %dma_wait3A = tpu.memref_slice %arg2[%mul3A_2] : memref<100352xf32, #tpu.memory_space<hbm>> -> memref<3136xf32, #tpu.memory_space<hbm>>
      %dma_wait3A_137 = tpu.memref_slice %arg2[%mul3A_2] : memref<100352xf32, #tpu.memory_space<hbm>> -> memref<3136xf32, #tpu.memory_space<hbm>>
      tpu.wait_dma2 semaphore(%run_scoped3A : memref<!tpu.dma_semaphore, #tpu.memory_space<semaphore_mem>>) src(%dma_wait3A_137 : memref<3136xf32, #tpu.memory_space<hbm>>) dst(%arg5 : memref<3136xf32, #tpu.memory_space<vmem>>)
      tpu.yield
    }) : () -> ()
    "tpu.region"() ({
      %run_scoped3A = tpu.sem_alloc : memref<!tpu.dma_semaphore, #tpu.memory_space<semaphore_mem>>
      %dma_start3A = tpu.memref_slice %arg3[%mul3A_2] : memref<100352xi32, #tpu.memory_space<hbm>> -> memref<3136xi32, #tpu.memory_space<hbm>>
      %dma_start3A_136 = tpu.memref_slice %arg3[%mul3A_2] : memref<100352xi32, #tpu.memory_space<hbm>> -> memref<3136xi32, #tpu.memory_space<hbm>>
      tpu.enqueue_dma source(%dma_start3A_136 : memref<3136xi32, #tpu.memory_space<hbm>>) target(%arg6 : memref<3136xi32, #tpu.memory_space<vmem>>) target_semaphore(%run_scoped3A : memref<!tpu.dma_semaphore, #tpu.memory_space<semaphore_mem>>)
      %dma_wait3A = tpu.memref_slice %arg3[%mul3A_2] : memref<100352xi32, #tpu.memory_space<hbm>> -> memref<3136xi32, #tpu.memory_space<hbm>>
      %dma_wait3A_137 = tpu.memref_slice %arg3[%mul3A_2] : memref<100352xi32, #tpu.memory_space<hbm>> -> memref<3136xi32, #tpu.memory_space<hbm>>
      tpu.wait_dma2 semaphore(%run_scoped3A : memref<!tpu.dma_semaphore, #tpu.memory_space<semaphore_mem>>) src(%dma_wait3A_137 : memref<3136xi32, #tpu.memory_space<hbm>>) dst(%arg6 : memref<3136xi32, #tpu.memory_space<vmem>>)
      tpu.yield
    }) : () -> ()
    %broadcast_in_dim3A = arith.constant 0.000000e+00 : f32
    %broadcast_in_dim3A_3 = vector.broadcast %broadcast_in_dim3A : f32 to vector<16xf32>
    %swap3A = arith.constant 0 : index
    %swap3A_4 = tpu.vector_load %arg7[%swap3A] {strides = array<i32>} : memref<512xf32, #tpu.memory_space<vmem>>, vector<16xf32>,
    tpu.vector_store %arg7[%swap3A], %broadcast_in_dim3A_3 {strides = array<i32>} : memref<512xf32, #tpu.memory_space<vmem>>, vector<16xf32>,
    %broadcast_in_dim3A_5 = arith.constant 0.000000e+00 : f32
    %broadcast_in_dim3A_6 = vector.broadcast %broadcast_in_dim3A_5 : f32 to vector<16xf32>
    %swap3A_7 = arith.constant 16 : index
    %swap3A_8 = tpu.vector_load %arg7[%swap3A_7] {strides = array<i32>} : memref<512xf32, #tpu.memory_space<vmem>>, vector<16xf32>,
    tpu.vector_store %arg7[%swap3A_7], %broadcast_in_dim3A_6 {strides = array<i32>} : memref<512xf32, #tpu.memory_space<vmem>>, vector<16xf32>,
    %broadcast_in_dim3A_9 = arith.constant 0.000000e+00 : f32
    %broadcast_in_dim3A_10 = vector.broadcast %broadcast_in_dim3A_9 : f32 to vector<16xf32>
    %swap3A_11 = arith.constant 32 : index
    %swap3A_12 = tpu.vector_load %arg7[%swap3A_11] {strides = array<i32>} : memref<512xf32, #tpu.memory_space<vmem>>, vector<16xf32>,
    tpu.vector_store %arg7[%swap3A_11], %broadcast_in_dim3A_10 {strides = array<i32>} : memref<512xf32, #tpu.memory_space<vmem>>, vector<16xf32>,
    %broadcast_in_dim3A_13 = arith.constant 0.000000e+00 : f32
    %broadcast_in_dim3A_14 = vector.broadcast %broadcast_in_dim3A_13 : f32 to vector<16xf32>
    %swap3A_15 = arith.constant 48 : index
    %swap3A_16 = tpu.vector_load %arg7[%swap3A_15] {strides = array<i32>} : memref<512xf32, #tpu.memory_space<vmem>>, vector<16xf32>,
    tpu.vector_store %arg7[%swap3A_15], %broadcast_in_dim3A_14 {strides = array<i32>} : memref<512xf32, #tpu.memory_space<vmem>>, vector<16xf32>,
    %broadcast_in_dim3A_17 = arith.constant 0.000000e+00 : f32
    %broadcast_in_dim3A_18 = vector.broadcast %broadcast_in_dim3A_17 : f32 to vector<16xf32>
    %swap3A_19 = arith.constant 64 : index
    %swap3A_20 = tpu.vector_load %arg7[%swap3A_19] {strides = array<i32>} : memref<512xf32, #tpu.memory_space<vmem>>, vector<16xf32>,
    tpu.vector_store %arg7[%swap3A_19], %broadcast_in_dim3A_18 {strides = array<i32>} : memref<512xf32, #tpu.memory_space<vmem>>, vector<16xf32>,
    %broadcast_in_dim3A_21 = arith.constant 0.000000e+00 : f32
    %broadcast_in_dim3A_22 = vector.broadcast %broadcast_in_dim3A_21 : f32 to vector<16xf32>
    %swap3A_23 = arith.constant 80 : index
    %swap3A_24 = tpu.vector_load %arg7[%swap3A_23] {strides = array<i32>} : memref<512xf32, #tpu.memory_space<vmem>>, vector<16xf32>,
    tpu.vector_store %arg7[%swap3A_23], %broadcast_in_dim3A_22 {strides = array<i32>} : memref<512xf32, #tpu.memory_space<vmem>>, vector<16xf32>,
    %broadcast_in_dim3A_25 = arith.constant 0.000000e+00 : f32
    %broadcast_in_dim3A_26 = vector.broadcast %broadcast_in_dim3A_25 : f32 to vector<16xf32>
    %swap3A_27 = arith.constant 96 : index
    %swap3A_28 = tpu.vector_load %arg7[%swap3A_27] {strides = array<i32>} : memref<512xf32, #tpu.memory_space<vmem>>, vector<16xf32>,
    tpu.vector_store %arg7[%swap3A_27], %broadcast_in_dim3A_26 {strides = array<i32>} : memref<512xf32, #tpu.memory_space<vmem>>, vector<16xf32>,
    %broadcast_in_dim3A_29 = arith.constant 0.000000e+00 : f32
    %broadcast_in_dim3A_30 = vector.broadcast %broadcast_in_dim3A_29 : f32 to vector<16xf32>
    %swap3A_31 = arith.constant 112 : index
    %swap3A_32 = tpu.vector_load %arg7[%swap3A_31] {strides = array<i32>} : memref<512xf32, #tpu.memory_space<vmem>>, vector<16xf32>,
    tpu.vector_store %arg7[%swap3A_31], %broadcast_in_dim3A_30 {strides = array<i32>} : memref<512xf32, #tpu.memory_space<vmem>>, vector<16xf32>,
    %broadcast_in_dim3A_33 = arith.constant 0.000000e+00 : f32
    %broadcast_in_dim3A_34 = vector.broadcast %broadcast_in_dim3A_33 : f32 to vector<16xf32>
    %swap3A_35 = arith.constant 128 : index
    %swap3A_36 = tpu.vector_load %arg7[%swap3A_35] {strides = array<i32>} : memref<512xf32, #tpu.memory_space<vmem>>, vector<16xf32>,
    tpu.vector_store %arg7[%swap3A_35], %broadcast_in_dim3A_34 {strides = array<i32>} : memref<512xf32, #tpu.memory_space<vmem>>, vector<16xf32>,
    %broadcast_in_dim3A_37 = arith.constant 0.000000e+00 : f32
    %broadcast_in_dim3A_38 = vector.broadcast %broadcast_in_dim3A_37 : f32 to vector<16xf32>
    %swap3A_39 = arith.constant 144 : index
    %swap3A_40 = tpu.vector_load %arg7[%swap3A_39] {strides = array<i32>} : memref<512xf32, #tpu.memory_space<vmem>>, vector<16xf32>,
    tpu.vector_store %arg7[%swap3A_39], %broadcast_in_dim3A_38 {strides = array<i32>} : memref<512xf32, #tpu.memory_space<vmem>>, vector<16xf32>,
    %broadcast_in_dim3A_41 = arith.constant 0.000000e+00 : f32
    %broadcast_in_dim3A_42 = vector.broadcast %broadcast_in_dim3A_41 : f32 to vector<16xf32>
    %swap3A_43 = arith.constant 160 : index
    %swap3A_44 = tpu.vector_load %arg7[%swap3A_43] {strides = array<i32>} : memref<512xf32, #tpu.memory_space<vmem>>, vector<16xf32>,
    tpu.vector_store %arg7[%swap3A_43], %broadcast_in_dim3A_42 {strides = array<i32>} : memref<512xf32, #tpu.memory_space<vmem>>, vector<16xf32>,
    %broadcast_in_dim3A_45 = arith.constant 0.000000e+00 : f32
    %broadcast_in_dim3A_46 = vector.broadcast %broadcast_in_dim3A_45 : f32 to vector<16xf32>
    %swap3A_47 = arith.constant 176 : index
    %swap3A_48 = tpu.vector_load %arg7[%swap3A_47] {strides = array<i32>} : memref<512xf32, #tpu.memory_space<vmem>>, vector<16xf32>,
    tpu.vector_store %arg7[%swap3A_47], %broadcast_in_dim3A_46 {strides = array<i32>} : memref<512xf32, #tpu.memory_space<vmem>>, vector<16xf32>,
    %broadcast_in_dim3A_49 = arith.constant 0.000000e+00 : f32
    %broadcast_in_dim3A_50 = vector.broadcast %broadcast_in_dim3A_49 : f32 to vector<16xf32>
    %swap3A_51 = arith.constant 192 : index
    %swap3A_52 = tpu.vector_load %arg7[%swap3A_51] {strides = array<i32>} : memref<512xf32, #tpu.memory_space<vmem>>, vector<16xf32>,
    tpu.vector_store %arg7[%swap3A_51], %broadcast_in_dim3A_50 {strides = array<i32>} : memref<512xf32, #tpu.memory_space<vmem>>, vector<16xf32>,
    %broadcast_in_dim3A_53 = arith.constant 0.000000e+00 : f32
    %broadcast_in_dim3A_54 = vector.broadcast %broadcast_in_dim3A_53 : f32 to vector<16xf32>
    %swap3A_55 = arith.constant 208 : index
    %swap3A_56 = tpu.vector_load %arg7[%swap3A_55] {strides = array<i32>} : memref<512xf32, #tpu.memory_space<vmem>>, vector<16xf32>,
    tpu.vector_store %arg7[%swap3A_55], %broadcast_in_dim3A_54 {strides = array<i32>} : memref<512xf32, #tpu.memory_space<vmem>>, vector<16xf32>,
    %broadcast_in_dim3A_57 = arith.constant 0.000000e+00 : f32
    %broadcast_in_dim3A_58 = vector.broadcast %broadcast_in_dim3A_57 : f32 to vector<16xf32>
    %swap3A_59 = arith.constant 224 : index
    %swap3A_60 = tpu.vector_load %arg7[%swap3A_59] {strides = array<i32>} : memref<512xf32, #tpu.memory_space<vmem>>, vector<16xf32>,
    tpu.vector_store %arg7[%swap3A_59], %broadcast_in_dim3A_58 {strides = array<i32>} : memref<512xf32, #tpu.memory_space<vmem>>, vector<16xf32>,
    %broadcast_in_dim3A_61 = arith.constant 0.000000e+00 : f32
    %broadcast_in_dim3A_62 = vector.broadcast %broadcast_in_dim3A_61 : f32 to vector<16xf32>
    %swap3A_63 = arith.constant 240 : index
    %swap3A_64 = tpu.vector_load %arg7[%swap3A_63] {strides = array<i32>} : memref<512xf32, #tpu.memory_space<vmem>>, vector<16xf32>,
    tpu.vector_store %arg7[%swap3A_63], %broadcast_in_dim3A_62 {strides = array<i32>} : memref<512xf32, #tpu.memory_space<vmem>>, vector<16xf32>,
    %broadcast_in_dim3A_65 = arith.constant 0.000000e+00 : f32
    %broadcast_in_dim3A_66 = vector.broadcast %broadcast_in_dim3A_65 : f32 to vector<16xf32>
    %swap3A_67 = arith.constant 256 : index
    %swap3A_68 = tpu.vector_load %arg7[%swap3A_67] {strides = array<i32>} : memref<512xf32, #tpu.memory_space<vmem>>, vector<16xf32>,
    tpu.vector_store %arg7[%swap3A_67], %broadcast_in_dim3A_66 {strides = array<i32>} : memref<512xf32, #tpu.memory_space<vmem>>, vector<16xf32>,
    %broadcast_in_dim3A_69 = arith.constant 0.000000e+00 : f32
    %broadcast_in_dim3A_70 = vector.broadcast %broadcast_in_dim3A_69 : f32 to vector<16xf32>
    %swap3A_71 = arith.constant 272 : index
    %swap3A_72 = tpu.vector_load %arg7[%swap3A_71] {strides = array<i32>} : memref<512xf32, #tpu.memory_space<vmem>>, vector<16xf32>,
    tpu.vector_store %arg7[%swap3A_71], %broadcast_in_dim3A_70 {strides = array<i32>} : memref<512xf32, #tpu.memory_space<vmem>>, vector<16xf32>,
    %broadcast_in_dim3A_73 = arith.constant 0.000000e+00 : f32
    %broadcast_in_dim3A_74 = vector.broadcast %broadcast_in_dim3A_73 : f32 to vector<16xf32>
    %swap3A_75 = arith.constant 288 : index
    %swap3A_76 = tpu.vector_load %arg7[%swap3A_75] {strides = array<i32>} : memref<512xf32, #tpu.memory_space<vmem>>, vector<16xf32>,
    tpu.vector_store %arg7[%swap3A_75], %broadcast_in_dim3A_74 {strides = array<i32>} : memref<512xf32, #tpu.memory_space<vmem>>, vector<16xf32>,
    %broadcast_in_dim3A_77 = arith.constant 0.000000e+00 : f32
    %broadcast_in_dim3A_78 = vector.broadcast %broadcast_in_dim3A_77 : f32 to vector<16xf32>
    %swap3A_79 = arith.constant 304 : index
    %swap3A_80 = tpu.vector_load %arg7[%swap3A_79] {strides = array<i32>} : memref<512xf32, #tpu.memory_space<vmem>>, vector<16xf32>,
    tpu.vector_store %arg7[%swap3A_79], %broadcast_in_dim3A_78 {strides = array<i32>} : memref<512xf32, #tpu.memory_space<vmem>>, vector<16xf32>,
    %broadcast_in_dim3A_81 = arith.constant 0.000000e+00 : f32
    %broadcast_in_dim3A_82 = vector.broadcast %broadcast_in_dim3A_81 : f32 to vector<16xf32>
    %swap3A_83 = arith.constant 320 : index
    %swap3A_84 = tpu.vector_load %arg7[%swap3A_83] {strides = array<i32>} : memref<512xf32, #tpu.memory_space<vmem>>, vector<16xf32>,
    tpu.vector_store %arg7[%swap3A_83], %broadcast_in_dim3A_82 {strides = array<i32>} : memref<512xf32, #tpu.memory_space<vmem>>, vector<16xf32>,
    %broadcast_in_dim3A_85 = arith.constant 0.000000e+00 : f32
    %broadcast_in_dim3A_86 = vector.broadcast %broadcast_in_dim3A_85 : f32 to vector<16xf32>
    %swap3A_87 = arith.constant 336 : index
    %swap3A_88 = tpu.vector_load %arg7[%swap3A_87] {strides = array<i32>} : memref<512xf32, #tpu.memory_space<vmem>>, vector<16xf32>,
    tpu.vector_store %arg7[%swap3A_87], %broadcast_in_dim3A_86 {strides = array<i32>} : memref<512xf32, #tpu.memory_space<vmem>>, vector<16xf32>,
    %broadcast_in_dim3A_89 = arith.constant 0.000000e+00 : f32
    %broadcast_in_dim3A_90 = vector.broadcast %broadcast_in_dim3A_89 : f32 to vector<16xf32>
    %swap3A_91 = arith.constant 352 : index
    %swap3A_92 = tpu.vector_load %arg7[%swap3A_91] {strides = array<i32>} : memref<512xf32, #tpu.memory_space<vmem>>, vector<16xf32>,
    tpu.vector_store %arg7[%swap3A_91], %broadcast_in_dim3A_90 {strides = array<i32>} : memref<512xf32, #tpu.memory_space<vmem>>, vector<16xf32>,
    %broadcast_in_dim3A_93 = arith.constant 0.000000e+00 : f32
    %broadcast_in_dim3A_94 = vector.broadcast %broadcast_in_dim3A_93 : f32 to vector<16xf32>
    %swap3A_95 = arith.constant 368 : index
    %swap3A_96 = tpu.vector_load %arg7[%swap3A_95] {strides = array<i32>} : memref<512xf32, #tpu.memory_space<vmem>>, vector<16xf32>,
    tpu.vector_store %arg7[%swap3A_95], %broadcast_in_dim3A_94 {strides = array<i32>} : memref<512xf32, #tpu.memory_space<vmem>>, vector<16xf32>,
    %broadcast_in_dim3A_97 = arith.constant 0.000000e+00 : f32
    %broadcast_in_dim3A_98 = vector.broadcast %broadcast_in_dim3A_97 : f32 to vector<16xf32>
    %swap3A_99 = arith.constant 384 : index
    %swap3A_100 = tpu.vector_load %arg7[%swap3A_99] {strides = array<i32>} : memref<512xf32, #tpu.memory_space<vmem>>, vector<16xf32>,
    tpu.vector_store %arg7[%swap3A_99], %broadcast_in_dim3A_98 {strides = array<i32>} : memref<512xf32, #tpu.memory_space<vmem>>, vector<16xf32>,
    %broadcast_in_dim3A_101 = arith.constant 0.000000e+00 : f32
    %broadcast_in_dim3A_102 = vector.broadcast %broadcast_in_dim3A_101 : f32 to vector<16xf32>
    %swap3A_103 = arith.constant 400 : index
    %swap3A_104 = tpu.vector_load %arg7[%swap3A_103] {strides = array<i32>} : memref<512xf32, #tpu.memory_space<vmem>>, vector<16xf32>,
    tpu.vector_store %arg7[%swap3A_103], %broadcast_in_dim3A_102 {strides = array<i32>} : memref<512xf32, #tpu.memory_space<vmem>>, vector<16xf32>,
    %broadcast_in_dim3A_105 = arith.constant 0.000000e+00 : f32
    %broadcast_in_dim3A_106 = vector.broadcast %broadcast_in_dim3A_105 : f32 to vector<16xf32>
    %swap3A_107 = arith.constant 416 : index
    %swap3A_108 = tpu.vector_load %arg7[%swap3A_107] {strides = array<i32>} : memref<512xf32, #tpu.memory_space<vmem>>, vector<16xf32>,
    tpu.vector_store %arg7[%swap3A_107], %broadcast_in_dim3A_106 {strides = array<i32>} : memref<512xf32, #tpu.memory_space<vmem>>, vector<16xf32>,
    %broadcast_in_dim3A_109 = arith.constant 0.000000e+00 : f32
    %broadcast_in_dim3A_110 = vector.broadcast %broadcast_in_dim3A_109 : f32 to vector<16xf32>
    %swap3A_111 = arith.constant 432 : index
    %swap3A_112 = tpu.vector_load %arg7[%swap3A_111] {strides = array<i32>} : memref<512xf32, #tpu.memory_space<vmem>>, vector<16xf32>,
    tpu.vector_store %arg7[%swap3A_111], %broadcast_in_dim3A_110 {strides = array<i32>} : memref<512xf32, #tpu.memory_space<vmem>>, vector<16xf32>,
    %broadcast_in_dim3A_113 = arith.constant 0.000000e+00 : f32
    %broadcast_in_dim3A_114 = vector.broadcast %broadcast_in_dim3A_113 : f32 to vector<16xf32>
    %swap3A_115 = arith.constant 448 : index
    %swap3A_116 = tpu.vector_load %arg7[%swap3A_115] {strides = array<i32>} : memref<512xf32, #tpu.memory_space<vmem>>, vector<16xf32>,
    tpu.vector_store %arg7[%swap3A_115], %broadcast_in_dim3A_114 {strides = array<i32>} : memref<512xf32, #tpu.memory_space<vmem>>, vector<16xf32>,
    %broadcast_in_dim3A_117 = arith.constant 0.000000e+00 : f32
    %broadcast_in_dim3A_118 = vector.broadcast %broadcast_in_dim3A_117 : f32 to vector<16xf32>
    %swap3A_119 = arith.constant 464 : index
    %swap3A_120 = tpu.vector_load %arg7[%swap3A_119] {strides = array<i32>} : memref<512xf32, #tpu.memory_space<vmem>>, vector<16xf32>,
    tpu.vector_store %arg7[%swap3A_119], %broadcast_in_dim3A_118 {strides = array<i32>} : memref<512xf32, #tpu.memory_space<vmem>>, vector<16xf32>,
    %broadcast_in_dim3A_121 = arith.constant 0.000000e+00 : f32
    %broadcast_in_dim3A_122 = vector.broadcast %broadcast_in_dim3A_121 : f32 to vector<16xf32>
    %swap3A_123 = arith.constant 480 : index
    %swap3A_124 = tpu.vector_load %arg7[%swap3A_123] {strides = array<i32>} : memref<512xf32, #tpu.memory_space<vmem>>, vector<16xf32>,
    tpu.vector_store %arg7[%swap3A_123], %broadcast_in_dim3A_122 {strides = array<i32>} : memref<512xf32, #tpu.memory_space<vmem>>, vector<16xf32>,
    %broadcast_in_dim3A_125 = arith.constant 0.000000e+00 : f32
    %broadcast_in_dim3A_126 = vector.broadcast %broadcast_in_dim3A_125 : f32 to vector<16xf32>
    %swap3A_127 = arith.constant 496 : index
    %swap3A_128 = tpu.vector_load %arg7[%swap3A_127] {strides = array<i32>} : memref<512xf32, #tpu.memory_space<vmem>>, vector<16xf32>,
    tpu.vector_store %arg7[%swap3A_127], %broadcast_in_dim3A_126 {strides = array<i32>} : memref<512xf32, #tpu.memory_space<vmem>>, vector<16xf32>,
    %scan3A = arith.constant 0 : i32
    %scan3A_129 = arith.constant 0 : i32
    %scan3A_130 = arith.constant 196 : i32
    %scan3A_131 = arith.addi %scan3A_129, %scan3A_130 : i32
    %scan3A_132 = arith.constant 1 : i32
    scf.for %scan3A_136 = %scan3A_129 to %scan3A_131 step %scan3A_132  : i32 {
      %mul3A_137 = arith.constant 16 : i32
      %mul3A_138 = arith.muli %scan3A_136, %mul3A_137 : i32
      %get3A = arith.index_cast %mul3A_138 : i32 to index
      %get3A_139 = tpu.vector_load %arg6[%get3A] {strides = array<i32>} : memref<3136xi32, #tpu.memory_space<vmem>>, vector<16xi32>,
      %mul3A_140 = arith.constant 16 : i32
      %mul3A_141 = arith.muli %scan3A_136, %mul3A_140 : i32
      %get3A_142 = arith.index_cast %mul3A_141 : i32 to index
      %get3A_143 = tpu.vector_load %arg5[%get3A_142] {strides = array<i32>} : memref<3136xf32, #tpu.memory_space<vmem>>, vector<16xf32>,
      tpu.vector_store_idx %arg7[%get3A_139], %get3A_143 {add = true} : memref<512xf32, #tpu.memory_space<vmem>>[vector<16xi32>], vector<16xf32>,
    }
    %scan3A_133 = arith.constant 196 : i32
    %mul3A_134 = arith.constant 512 : i32
    %mul3A_135 = arith.muli %add3A, %mul3A_134 : i32
    "tpu.region"() ({
      %run_scoped3A = tpu.sem_alloc : memref<!tpu.dma_semaphore, #tpu.memory_space<semaphore_mem>>
      %dma_start3A = tpu.memref_slice %arg4[%mul3A_135] : memref<16384xf32, #tpu.memory_space<hbm>> -> memref<512xf32, #tpu.memory_space<hbm>>
      %dma_start3A_136 = tpu.memref_slice %arg4[%mul3A_135] : memref<16384xf32, #tpu.memory_space<hbm>> -> memref<512xf32, #tpu.memory_space<hbm>>
      tpu.enqueue_dma source(%arg7 : memref<512xf32, #tpu.memory_space<vmem>>) target(%dma_start3A_136 : memref<512xf32, #tpu.memory_space<hbm>>) target_semaphore(%run_scoped3A : memref<!tpu.dma_semaphore, #tpu.memory_space<semaphore_mem>>)
      %dma_wait3A = tpu.memref_slice %arg4[%mul3A_135] : memref<16384xf32, #tpu.memory_space<hbm>> -> memref<512xf32, #tpu.memory_space<hbm>>
      %dma_wait3A_137 = tpu.memref_slice %arg4[%mul3A_135] : memref<16384xf32, #tpu.memory_space<hbm>> -> memref<512xf32, #tpu.memory_space<hbm>>
      tpu.wait_dma2 semaphore(%run_scoped3A : memref<!tpu.dma_semaphore, #tpu.memory_space<semaphore_mem>>) src(%arg7 : memref<512xf32, #tpu.memory_space<vmem>>) dst(%dma_wait3A_137 : memref<512xf32, #tpu.memory_space<hbm>>)
      tpu.yield
    }) : () -> ()
    return
  }
}

#map = affine_map<(d0, d1) -> (0)>
module attributes {stable_mosaic.version = 14 : i64} {
  func.func @_sc_b2(%arg0: i32, %arg1: i32, %arg2: memref<100352xf32, #tpu.memory_space<hbm>>, %arg3: memref<100352xi32, #tpu.memory_space<hbm>>, %arg4: memref<16384xf32, #tpu.memory_space<hbm>>, %arg5: memref<512xf32, #tpu.memory_space<hbm>>, %arg6: memref<100352xf32, #tpu.memory_space<hbm>>, %arg7: memref<3136xf32, #tpu.memory_space<vmem>>, %arg8: memref<3136xi32, #tpu.memory_space<vmem>>, %arg9: memref<16384xf32, #tpu.memory_space<vmem>>, %arg10: memref<512xf32, #tpu.memory_space<vmem>>, %arg11: memref<512xf32, #tpu.memory_space<vmem>>, %arg12: memref<3136xf32, #tpu.memory_space<vmem>>) attributes {dimension_semantics = [#tpu.dimension_semantics<core_parallel>, #tpu.dimension_semantics<subcore_parallel>], iteration_bounds = array<i64: 2, 16>, scalar_prefetch = 0 : i64, scratch_operands = 6 : i64, tpu.core_type = #tpu.core_type<sc_vector_subcore>, window_params = [{transform_indices = #map}, {transform_indices = #map}, {transform_indices = #map}, {transform_indices = #map}, {transform_indices = #map}]} {
    %mul3A = arith.constant 2 : i32
    %mul3A_0 = arith.muli %arg1, %mul3A : i32
    %add3A = arith.addi %mul3A_0, %arg0 : i32
    %mul3A_1 = arith.constant 3136 : i32
    %mul3A_2 = arith.muli %add3A, %mul3A_1 : i32
    "tpu.region"() ({
      %run_scoped3A = tpu.sem_alloc : memref<!tpu.dma_semaphore, #tpu.memory_space<semaphore_mem>>
      %dma_start3A = tpu.memref_slice %arg2[%mul3A_2] : memref<100352xf32, #tpu.memory_space<hbm>> -> memref<3136xf32, #tpu.memory_space<hbm>>
      %dma_start3A_326 = tpu.memref_slice %arg2[%mul3A_2] : memref<100352xf32, #tpu.memory_space<hbm>> -> memref<3136xf32, #tpu.memory_space<hbm>>
      tpu.enqueue_dma source(%dma_start3A_326 : memref<3136xf32, #tpu.memory_space<hbm>>) target(%arg7 : memref<3136xf32, #tpu.memory_space<vmem>>) target_semaphore(%run_scoped3A : memref<!tpu.dma_semaphore, #tpu.memory_space<semaphore_mem>>)
      %dma_wait3A = tpu.memref_slice %arg2[%mul3A_2] : memref<100352xf32, #tpu.memory_space<hbm>> -> memref<3136xf32, #tpu.memory_space<hbm>>
      %dma_wait3A_327 = tpu.memref_slice %arg2[%mul3A_2] : memref<100352xf32, #tpu.memory_space<hbm>> -> memref<3136xf32, #tpu.memory_space<hbm>>
      tpu.wait_dma2 semaphore(%run_scoped3A : memref<!tpu.dma_semaphore, #tpu.memory_space<semaphore_mem>>) src(%dma_wait3A_327 : memref<3136xf32, #tpu.memory_space<hbm>>) dst(%arg7 : memref<3136xf32, #tpu.memory_space<vmem>>)
      tpu.yield
    }) : () -> ()
    "tpu.region"() ({
      %run_scoped3A = tpu.sem_alloc : memref<!tpu.dma_semaphore, #tpu.memory_space<semaphore_mem>>
      %dma_start3A = tpu.memref_slice %arg3[%mul3A_2] : memref<100352xi32, #tpu.memory_space<hbm>> -> memref<3136xi32, #tpu.memory_space<hbm>>
      %dma_start3A_326 = tpu.memref_slice %arg3[%mul3A_2] : memref<100352xi32, #tpu.memory_space<hbm>> -> memref<3136xi32, #tpu.memory_space<hbm>>
      tpu.enqueue_dma source(%dma_start3A_326 : memref<3136xi32, #tpu.memory_space<hbm>>) target(%arg8 : memref<3136xi32, #tpu.memory_space<vmem>>) target_semaphore(%run_scoped3A : memref<!tpu.dma_semaphore, #tpu.memory_space<semaphore_mem>>)
      %dma_wait3A = tpu.memref_slice %arg3[%mul3A_2] : memref<100352xi32, #tpu.memory_space<hbm>> -> memref<3136xi32, #tpu.memory_space<hbm>>
      %dma_wait3A_327 = tpu.memref_slice %arg3[%mul3A_2] : memref<100352xi32, #tpu.memory_space<hbm>> -> memref<3136xi32, #tpu.memory_space<hbm>>
      tpu.wait_dma2 semaphore(%run_scoped3A : memref<!tpu.dma_semaphore, #tpu.memory_space<semaphore_mem>>) src(%dma_wait3A_327 : memref<3136xi32, #tpu.memory_space<hbm>>) dst(%arg8 : memref<3136xi32, #tpu.memory_space<vmem>>)
      tpu.yield
    }) : () -> ()
    "tpu.region"() ({
      %run_scoped3A = tpu.sem_alloc : memref<!tpu.dma_semaphore, #tpu.memory_space<semaphore_mem>>
      tpu.enqueue_dma source(%arg4 : memref<16384xf32, #tpu.memory_space<hbm>>) target(%arg9 : memref<16384xf32, #tpu.memory_space<vmem>>) target_semaphore(%run_scoped3A : memref<!tpu.dma_semaphore, #tpu.memory_space<semaphore_mem>>)
      tpu.wait_dma2 semaphore(%run_scoped3A : memref<!tpu.dma_semaphore, #tpu.memory_space<semaphore_mem>>) src(%arg4 : memref<16384xf32, #tpu.memory_space<hbm>>) dst(%arg9 : memref<16384xf32, #tpu.memory_space<vmem>>)
      tpu.yield
    }) : () -> ()
    "tpu.region"() ({
      %run_scoped3A = tpu.sem_alloc : memref<!tpu.dma_semaphore, #tpu.memory_space<semaphore_mem>>
      tpu.enqueue_dma source(%arg5 : memref<512xf32, #tpu.memory_space<hbm>>) target(%arg11 : memref<512xf32, #tpu.memory_space<vmem>>) target_semaphore(%run_scoped3A : memref<!tpu.dma_semaphore, #tpu.memory_space<semaphore_mem>>)
      tpu.wait_dma2 semaphore(%run_scoped3A : memref<!tpu.dma_semaphore, #tpu.memory_space<semaphore_mem>>) src(%arg5 : memref<512xf32, #tpu.memory_space<hbm>>) dst(%arg11 : memref<512xf32, #tpu.memory_space<vmem>>)
      tpu.yield
    }) : () -> ()
    %broadcast_in_dim3A = arith.constant 0.000000e+00 : f32
    %broadcast_in_dim3A_3 = vector.broadcast %broadcast_in_dim3A : f32 to vector<16xf32>
    %scan3A = arith.constant 0 : i32
    %scan3A_4 = arith.constant 32 : i32
    %scan3A_5 = arith.addi %scan3A, %scan3A_4 : i32
    %scan3A_6 = arith.constant 1 : i32
    %scan3A_7 = scf.for %scan3A_326 = %scan3A to %scan3A_5 step %scan3A_6 iter_args(%scan3A_327 = %broadcast_in_dim3A_3) -> (vector<16xf32>)  : i32 {
      %mul3A_328 = arith.constant 512 : i32
      %mul3A_329 = arith.muli %scan3A_326, %mul3A_328 : i32
      %add3A_330 = arith.constant 0 : i32
      %add3A_331 = arith.addi %mul3A_329, %add3A_330 : i32
      %get3A = arith.index_cast %add3A_331 : i32 to index
      %get3A_332 = tpu.vector_load %arg9[%get3A] {strides = array<i32>} : memref<16384xf32, #tpu.memory_space<vmem>>, vector<16xf32>,
      %add3A_333 = arith.addf %scan3A_327, %get3A_332 : vector<16xf32>
      scf.yield %add3A_333 : vector<16xf32>
    }
    %scan3A_8 = arith.constant 32 : i32
    %swap3A = arith.constant 0 : index
    %swap3A_9 = tpu.vector_load %arg10[%swap3A] {strides = array<i32>} : memref<512xf32, #tpu.memory_space<vmem>>, vector<16xf32>,
    tpu.vector_store %arg10[%swap3A], %scan3A_7 {strides = array<i32>} : memref<512xf32, #tpu.memory_space<vmem>>, vector<16xf32>,
    %broadcast_in_dim3A_10 = arith.constant 0.000000e+00 : f32
    %broadcast_in_dim3A_11 = vector.broadcast %broadcast_in_dim3A_10 : f32 to vector<16xf32>
    %scan3A_12 = arith.constant 0 : i32
    %scan3A_13 = arith.constant 32 : i32
    %scan3A_14 = arith.addi %scan3A_12, %scan3A_13 : i32
    %scan3A_15 = arith.constant 1 : i32
    %scan3A_16 = scf.for %scan3A_326 = %scan3A_12 to %scan3A_14 step %scan3A_15 iter_args(%scan3A_327 = %broadcast_in_dim3A_11) -> (vector<16xf32>)  : i32 {
      %mul3A_328 = arith.constant 512 : i32
      %mul3A_329 = arith.muli %scan3A_326, %mul3A_328 : i32
      %add3A_330 = arith.constant 16 : i32
      %add3A_331 = arith.addi %mul3A_329, %add3A_330 : i32
      %get3A = arith.index_cast %add3A_331 : i32 to index
      %get3A_332 = tpu.vector_load %arg9[%get3A] {strides = array<i32>} : memref<16384xf32, #tpu.memory_space<vmem>>, vector<16xf32>,
      %add3A_333 = arith.addf %scan3A_327, %get3A_332 : vector<16xf32>
      scf.yield %add3A_333 : vector<16xf32>
    }
    %scan3A_17 = arith.constant 32 : i32
    %swap3A_18 = arith.constant 16 : index
    %swap3A_19 = tpu.vector_load %arg10[%swap3A_18] {strides = array<i32>} : memref<512xf32, #tpu.memory_space<vmem>>, vector<16xf32>,
    tpu.vector_store %arg10[%swap3A_18], %scan3A_16 {strides = array<i32>} : memref<512xf32, #tpu.memory_space<vmem>>, vector<16xf32>,
    %broadcast_in_dim3A_20 = arith.constant 0.000000e+00 : f32
    %broadcast_in_dim3A_21 = vector.broadcast %broadcast_in_dim3A_20 : f32 to vector<16xf32>
    %scan3A_22 = arith.constant 0 : i32
    %scan3A_23 = arith.constant 32 : i32
    %scan3A_24 = arith.addi %scan3A_22, %scan3A_23 : i32
    %scan3A_25 = arith.constant 1 : i32
    %scan3A_26 = scf.for %scan3A_326 = %scan3A_22 to %scan3A_24 step %scan3A_25 iter_args(%scan3A_327 = %broadcast_in_dim3A_21) -> (vector<16xf32>)  : i32 {
      %mul3A_328 = arith.constant 512 : i32
      %mul3A_329 = arith.muli %scan3A_326, %mul3A_328 : i32
      %add3A_330 = arith.constant 32 : i32
      %add3A_331 = arith.addi %mul3A_329, %add3A_330 : i32
      %get3A = arith.index_cast %add3A_331 : i32 to index
      %get3A_332 = tpu.vector_load %arg9[%get3A] {strides = array<i32>} : memref<16384xf32, #tpu.memory_space<vmem>>, vector<16xf32>,
      %add3A_333 = arith.addf %scan3A_327, %get3A_332 : vector<16xf32>
      scf.yield %add3A_333 : vector<16xf32>
    }
    %scan3A_27 = arith.constant 32 : i32
    %swap3A_28 = arith.constant 32 : index
    %swap3A_29 = tpu.vector_load %arg10[%swap3A_28] {strides = array<i32>} : memref<512xf32, #tpu.memory_space<vmem>>, vector<16xf32>,
    tpu.vector_store %arg10[%swap3A_28], %scan3A_26 {strides = array<i32>} : memref<512xf32, #tpu.memory_space<vmem>>, vector<16xf32>,
    %broadcast_in_dim3A_30 = arith.constant 0.000000e+00 : f32
    %broadcast_in_dim3A_31 = vector.broadcast %broadcast_in_dim3A_30 : f32 to vector<16xf32>
    %scan3A_32 = arith.constant 0 : i32
    %scan3A_33 = arith.constant 32 : i32
    %scan3A_34 = arith.addi %scan3A_32, %scan3A_33 : i32
    %scan3A_35 = arith.constant 1 : i32
    %scan3A_36 = scf.for %scan3A_326 = %scan3A_32 to %scan3A_34 step %scan3A_35 iter_args(%scan3A_327 = %broadcast_in_dim3A_31) -> (vector<16xf32>)  : i32 {
      %mul3A_328 = arith.constant 512 : i32
      %mul3A_329 = arith.muli %scan3A_326, %mul3A_328 : i32
      %add3A_330 = arith.constant 48 : i32
      %add3A_331 = arith.addi %mul3A_329, %add3A_330 : i32
      %get3A = arith.index_cast %add3A_331 : i32 to index
      %get3A_332 = tpu.vector_load %arg9[%get3A] {strides = array<i32>} : memref<16384xf32, #tpu.memory_space<vmem>>, vector<16xf32>,
      %add3A_333 = arith.addf %scan3A_327, %get3A_332 : vector<16xf32>
      scf.yield %add3A_333 : vector<16xf32>
    }
    %scan3A_37 = arith.constant 32 : i32
    %swap3A_38 = arith.constant 48 : index
    %swap3A_39 = tpu.vector_load %arg10[%swap3A_38] {strides = array<i32>} : memref<512xf32, #tpu.memory_space<vmem>>, vector<16xf32>,
    tpu.vector_store %arg10[%swap3A_38], %scan3A_36 {strides = array<i32>} : memref<512xf32, #tpu.memory_space<vmem>>, vector<16xf32>,
    %broadcast_in_dim3A_40 = arith.constant 0.000000e+00 : f32
    %broadcast_in_dim3A_41 = vector.broadcast %broadcast_in_dim3A_40 : f32 to vector<16xf32>
    %scan3A_42 = arith.constant 0 : i32
    %scan3A_43 = arith.constant 32 : i32
    %scan3A_44 = arith.addi %scan3A_42, %scan3A_43 : i32
    %scan3A_45 = arith.constant 1 : i32
    %scan3A_46 = scf.for %scan3A_326 = %scan3A_42 to %scan3A_44 step %scan3A_45 iter_args(%scan3A_327 = %broadcast_in_dim3A_41) -> (vector<16xf32>)  : i32 {
      %mul3A_328 = arith.constant 512 : i32
      %mul3A_329 = arith.muli %scan3A_326, %mul3A_328 : i32
      %add3A_330 = arith.constant 64 : i32
      %add3A_331 = arith.addi %mul3A_329, %add3A_330 : i32
      %get3A = arith.index_cast %add3A_331 : i32 to index
      %get3A_332 = tpu.vector_load %arg9[%get3A] {strides = array<i32>} : memref<16384xf32, #tpu.memory_space<vmem>>, vector<16xf32>,
      %add3A_333 = arith.addf %scan3A_327, %get3A_332 : vector<16xf32>
      scf.yield %add3A_333 : vector<16xf32>
    }
    %scan3A_47 = arith.constant 32 : i32
    %swap3A_48 = arith.constant 64 : index
    %swap3A_49 = tpu.vector_load %arg10[%swap3A_48] {strides = array<i32>} : memref<512xf32, #tpu.memory_space<vmem>>, vector<16xf32>,
    tpu.vector_store %arg10[%swap3A_48], %scan3A_46 {strides = array<i32>} : memref<512xf32, #tpu.memory_space<vmem>>, vector<16xf32>,
    %broadcast_in_dim3A_50 = arith.constant 0.000000e+00 : f32
    %broadcast_in_dim3A_51 = vector.broadcast %broadcast_in_dim3A_50 : f32 to vector<16xf32>
    %scan3A_52 = arith.constant 0 : i32
    %scan3A_53 = arith.constant 32 : i32
    %scan3A_54 = arith.addi %scan3A_52, %scan3A_53 : i32
    %scan3A_55 = arith.constant 1 : i32
    %scan3A_56 = scf.for %scan3A_326 = %scan3A_52 to %scan3A_54 step %scan3A_55 iter_args(%scan3A_327 = %broadcast_in_dim3A_51) -> (vector<16xf32>)  : i32 {
      %mul3A_328 = arith.constant 512 : i32
      %mul3A_329 = arith.muli %scan3A_326, %mul3A_328 : i32
      %add3A_330 = arith.constant 80 : i32
      %add3A_331 = arith.addi %mul3A_329, %add3A_330 : i32
      %get3A = arith.index_cast %add3A_331 : i32 to index
      %get3A_332 = tpu.vector_load %arg9[%get3A] {strides = array<i32>} : memref<16384xf32, #tpu.memory_space<vmem>>, vector<16xf32>,
      %add3A_333 = arith.addf %scan3A_327, %get3A_332 : vector<16xf32>
      scf.yield %add3A_333 : vector<16xf32>
    }
    %scan3A_57 = arith.constant 32 : i32
    %swap3A_58 = arith.constant 80 : index
    %swap3A_59 = tpu.vector_load %arg10[%swap3A_58] {strides = array<i32>} : memref<512xf32, #tpu.memory_space<vmem>>, vector<16xf32>,
    tpu.vector_store %arg10[%swap3A_58], %scan3A_56 {strides = array<i32>} : memref<512xf32, #tpu.memory_space<vmem>>, vector<16xf32>,
    %broadcast_in_dim3A_60 = arith.constant 0.000000e+00 : f32
    %broadcast_in_dim3A_61 = vector.broadcast %broadcast_in_dim3A_60 : f32 to vector<16xf32>
    %scan3A_62 = arith.constant 0 : i32
    %scan3A_63 = arith.constant 32 : i32
    %scan3A_64 = arith.addi %scan3A_62, %scan3A_63 : i32
    %scan3A_65 = arith.constant 1 : i32
    %scan3A_66 = scf.for %scan3A_326 = %scan3A_62 to %scan3A_64 step %scan3A_65 iter_args(%scan3A_327 = %broadcast_in_dim3A_61) -> (vector<16xf32>)  : i32 {
      %mul3A_328 = arith.constant 512 : i32
      %mul3A_329 = arith.muli %scan3A_326, %mul3A_328 : i32
      %add3A_330 = arith.constant 96 : i32
      %add3A_331 = arith.addi %mul3A_329, %add3A_330 : i32
      %get3A = arith.index_cast %add3A_331 : i32 to index
      %get3A_332 = tpu.vector_load %arg9[%get3A] {strides = array<i32>} : memref<16384xf32, #tpu.memory_space<vmem>>, vector<16xf32>,
      %add3A_333 = arith.addf %scan3A_327, %get3A_332 : vector<16xf32>
      scf.yield %add3A_333 : vector<16xf32>
    }
    %scan3A_67 = arith.constant 32 : i32
    %swap3A_68 = arith.constant 96 : index
    %swap3A_69 = tpu.vector_load %arg10[%swap3A_68] {strides = array<i32>} : memref<512xf32, #tpu.memory_space<vmem>>, vector<16xf32>,
    tpu.vector_store %arg10[%swap3A_68], %scan3A_66 {strides = array<i32>} : memref<512xf32, #tpu.memory_space<vmem>>, vector<16xf32>,
    %broadcast_in_dim3A_70 = arith.constant 0.000000e+00 : f32
    %broadcast_in_dim3A_71 = vector.broadcast %broadcast_in_dim3A_70 : f32 to vector<16xf32>
    %scan3A_72 = arith.constant 0 : i32
    %scan3A_73 = arith.constant 32 : i32
    %scan3A_74 = arith.addi %scan3A_72, %scan3A_73 : i32
    %scan3A_75 = arith.constant 1 : i32
    %scan3A_76 = scf.for %scan3A_326 = %scan3A_72 to %scan3A_74 step %scan3A_75 iter_args(%scan3A_327 = %broadcast_in_dim3A_71) -> (vector<16xf32>)  : i32 {
      %mul3A_328 = arith.constant 512 : i32
      %mul3A_329 = arith.muli %scan3A_326, %mul3A_328 : i32
      %add3A_330 = arith.constant 112 : i32
      %add3A_331 = arith.addi %mul3A_329, %add3A_330 : i32
      %get3A = arith.index_cast %add3A_331 : i32 to index
      %get3A_332 = tpu.vector_load %arg9[%get3A] {strides = array<i32>} : memref<16384xf32, #tpu.memory_space<vmem>>, vector<16xf32>,
      %add3A_333 = arith.addf %scan3A_327, %get3A_332 : vector<16xf32>
      scf.yield %add3A_333 : vector<16xf32>
    }
    %scan3A_77 = arith.constant 32 : i32
    %swap3A_78 = arith.constant 112 : index
    %swap3A_79 = tpu.vector_load %arg10[%swap3A_78] {strides = array<i32>} : memref<512xf32, #tpu.memory_space<vmem>>, vector<16xf32>,
    tpu.vector_store %arg10[%swap3A_78], %scan3A_76 {strides = array<i32>} : memref<512xf32, #tpu.memory_space<vmem>>, vector<16xf32>,
    %broadcast_in_dim3A_80 = arith.constant 0.000000e+00 : f32
    %broadcast_in_dim3A_81 = vector.broadcast %broadcast_in_dim3A_80 : f32 to vector<16xf32>
    %scan3A_82 = arith.constant 0 : i32
    %scan3A_83 = arith.constant 32 : i32
    %scan3A_84 = arith.addi %scan3A_82, %scan3A_83 : i32
    %scan3A_85 = arith.constant 1 : i32
    %scan3A_86 = scf.for %scan3A_326 = %scan3A_82 to %scan3A_84 step %scan3A_85 iter_args(%scan3A_327 = %broadcast_in_dim3A_81) -> (vector<16xf32>)  : i32 {
      %mul3A_328 = arith.constant 512 : i32
      %mul3A_329 = arith.muli %scan3A_326, %mul3A_328 : i32
      %add3A_330 = arith.constant 128 : i32
      %add3A_331 = arith.addi %mul3A_329, %add3A_330 : i32
      %get3A = arith.index_cast %add3A_331 : i32 to index
      %get3A_332 = tpu.vector_load %arg9[%get3A] {strides = array<i32>} : memref<16384xf32, #tpu.memory_space<vmem>>, vector<16xf32>,
      %add3A_333 = arith.addf %scan3A_327, %get3A_332 : vector<16xf32>
      scf.yield %add3A_333 : vector<16xf32>
    }
    %scan3A_87 = arith.constant 32 : i32
    %swap3A_88 = arith.constant 128 : index
    %swap3A_89 = tpu.vector_load %arg10[%swap3A_88] {strides = array<i32>} : memref<512xf32, #tpu.memory_space<vmem>>, vector<16xf32>,
    tpu.vector_store %arg10[%swap3A_88], %scan3A_86 {strides = array<i32>} : memref<512xf32, #tpu.memory_space<vmem>>, vector<16xf32>,
    %broadcast_in_dim3A_90 = arith.constant 0.000000e+00 : f32
    %broadcast_in_dim3A_91 = vector.broadcast %broadcast_in_dim3A_90 : f32 to vector<16xf32>
    %scan3A_92 = arith.constant 0 : i32
    %scan3A_93 = arith.constant 32 : i32
    %scan3A_94 = arith.addi %scan3A_92, %scan3A_93 : i32
    %scan3A_95 = arith.constant 1 : i32
    %scan3A_96 = scf.for %scan3A_326 = %scan3A_92 to %scan3A_94 step %scan3A_95 iter_args(%scan3A_327 = %broadcast_in_dim3A_91) -> (vector<16xf32>)  : i32 {
      %mul3A_328 = arith.constant 512 : i32
      %mul3A_329 = arith.muli %scan3A_326, %mul3A_328 : i32
      %add3A_330 = arith.constant 144 : i32
      %add3A_331 = arith.addi %mul3A_329, %add3A_330 : i32
      %get3A = arith.index_cast %add3A_331 : i32 to index
      %get3A_332 = tpu.vector_load %arg9[%get3A] {strides = array<i32>} : memref<16384xf32, #tpu.memory_space<vmem>>, vector<16xf32>,
      %add3A_333 = arith.addf %scan3A_327, %get3A_332 : vector<16xf32>
      scf.yield %add3A_333 : vector<16xf32>
    }
    %scan3A_97 = arith.constant 32 : i32
    %swap3A_98 = arith.constant 144 : index
    %swap3A_99 = tpu.vector_load %arg10[%swap3A_98] {strides = array<i32>} : memref<512xf32, #tpu.memory_space<vmem>>, vector<16xf32>,
    tpu.vector_store %arg10[%swap3A_98], %scan3A_96 {strides = array<i32>} : memref<512xf32, #tpu.memory_space<vmem>>, vector<16xf32>,
    %broadcast_in_dim3A_100 = arith.constant 0.000000e+00 : f32
    %broadcast_in_dim3A_101 = vector.broadcast %broadcast_in_dim3A_100 : f32 to vector<16xf32>
    %scan3A_102 = arith.constant 0 : i32
    %scan3A_103 = arith.constant 32 : i32
    %scan3A_104 = arith.addi %scan3A_102, %scan3A_103 : i32
    %scan3A_105 = arith.constant 1 : i32
    %scan3A_106 = scf.for %scan3A_326 = %scan3A_102 to %scan3A_104 step %scan3A_105 iter_args(%scan3A_327 = %broadcast_in_dim3A_101) -> (vector<16xf32>)  : i32 {
      %mul3A_328 = arith.constant 512 : i32
      %mul3A_329 = arith.muli %scan3A_326, %mul3A_328 : i32
      %add3A_330 = arith.constant 160 : i32
      %add3A_331 = arith.addi %mul3A_329, %add3A_330 : i32
      %get3A = arith.index_cast %add3A_331 : i32 to index
      %get3A_332 = tpu.vector_load %arg9[%get3A] {strides = array<i32>} : memref<16384xf32, #tpu.memory_space<vmem>>, vector<16xf32>,
      %add3A_333 = arith.addf %scan3A_327, %get3A_332 : vector<16xf32>
      scf.yield %add3A_333 : vector<16xf32>
    }
    %scan3A_107 = arith.constant 32 : i32
    %swap3A_108 = arith.constant 160 : index
    %swap3A_109 = tpu.vector_load %arg10[%swap3A_108] {strides = array<i32>} : memref<512xf32, #tpu.memory_space<vmem>>, vector<16xf32>,
    tpu.vector_store %arg10[%swap3A_108], %scan3A_106 {strides = array<i32>} : memref<512xf32, #tpu.memory_space<vmem>>, vector<16xf32>,
    %broadcast_in_dim3A_110 = arith.constant 0.000000e+00 : f32
    %broadcast_in_dim3A_111 = vector.broadcast %broadcast_in_dim3A_110 : f32 to vector<16xf32>
    %scan3A_112 = arith.constant 0 : i32
    %scan3A_113 = arith.constant 32 : i32
    %scan3A_114 = arith.addi %scan3A_112, %scan3A_113 : i32
    %scan3A_115 = arith.constant 1 : i32
    %scan3A_116 = scf.for %scan3A_326 = %scan3A_112 to %scan3A_114 step %scan3A_115 iter_args(%scan3A_327 = %broadcast_in_dim3A_111) -> (vector<16xf32>)  : i32 {
      %mul3A_328 = arith.constant 512 : i32
      %mul3A_329 = arith.muli %scan3A_326, %mul3A_328 : i32
      %add3A_330 = arith.constant 176 : i32
      %add3A_331 = arith.addi %mul3A_329, %add3A_330 : i32
      %get3A = arith.index_cast %add3A_331 : i32 to index
      %get3A_332 = tpu.vector_load %arg9[%get3A] {strides = array<i32>} : memref<16384xf32, #tpu.memory_space<vmem>>, vector<16xf32>,
      %add3A_333 = arith.addf %scan3A_327, %get3A_332 : vector<16xf32>
      scf.yield %add3A_333 : vector<16xf32>
    }
    %scan3A_117 = arith.constant 32 : i32
    %swap3A_118 = arith.constant 176 : index
    %swap3A_119 = tpu.vector_load %arg10[%swap3A_118] {strides = array<i32>} : memref<512xf32, #tpu.memory_space<vmem>>, vector<16xf32>,
    tpu.vector_store %arg10[%swap3A_118], %scan3A_116 {strides = array<i32>} : memref<512xf32, #tpu.memory_space<vmem>>, vector<16xf32>,
    %broadcast_in_dim3A_120 = arith.constant 0.000000e+00 : f32
    %broadcast_in_dim3A_121 = vector.broadcast %broadcast_in_dim3A_120 : f32 to vector<16xf32>
    %scan3A_122 = arith.constant 0 : i32
    %scan3A_123 = arith.constant 32 : i32
    %scan3A_124 = arith.addi %scan3A_122, %scan3A_123 : i32
    %scan3A_125 = arith.constant 1 : i32
    %scan3A_126 = scf.for %scan3A_326 = %scan3A_122 to %scan3A_124 step %scan3A_125 iter_args(%scan3A_327 = %broadcast_in_dim3A_121) -> (vector<16xf32>)  : i32 {
      %mul3A_328 = arith.constant 512 : i32
      %mul3A_329 = arith.muli %scan3A_326, %mul3A_328 : i32
      %add3A_330 = arith.constant 192 : i32
      %add3A_331 = arith.addi %mul3A_329, %add3A_330 : i32
      %get3A = arith.index_cast %add3A_331 : i32 to index
      %get3A_332 = tpu.vector_load %arg9[%get3A] {strides = array<i32>} : memref<16384xf32, #tpu.memory_space<vmem>>, vector<16xf32>,
      %add3A_333 = arith.addf %scan3A_327, %get3A_332 : vector<16xf32>
      scf.yield %add3A_333 : vector<16xf32>
    }
    %scan3A_127 = arith.constant 32 : i32
    %swap3A_128 = arith.constant 192 : index
    %swap3A_129 = tpu.vector_load %arg10[%swap3A_128] {strides = array<i32>} : memref<512xf32, #tpu.memory_space<vmem>>, vector<16xf32>,
    tpu.vector_store %arg10[%swap3A_128], %scan3A_126 {strides = array<i32>} : memref<512xf32, #tpu.memory_space<vmem>>, vector<16xf32>,
    %broadcast_in_dim3A_130 = arith.constant 0.000000e+00 : f32
    %broadcast_in_dim3A_131 = vector.broadcast %broadcast_in_dim3A_130 : f32 to vector<16xf32>
    %scan3A_132 = arith.constant 0 : i32
    %scan3A_133 = arith.constant 32 : i32
    %scan3A_134 = arith.addi %scan3A_132, %scan3A_133 : i32
    %scan3A_135 = arith.constant 1 : i32
    %scan3A_136 = scf.for %scan3A_326 = %scan3A_132 to %scan3A_134 step %scan3A_135 iter_args(%scan3A_327 = %broadcast_in_dim3A_131) -> (vector<16xf32>)  : i32 {
      %mul3A_328 = arith.constant 512 : i32
      %mul3A_329 = arith.muli %scan3A_326, %mul3A_328 : i32
      %add3A_330 = arith.constant 208 : i32
      %add3A_331 = arith.addi %mul3A_329, %add3A_330 : i32
      %get3A = arith.index_cast %add3A_331 : i32 to index
      %get3A_332 = tpu.vector_load %arg9[%get3A] {strides = array<i32>} : memref<16384xf32, #tpu.memory_space<vmem>>, vector<16xf32>,
      %add3A_333 = arith.addf %scan3A_327, %get3A_332 : vector<16xf32>
      scf.yield %add3A_333 : vector<16xf32>
    }
    %scan3A_137 = arith.constant 32 : i32
    %swap3A_138 = arith.constant 208 : index
    %swap3A_139 = tpu.vector_load %arg10[%swap3A_138] {strides = array<i32>} : memref<512xf32, #tpu.memory_space<vmem>>, vector<16xf32>,
    tpu.vector_store %arg10[%swap3A_138], %scan3A_136 {strides = array<i32>} : memref<512xf32, #tpu.memory_space<vmem>>, vector<16xf32>,
    %broadcast_in_dim3A_140 = arith.constant 0.000000e+00 : f32
    %broadcast_in_dim3A_141 = vector.broadcast %broadcast_in_dim3A_140 : f32 to vector<16xf32>
    %scan3A_142 = arith.constant 0 : i32
    %scan3A_143 = arith.constant 32 : i32
    %scan3A_144 = arith.addi %scan3A_142, %scan3A_143 : i32
    %scan3A_145 = arith.constant 1 : i32
    %scan3A_146 = scf.for %scan3A_326 = %scan3A_142 to %scan3A_144 step %scan3A_145 iter_args(%scan3A_327 = %broadcast_in_dim3A_141) -> (vector<16xf32>)  : i32 {
      %mul3A_328 = arith.constant 512 : i32
      %mul3A_329 = arith.muli %scan3A_326, %mul3A_328 : i32
      %add3A_330 = arith.constant 224 : i32
      %add3A_331 = arith.addi %mul3A_329, %add3A_330 : i32
      %get3A = arith.index_cast %add3A_331 : i32 to index
      %get3A_332 = tpu.vector_load %arg9[%get3A] {strides = array<i32>} : memref<16384xf32, #tpu.memory_space<vmem>>, vector<16xf32>,
      %add3A_333 = arith.addf %scan3A_327, %get3A_332 : vector<16xf32>
      scf.yield %add3A_333 : vector<16xf32>
    }
    %scan3A_147 = arith.constant 32 : i32
    %swap3A_148 = arith.constant 224 : index
    %swap3A_149 = tpu.vector_load %arg10[%swap3A_148] {strides = array<i32>} : memref<512xf32, #tpu.memory_space<vmem>>, vector<16xf32>,
    tpu.vector_store %arg10[%swap3A_148], %scan3A_146 {strides = array<i32>} : memref<512xf32, #tpu.memory_space<vmem>>, vector<16xf32>,
    %broadcast_in_dim3A_150 = arith.constant 0.000000e+00 : f32
    %broadcast_in_dim3A_151 = vector.broadcast %broadcast_in_dim3A_150 : f32 to vector<16xf32>
    %scan3A_152 = arith.constant 0 : i32
    %scan3A_153 = arith.constant 32 : i32
    %scan3A_154 = arith.addi %scan3A_152, %scan3A_153 : i32
    %scan3A_155 = arith.constant 1 : i32
    %scan3A_156 = scf.for %scan3A_326 = %scan3A_152 to %scan3A_154 step %scan3A_155 iter_args(%scan3A_327 = %broadcast_in_dim3A_151) -> (vector<16xf32>)  : i32 {
      %mul3A_328 = arith.constant 512 : i32
      %mul3A_329 = arith.muli %scan3A_326, %mul3A_328 : i32
      %add3A_330 = arith.constant 240 : i32
      %add3A_331 = arith.addi %mul3A_329, %add3A_330 : i32
      %get3A = arith.index_cast %add3A_331 : i32 to index
      %get3A_332 = tpu.vector_load %arg9[%get3A] {strides = array<i32>} : memref<16384xf32, #tpu.memory_space<vmem>>, vector<16xf32>,
      %add3A_333 = arith.addf %scan3A_327, %get3A_332 : vector<16xf32>
      scf.yield %add3A_333 : vector<16xf32>
    }
    %scan3A_157 = arith.constant 32 : i32
    %swap3A_158 = arith.constant 240 : index
    %swap3A_159 = tpu.vector_load %arg10[%swap3A_158] {strides = array<i32>} : memref<512xf32, #tpu.memory_space<vmem>>, vector<16xf32>,
    tpu.vector_store %arg10[%swap3A_158], %scan3A_156 {strides = array<i32>} : memref<512xf32, #tpu.memory_space<vmem>>, vector<16xf32>,
    %broadcast_in_dim3A_160 = arith.constant 0.000000e+00 : f32
    %broadcast_in_dim3A_161 = vector.broadcast %broadcast_in_dim3A_160 : f32 to vector<16xf32>
    %scan3A_162 = arith.constant 0 : i32
    %scan3A_163 = arith.constant 32 : i32
    %scan3A_164 = arith.addi %scan3A_162, %scan3A_163 : i32
    %scan3A_165 = arith.constant 1 : i32
    %scan3A_166 = scf.for %scan3A_326 = %scan3A_162 to %scan3A_164 step %scan3A_165 iter_args(%scan3A_327 = %broadcast_in_dim3A_161) -> (vector<16xf32>)  : i32 {
      %mul3A_328 = arith.constant 512 : i32
      %mul3A_329 = arith.muli %scan3A_326, %mul3A_328 : i32
      %add3A_330 = arith.constant 256 : i32
      %add3A_331 = arith.addi %mul3A_329, %add3A_330 : i32
      %get3A = arith.index_cast %add3A_331 : i32 to index
      %get3A_332 = tpu.vector_load %arg9[%get3A] {strides = array<i32>} : memref<16384xf32, #tpu.memory_space<vmem>>, vector<16xf32>,
      %add3A_333 = arith.addf %scan3A_327, %get3A_332 : vector<16xf32>
      scf.yield %add3A_333 : vector<16xf32>
    }
    %scan3A_167 = arith.constant 32 : i32
    %swap3A_168 = arith.constant 256 : index
    %swap3A_169 = tpu.vector_load %arg10[%swap3A_168] {strides = array<i32>} : memref<512xf32, #tpu.memory_space<vmem>>, vector<16xf32>,
    tpu.vector_store %arg10[%swap3A_168], %scan3A_166 {strides = array<i32>} : memref<512xf32, #tpu.memory_space<vmem>>, vector<16xf32>,
    %broadcast_in_dim3A_170 = arith.constant 0.000000e+00 : f32
    %broadcast_in_dim3A_171 = vector.broadcast %broadcast_in_dim3A_170 : f32 to vector<16xf32>
    %scan3A_172 = arith.constant 0 : i32
    %scan3A_173 = arith.constant 32 : i32
    %scan3A_174 = arith.addi %scan3A_172, %scan3A_173 : i32
    %scan3A_175 = arith.constant 1 : i32
    %scan3A_176 = scf.for %scan3A_326 = %scan3A_172 to %scan3A_174 step %scan3A_175 iter_args(%scan3A_327 = %broadcast_in_dim3A_171) -> (vector<16xf32>)  : i32 {
      %mul3A_328 = arith.constant 512 : i32
      %mul3A_329 = arith.muli %scan3A_326, %mul3A_328 : i32
      %add3A_330 = arith.constant 272 : i32
      %add3A_331 = arith.addi %mul3A_329, %add3A_330 : i32
      %get3A = arith.index_cast %add3A_331 : i32 to index
      %get3A_332 = tpu.vector_load %arg9[%get3A] {strides = array<i32>} : memref<16384xf32, #tpu.memory_space<vmem>>, vector<16xf32>,
      %add3A_333 = arith.addf %scan3A_327, %get3A_332 : vector<16xf32>
      scf.yield %add3A_333 : vector<16xf32>
    }
    %scan3A_177 = arith.constant 32 : i32
    %swap3A_178 = arith.constant 272 : index
    %swap3A_179 = tpu.vector_load %arg10[%swap3A_178] {strides = array<i32>} : memref<512xf32, #tpu.memory_space<vmem>>, vector<16xf32>,
    tpu.vector_store %arg10[%swap3A_178], %scan3A_176 {strides = array<i32>} : memref<512xf32, #tpu.memory_space<vmem>>, vector<16xf32>,
    %broadcast_in_dim3A_180 = arith.constant 0.000000e+00 : f32
    %broadcast_in_dim3A_181 = vector.broadcast %broadcast_in_dim3A_180 : f32 to vector<16xf32>
    %scan3A_182 = arith.constant 0 : i32
    %scan3A_183 = arith.constant 32 : i32
    %scan3A_184 = arith.addi %scan3A_182, %scan3A_183 : i32
    %scan3A_185 = arith.constant 1 : i32
    %scan3A_186 = scf.for %scan3A_326 = %scan3A_182 to %scan3A_184 step %scan3A_185 iter_args(%scan3A_327 = %broadcast_in_dim3A_181) -> (vector<16xf32>)  : i32 {
      %mul3A_328 = arith.constant 512 : i32
      %mul3A_329 = arith.muli %scan3A_326, %mul3A_328 : i32
      %add3A_330 = arith.constant 288 : i32
      %add3A_331 = arith.addi %mul3A_329, %add3A_330 : i32
      %get3A = arith.index_cast %add3A_331 : i32 to index
      %get3A_332 = tpu.vector_load %arg9[%get3A] {strides = array<i32>} : memref<16384xf32, #tpu.memory_space<vmem>>, vector<16xf32>,
      %add3A_333 = arith.addf %scan3A_327, %get3A_332 : vector<16xf32>
      scf.yield %add3A_333 : vector<16xf32>
    }
    %scan3A_187 = arith.constant 32 : i32
    %swap3A_188 = arith.constant 288 : index
    %swap3A_189 = tpu.vector_load %arg10[%swap3A_188] {strides = array<i32>} : memref<512xf32, #tpu.memory_space<vmem>>, vector<16xf32>,
    tpu.vector_store %arg10[%swap3A_188], %scan3A_186 {strides = array<i32>} : memref<512xf32, #tpu.memory_space<vmem>>, vector<16xf32>,
    %broadcast_in_dim3A_190 = arith.constant 0.000000e+00 : f32
    %broadcast_in_dim3A_191 = vector.broadcast %broadcast_in_dim3A_190 : f32 to vector<16xf32>
    %scan3A_192 = arith.constant 0 : i32
    %scan3A_193 = arith.constant 32 : i32
    %scan3A_194 = arith.addi %scan3A_192, %scan3A_193 : i32
    %scan3A_195 = arith.constant 1 : i32
    %scan3A_196 = scf.for %scan3A_326 = %scan3A_192 to %scan3A_194 step %scan3A_195 iter_args(%scan3A_327 = %broadcast_in_dim3A_191) -> (vector<16xf32>)  : i32 {
      %mul3A_328 = arith.constant 512 : i32
      %mul3A_329 = arith.muli %scan3A_326, %mul3A_328 : i32
      %add3A_330 = arith.constant 304 : i32
      %add3A_331 = arith.addi %mul3A_329, %add3A_330 : i32
      %get3A = arith.index_cast %add3A_331 : i32 to index
      %get3A_332 = tpu.vector_load %arg9[%get3A] {strides = array<i32>} : memref<16384xf32, #tpu.memory_space<vmem>>, vector<16xf32>,
      %add3A_333 = arith.addf %scan3A_327, %get3A_332 : vector<16xf32>
      scf.yield %add3A_333 : vector<16xf32>
    }
    %scan3A_197 = arith.constant 32 : i32
    %swap3A_198 = arith.constant 304 : index
    %swap3A_199 = tpu.vector_load %arg10[%swap3A_198] {strides = array<i32>} : memref<512xf32, #tpu.memory_space<vmem>>, vector<16xf32>,
    tpu.vector_store %arg10[%swap3A_198], %scan3A_196 {strides = array<i32>} : memref<512xf32, #tpu.memory_space<vmem>>, vector<16xf32>,
    %broadcast_in_dim3A_200 = arith.constant 0.000000e+00 : f32
    %broadcast_in_dim3A_201 = vector.broadcast %broadcast_in_dim3A_200 : f32 to vector<16xf32>
    %scan3A_202 = arith.constant 0 : i32
    %scan3A_203 = arith.constant 32 : i32
    %scan3A_204 = arith.addi %scan3A_202, %scan3A_203 : i32
    %scan3A_205 = arith.constant 1 : i32
    %scan3A_206 = scf.for %scan3A_326 = %scan3A_202 to %scan3A_204 step %scan3A_205 iter_args(%scan3A_327 = %broadcast_in_dim3A_201) -> (vector<16xf32>)  : i32 {
      %mul3A_328 = arith.constant 512 : i32
      %mul3A_329 = arith.muli %scan3A_326, %mul3A_328 : i32
      %add3A_330 = arith.constant 320 : i32
      %add3A_331 = arith.addi %mul3A_329, %add3A_330 : i32
      %get3A = arith.index_cast %add3A_331 : i32 to index
      %get3A_332 = tpu.vector_load %arg9[%get3A] {strides = array<i32>} : memref<16384xf32, #tpu.memory_space<vmem>>, vector<16xf32>,
      %add3A_333 = arith.addf %scan3A_327, %get3A_332 : vector<16xf32>
      scf.yield %add3A_333 : vector<16xf32>
    }
    %scan3A_207 = arith.constant 32 : i32
    %swap3A_208 = arith.constant 320 : index
    %swap3A_209 = tpu.vector_load %arg10[%swap3A_208] {strides = array<i32>} : memref<512xf32, #tpu.memory_space<vmem>>, vector<16xf32>,
    tpu.vector_store %arg10[%swap3A_208], %scan3A_206 {strides = array<i32>} : memref<512xf32, #tpu.memory_space<vmem>>, vector<16xf32>,
    %broadcast_in_dim3A_210 = arith.constant 0.000000e+00 : f32
    %broadcast_in_dim3A_211 = vector.broadcast %broadcast_in_dim3A_210 : f32 to vector<16xf32>
    %scan3A_212 = arith.constant 0 : i32
    %scan3A_213 = arith.constant 32 : i32
    %scan3A_214 = arith.addi %scan3A_212, %scan3A_213 : i32
    %scan3A_215 = arith.constant 1 : i32
    %scan3A_216 = scf.for %scan3A_326 = %scan3A_212 to %scan3A_214 step %scan3A_215 iter_args(%scan3A_327 = %broadcast_in_dim3A_211) -> (vector<16xf32>)  : i32 {
      %mul3A_328 = arith.constant 512 : i32
      %mul3A_329 = arith.muli %scan3A_326, %mul3A_328 : i32
      %add3A_330 = arith.constant 336 : i32
      %add3A_331 = arith.addi %mul3A_329, %add3A_330 : i32
      %get3A = arith.index_cast %add3A_331 : i32 to index
      %get3A_332 = tpu.vector_load %arg9[%get3A] {strides = array<i32>} : memref<16384xf32, #tpu.memory_space<vmem>>, vector<16xf32>,
      %add3A_333 = arith.addf %scan3A_327, %get3A_332 : vector<16xf32>
      scf.yield %add3A_333 : vector<16xf32>
    }
    %scan3A_217 = arith.constant 32 : i32
    %swap3A_218 = arith.constant 336 : index
    %swap3A_219 = tpu.vector_load %arg10[%swap3A_218] {strides = array<i32>} : memref<512xf32, #tpu.memory_space<vmem>>, vector<16xf32>,
    tpu.vector_store %arg10[%swap3A_218], %scan3A_216 {strides = array<i32>} : memref<512xf32, #tpu.memory_space<vmem>>, vector<16xf32>,
    %broadcast_in_dim3A_220 = arith.constant 0.000000e+00 : f32
    %broadcast_in_dim3A_221 = vector.broadcast %broadcast_in_dim3A_220 : f32 to vector<16xf32>
    %scan3A_222 = arith.constant 0 : i32
    %scan3A_223 = arith.constant 32 : i32
    %scan3A_224 = arith.addi %scan3A_222, %scan3A_223 : i32
    %scan3A_225 = arith.constant 1 : i32
    %scan3A_226 = scf.for %scan3A_326 = %scan3A_222 to %scan3A_224 step %scan3A_225 iter_args(%scan3A_327 = %broadcast_in_dim3A_221) -> (vector<16xf32>)  : i32 {
      %mul3A_328 = arith.constant 512 : i32
      %mul3A_329 = arith.muli %scan3A_326, %mul3A_328 : i32
      %add3A_330 = arith.constant 352 : i32
      %add3A_331 = arith.addi %mul3A_329, %add3A_330 : i32
      %get3A = arith.index_cast %add3A_331 : i32 to index
      %get3A_332 = tpu.vector_load %arg9[%get3A] {strides = array<i32>} : memref<16384xf32, #tpu.memory_space<vmem>>, vector<16xf32>,
      %add3A_333 = arith.addf %scan3A_327, %get3A_332 : vector<16xf32>
      scf.yield %add3A_333 : vector<16xf32>
    }
    %scan3A_227 = arith.constant 32 : i32
    %swap3A_228 = arith.constant 352 : index
    %swap3A_229 = tpu.vector_load %arg10[%swap3A_228] {strides = array<i32>} : memref<512xf32, #tpu.memory_space<vmem>>, vector<16xf32>,
    tpu.vector_store %arg10[%swap3A_228], %scan3A_226 {strides = array<i32>} : memref<512xf32, #tpu.memory_space<vmem>>, vector<16xf32>,
    %broadcast_in_dim3A_230 = arith.constant 0.000000e+00 : f32
    %broadcast_in_dim3A_231 = vector.broadcast %broadcast_in_dim3A_230 : f32 to vector<16xf32>
    %scan3A_232 = arith.constant 0 : i32
    %scan3A_233 = arith.constant 32 : i32
    %scan3A_234 = arith.addi %scan3A_232, %scan3A_233 : i32
    %scan3A_235 = arith.constant 1 : i32
    %scan3A_236 = scf.for %scan3A_326 = %scan3A_232 to %scan3A_234 step %scan3A_235 iter_args(%scan3A_327 = %broadcast_in_dim3A_231) -> (vector<16xf32>)  : i32 {
      %mul3A_328 = arith.constant 512 : i32
      %mul3A_329 = arith.muli %scan3A_326, %mul3A_328 : i32
      %add3A_330 = arith.constant 368 : i32
      %add3A_331 = arith.addi %mul3A_329, %add3A_330 : i32
      %get3A = arith.index_cast %add3A_331 : i32 to index
      %get3A_332 = tpu.vector_load %arg9[%get3A] {strides = array<i32>} : memref<16384xf32, #tpu.memory_space<vmem>>, vector<16xf32>,
      %add3A_333 = arith.addf %scan3A_327, %get3A_332 : vector<16xf32>
      scf.yield %add3A_333 : vector<16xf32>
    }
    %scan3A_237 = arith.constant 32 : i32
    %swap3A_238 = arith.constant 368 : index
    %swap3A_239 = tpu.vector_load %arg10[%swap3A_238] {strides = array<i32>} : memref<512xf32, #tpu.memory_space<vmem>>, vector<16xf32>,
    tpu.vector_store %arg10[%swap3A_238], %scan3A_236 {strides = array<i32>} : memref<512xf32, #tpu.memory_space<vmem>>, vector<16xf32>,
    %broadcast_in_dim3A_240 = arith.constant 0.000000e+00 : f32
    %broadcast_in_dim3A_241 = vector.broadcast %broadcast_in_dim3A_240 : f32 to vector<16xf32>
    %scan3A_242 = arith.constant 0 : i32
    %scan3A_243 = arith.constant 32 : i32
    %scan3A_244 = arith.addi %scan3A_242, %scan3A_243 : i32
    %scan3A_245 = arith.constant 1 : i32
    %scan3A_246 = scf.for %scan3A_326 = %scan3A_242 to %scan3A_244 step %scan3A_245 iter_args(%scan3A_327 = %broadcast_in_dim3A_241) -> (vector<16xf32>)  : i32 {
      %mul3A_328 = arith.constant 512 : i32
      %mul3A_329 = arith.muli %scan3A_326, %mul3A_328 : i32
      %add3A_330 = arith.constant 384 : i32
      %add3A_331 = arith.addi %mul3A_329, %add3A_330 : i32
      %get3A = arith.index_cast %add3A_331 : i32 to index
      %get3A_332 = tpu.vector_load %arg9[%get3A] {strides = array<i32>} : memref<16384xf32, #tpu.memory_space<vmem>>, vector<16xf32>,
      %add3A_333 = arith.addf %scan3A_327, %get3A_332 : vector<16xf32>
      scf.yield %add3A_333 : vector<16xf32>
    }
    %scan3A_247 = arith.constant 32 : i32
    %swap3A_248 = arith.constant 384 : index
    %swap3A_249 = tpu.vector_load %arg10[%swap3A_248] {strides = array<i32>} : memref<512xf32, #tpu.memory_space<vmem>>, vector<16xf32>,
    tpu.vector_store %arg10[%swap3A_248], %scan3A_246 {strides = array<i32>} : memref<512xf32, #tpu.memory_space<vmem>>, vector<16xf32>,
    %broadcast_in_dim3A_250 = arith.constant 0.000000e+00 : f32
    %broadcast_in_dim3A_251 = vector.broadcast %broadcast_in_dim3A_250 : f32 to vector<16xf32>
    %scan3A_252 = arith.constant 0 : i32
    %scan3A_253 = arith.constant 32 : i32
    %scan3A_254 = arith.addi %scan3A_252, %scan3A_253 : i32
    %scan3A_255 = arith.constant 1 : i32
    %scan3A_256 = scf.for %scan3A_326 = %scan3A_252 to %scan3A_254 step %scan3A_255 iter_args(%scan3A_327 = %broadcast_in_dim3A_251) -> (vector<16xf32>)  : i32 {
      %mul3A_328 = arith.constant 512 : i32
      %mul3A_329 = arith.muli %scan3A_326, %mul3A_328 : i32
      %add3A_330 = arith.constant 400 : i32
      %add3A_331 = arith.addi %mul3A_329, %add3A_330 : i32
      %get3A = arith.index_cast %add3A_331 : i32 to index
      %get3A_332 = tpu.vector_load %arg9[%get3A] {strides = array<i32>} : memref<16384xf32, #tpu.memory_space<vmem>>, vector<16xf32>,
      %add3A_333 = arith.addf %scan3A_327, %get3A_332 : vector<16xf32>
      scf.yield %add3A_333 : vector<16xf32>
    }
    %scan3A_257 = arith.constant 32 : i32
    %swap3A_258 = arith.constant 400 : index
    %swap3A_259 = tpu.vector_load %arg10[%swap3A_258] {strides = array<i32>} : memref<512xf32, #tpu.memory_space<vmem>>, vector<16xf32>,
    tpu.vector_store %arg10[%swap3A_258], %scan3A_256 {strides = array<i32>} : memref<512xf32, #tpu.memory_space<vmem>>, vector<16xf32>,
    %broadcast_in_dim3A_260 = arith.constant 0.000000e+00 : f32
    %broadcast_in_dim3A_261 = vector.broadcast %broadcast_in_dim3A_260 : f32 to vector<16xf32>
    %scan3A_262 = arith.constant 0 : i32
    %scan3A_263 = arith.constant 32 : i32
    %scan3A_264 = arith.addi %scan3A_262, %scan3A_263 : i32
    %scan3A_265 = arith.constant 1 : i32
    %scan3A_266 = scf.for %scan3A_326 = %scan3A_262 to %scan3A_264 step %scan3A_265 iter_args(%scan3A_327 = %broadcast_in_dim3A_261) -> (vector<16xf32>)  : i32 {
      %mul3A_328 = arith.constant 512 : i32
      %mul3A_329 = arith.muli %scan3A_326, %mul3A_328 : i32
      %add3A_330 = arith.constant 416 : i32
      %add3A_331 = arith.addi %mul3A_329, %add3A_330 : i32
      %get3A = arith.index_cast %add3A_331 : i32 to index
      %get3A_332 = tpu.vector_load %arg9[%get3A] {strides = array<i32>} : memref<16384xf32, #tpu.memory_space<vmem>>, vector<16xf32>,
      %add3A_333 = arith.addf %scan3A_327, %get3A_332 : vector<16xf32>
      scf.yield %add3A_333 : vector<16xf32>
    }
    %scan3A_267 = arith.constant 32 : i32
    %swap3A_268 = arith.constant 416 : index
    %swap3A_269 = tpu.vector_load %arg10[%swap3A_268] {strides = array<i32>} : memref<512xf32, #tpu.memory_space<vmem>>, vector<16xf32>,
    tpu.vector_store %arg10[%swap3A_268], %scan3A_266 {strides = array<i32>} : memref<512xf32, #tpu.memory_space<vmem>>, vector<16xf32>,
    %broadcast_in_dim3A_270 = arith.constant 0.000000e+00 : f32
    %broadcast_in_dim3A_271 = vector.broadcast %broadcast_in_dim3A_270 : f32 to vector<16xf32>
    %scan3A_272 = arith.constant 0 : i32
    %scan3A_273 = arith.constant 32 : i32
    %scan3A_274 = arith.addi %scan3A_272, %scan3A_273 : i32
    %scan3A_275 = arith.constant 1 : i32
    %scan3A_276 = scf.for %scan3A_326 = %scan3A_272 to %scan3A_274 step %scan3A_275 iter_args(%scan3A_327 = %broadcast_in_dim3A_271) -> (vector<16xf32>)  : i32 {
      %mul3A_328 = arith.constant 512 : i32
      %mul3A_329 = arith.muli %scan3A_326, %mul3A_328 : i32
      %add3A_330 = arith.constant 432 : i32
      %add3A_331 = arith.addi %mul3A_329, %add3A_330 : i32
      %get3A = arith.index_cast %add3A_331 : i32 to index
      %get3A_332 = tpu.vector_load %arg9[%get3A] {strides = array<i32>} : memref<16384xf32, #tpu.memory_space<vmem>>, vector<16xf32>,
      %add3A_333 = arith.addf %scan3A_327, %get3A_332 : vector<16xf32>
      scf.yield %add3A_333 : vector<16xf32>
    }
    %scan3A_277 = arith.constant 32 : i32
    %swap3A_278 = arith.constant 432 : index
    %swap3A_279 = tpu.vector_load %arg10[%swap3A_278] {strides = array<i32>} : memref<512xf32, #tpu.memory_space<vmem>>, vector<16xf32>,
    tpu.vector_store %arg10[%swap3A_278], %scan3A_276 {strides = array<i32>} : memref<512xf32, #tpu.memory_space<vmem>>, vector<16xf32>,
    %broadcast_in_dim3A_280 = arith.constant 0.000000e+00 : f32
    %broadcast_in_dim3A_281 = vector.broadcast %broadcast_in_dim3A_280 : f32 to vector<16xf32>
    %scan3A_282 = arith.constant 0 : i32
    %scan3A_283 = arith.constant 32 : i32
    %scan3A_284 = arith.addi %scan3A_282, %scan3A_283 : i32
    %scan3A_285 = arith.constant 1 : i32
    %scan3A_286 = scf.for %scan3A_326 = %scan3A_282 to %scan3A_284 step %scan3A_285 iter_args(%scan3A_327 = %broadcast_in_dim3A_281) -> (vector<16xf32>)  : i32 {
      %mul3A_328 = arith.constant 512 : i32
      %mul3A_329 = arith.muli %scan3A_326, %mul3A_328 : i32
      %add3A_330 = arith.constant 448 : i32
      %add3A_331 = arith.addi %mul3A_329, %add3A_330 : i32
      %get3A = arith.index_cast %add3A_331 : i32 to index
      %get3A_332 = tpu.vector_load %arg9[%get3A] {strides = array<i32>} : memref<16384xf32, #tpu.memory_space<vmem>>, vector<16xf32>,
      %add3A_333 = arith.addf %scan3A_327, %get3A_332 : vector<16xf32>
      scf.yield %add3A_333 : vector<16xf32>
    }
    %scan3A_287 = arith.constant 32 : i32
    %swap3A_288 = arith.constant 448 : index
    %swap3A_289 = tpu.vector_load %arg10[%swap3A_288] {strides = array<i32>} : memref<512xf32, #tpu.memory_space<vmem>>, vector<16xf32>,
    tpu.vector_store %arg10[%swap3A_288], %scan3A_286 {strides = array<i32>} : memref<512xf32, #tpu.memory_space<vmem>>, vector<16xf32>,
    %broadcast_in_dim3A_290 = arith.constant 0.000000e+00 : f32
    %broadcast_in_dim3A_291 = vector.broadcast %broadcast_in_dim3A_290 : f32 to vector<16xf32>
    %scan3A_292 = arith.constant 0 : i32
    %scan3A_293 = arith.constant 32 : i32
    %scan3A_294 = arith.addi %scan3A_292, %scan3A_293 : i32
    %scan3A_295 = arith.constant 1 : i32
    %scan3A_296 = scf.for %scan3A_326 = %scan3A_292 to %scan3A_294 step %scan3A_295 iter_args(%scan3A_327 = %broadcast_in_dim3A_291) -> (vector<16xf32>)  : i32 {
      %mul3A_328 = arith.constant 512 : i32
      %mul3A_329 = arith.muli %scan3A_326, %mul3A_328 : i32
      %add3A_330 = arith.constant 464 : i32
      %add3A_331 = arith.addi %mul3A_329, %add3A_330 : i32
      %get3A = arith.index_cast %add3A_331 : i32 to index
      %get3A_332 = tpu.vector_load %arg9[%get3A] {strides = array<i32>} : memref<16384xf32, #tpu.memory_space<vmem>>, vector<16xf32>,
      %add3A_333 = arith.addf %scan3A_327, %get3A_332 : vector<16xf32>
      scf.yield %add3A_333 : vector<16xf32>
    }
    %scan3A_297 = arith.constant 32 : i32
    %swap3A_298 = arith.constant 464 : index
    %swap3A_299 = tpu.vector_load %arg10[%swap3A_298] {strides = array<i32>} : memref<512xf32, #tpu.memory_space<vmem>>, vector<16xf32>,
    tpu.vector_store %arg10[%swap3A_298], %scan3A_296 {strides = array<i32>} : memref<512xf32, #tpu.memory_space<vmem>>, vector<16xf32>,
    %broadcast_in_dim3A_300 = arith.constant 0.000000e+00 : f32
    %broadcast_in_dim3A_301 = vector.broadcast %broadcast_in_dim3A_300 : f32 to vector<16xf32>
    %scan3A_302 = arith.constant 0 : i32
    %scan3A_303 = arith.constant 32 : i32
    %scan3A_304 = arith.addi %scan3A_302, %scan3A_303 : i32
    %scan3A_305 = arith.constant 1 : i32
    %scan3A_306 = scf.for %scan3A_326 = %scan3A_302 to %scan3A_304 step %scan3A_305 iter_args(%scan3A_327 = %broadcast_in_dim3A_301) -> (vector<16xf32>)  : i32 {
      %mul3A_328 = arith.constant 512 : i32
      %mul3A_329 = arith.muli %scan3A_326, %mul3A_328 : i32
      %add3A_330 = arith.constant 480 : i32
      %add3A_331 = arith.addi %mul3A_329, %add3A_330 : i32
      %get3A = arith.index_cast %add3A_331 : i32 to index
      %get3A_332 = tpu.vector_load %arg9[%get3A] {strides = array<i32>} : memref<16384xf32, #tpu.memory_space<vmem>>, vector<16xf32>,
      %add3A_333 = arith.addf %scan3A_327, %get3A_332 : vector<16xf32>
      scf.yield %add3A_333 : vector<16xf32>
    }
    %scan3A_307 = arith.constant 32 : i32
    %swap3A_308 = arith.constant 480 : index
    %swap3A_309 = tpu.vector_load %arg10[%swap3A_308] {strides = array<i32>} : memref<512xf32, #tpu.memory_space<vmem>>, vector<16xf32>,
    tpu.vector_store %arg10[%swap3A_308], %scan3A_306 {strides = array<i32>} : memref<512xf32, #tpu.memory_space<vmem>>, vector<16xf32>,
    %broadcast_in_dim3A_310 = arith.constant 0.000000e+00 : f32
    %broadcast_in_dim3A_311 = vector.broadcast %broadcast_in_dim3A_310 : f32 to vector<16xf32>
    %scan3A_312 = arith.constant 0 : i32
    %scan3A_313 = arith.constant 32 : i32
    %scan3A_314 = arith.addi %scan3A_312, %scan3A_313 : i32
    %scan3A_315 = arith.constant 1 : i32
    %scan3A_316 = scf.for %scan3A_326 = %scan3A_312 to %scan3A_314 step %scan3A_315 iter_args(%scan3A_327 = %broadcast_in_dim3A_311) -> (vector<16xf32>)  : i32 {
      %mul3A_328 = arith.constant 512 : i32
      %mul3A_329 = arith.muli %scan3A_326, %mul3A_328 : i32
      %add3A_330 = arith.constant 496 : i32
      %add3A_331 = arith.addi %mul3A_329, %add3A_330 : i32
      %get3A = arith.index_cast %add3A_331 : i32 to index
      %get3A_332 = tpu.vector_load %arg9[%get3A] {strides = array<i32>} : memref<16384xf32, #tpu.memory_space<vmem>>, vector<16xf32>,
      %add3A_333 = arith.addf %scan3A_327, %get3A_332 : vector<16xf32>
      scf.yield %add3A_333 : vector<16xf32>
    }
    %scan3A_317 = arith.constant 32 : i32
    %swap3A_318 = arith.constant 496 : index
    %swap3A_319 = tpu.vector_load %arg10[%swap3A_318] {strides = array<i32>} : memref<512xf32, #tpu.memory_space<vmem>>, vector<16xf32>,
    tpu.vector_store %arg10[%swap3A_318], %scan3A_316 {strides = array<i32>} : memref<512xf32, #tpu.memory_space<vmem>>, vector<16xf32>,
    %scan3A_320 = arith.constant 0 : i32
    %scan3A_321 = arith.constant 0 : i32
    %scan3A_322 = arith.constant 196 : i32
    %scan3A_323 = arith.addi %scan3A_321, %scan3A_322 : i32
    %scan3A_324 = arith.constant 1 : i32
    scf.for %scan3A_326 = %scan3A_321 to %scan3A_323 step %scan3A_324  : i32 {
      %mul3A_327 = arith.constant 16 : i32
      %mul3A_328 = arith.muli %scan3A_326, %mul3A_327 : i32
      %get3A = arith.index_cast %mul3A_328 : i32 to index
      %get3A_329 = tpu.vector_load %arg8[%get3A] {strides = array<i32>} : memref<3136xi32, #tpu.memory_space<vmem>>, vector<16xi32>,
      %mul3A_330 = arith.constant 16 : i32
      %mul3A_331 = arith.muli %scan3A_326, %mul3A_330 : i32
      %get3A_332 = arith.index_cast %mul3A_331 : i32 to index
      %get3A_333 = tpu.vector_load %arg7[%get3A_332] {strides = array<i32>} : memref<3136xf32, #tpu.memory_space<vmem>>, vector<16xf32>,
      %gather3A = tpu.vector_load_idx %arg10[%get3A_329] : memref<512xf32, #tpu.memory_space<vmem>>[vector<16xi32>], vector<16xf32>,
      %gather3A_334 = tpu.vector_load_idx %arg11[%get3A_329] : memref<512xf32, #tpu.memory_space<vmem>>[vector<16xi32>], vector<16xf32>,
      %add3A_335 = arith.constant 9.99999993E-9 : f32
      %add3A_336 = vector.broadcast %add3A_335 : f32 to vector<16xf32>
      %add3A_337 = arith.addf %gather3A, %add3A_336 : vector<16xf32>
      %div3A = arith.divf %get3A_333, %add3A_337 : vector<16xf32>
      %mul3A_338 = arith.mulf %div3A, %gather3A_334 : vector<16xf32>
      %mul3A_339 = arith.constant 16 : i32
      %mul3A_340 = arith.muli %scan3A_326, %mul3A_339 : i32
      %swap3A_341 = arith.index_cast %mul3A_340 : i32 to index
      %swap3A_342 = tpu.vector_load %arg12[%swap3A_341] {strides = array<i32>} : memref<3136xf32, #tpu.memory_space<vmem>>, vector<16xf32>,
      tpu.vector_store %arg12[%swap3A_341], %mul3A_338 {strides = array<i32>} : memref<3136xf32, #tpu.memory_space<vmem>>, vector<16xf32>,
    }
    %scan3A_325 = arith.constant 196 : i32
    "tpu.region"() ({
      %run_scoped3A = tpu.sem_alloc : memref<!tpu.dma_semaphore, #tpu.memory_space<semaphore_mem>>
      %dma_start3A = tpu.memref_slice %arg6[%mul3A_2] : memref<100352xf32, #tpu.memory_space<hbm>> -> memref<3136xf32, #tpu.memory_space<hbm>>
      %dma_start3A_326 = tpu.memref_slice %arg6[%mul3A_2] : memref<100352xf32, #tpu.memory_space<hbm>> -> memref<3136xf32, #tpu.memory_space<hbm>>
      tpu.enqueue_dma source(%arg12 : memref<3136xf32, #tpu.memory_space<vmem>>) target(%dma_start3A_326 : memref<3136xf32, #tpu.memory_space<hbm>>) target_semaphore(%run_scoped3A : memref<!tpu.dma_semaphore, #tpu.memory_space<semaphore_mem>>)
      %dma_wait3A = tpu.memref_slice %arg6[%mul3A_2] : memref<100352xf32, #tpu.memory_space<hbm>> -> memref<3136xf32, #tpu.memory_space<hbm>>
      %dma_wait3A_327 = tpu.memref_slice %arg6[%mul3A_2] : memref<100352xf32, #tpu.memory_space<hbm>> -> memref<3136xf32, #tpu.memory_space<hbm>>
      tpu.wait_dma2 semaphore(%run_scoped3A : memref<!tpu.dma_semaphore, #tpu.memory_space<semaphore_mem>>) src(%arg12 : memref<3136xf32, #tpu.memory_space<vmem>>) dst(%dma_wait3A_327 : memref<3136xf32, #tpu.memory_space<hbm>>)
      tpu.yield
    }) : () -> ()
    return
  }
}

module attributes {stable_mosaic.version = 14 : i64} {
  func.func @_body_a(%arg0: i32, %arg1: memref<1x1x2000xi32, #tpu.memory_space<vmem>>, %arg2: memref<2000x128xf32, #tpu.memory_space<vmem>>, %arg3: memref<1x512xf32, #tpu.memory_space<vmem>>, %arg4: memref<1x128xf32, #tpu.memory_space<vmem>>, %arg5: memref<1x1xf32, #tpu.memory_space<vmem>>, %arg6: memref<1x1x2000xf32, #tpu.memory_space<vmem>>) attributes {dimension_semantics = [#tpu.dimension_semantics<arbitrary>], iteration_bounds = array<i64: 50>, scalar_prefetch = 0 : i64, scratch_operands = 0 : i64, tpu.core_type = #tpu.core_type<tc>, window_params = [{transform_indices = @transform_0, window_bounds = array<i64: 1, 1, 2000>}, {transform_indices = @transform_1, window_bounds = array<i64: 2000, 128>}, {pipeline_mode = #tpu.pipeline_mode<synchronous>, transform_indices = @transform_2, window_bounds = array<i64: 1, 512>}, {pipeline_mode = #tpu.pipeline_mode<synchronous>, transform_indices = @transform_3, window_bounds = array<i64: 1, 128>}, {pipeline_mode = #tpu.pipeline_mode<synchronous>, transform_indices = @transform_4, window_bounds = array<i64: 1, 1>}, {transform_indices = @transform_5, window_bounds = array<i64: 1, 1, 2000>}]} {
    %get3A = arith.constant 0 : index
    %get3A_0 = arith.constant 0 : index
    %get3A_1 = vector.load %arg2[%get3A, %get3A_0] : memref<2000x128xf32, #tpu.memory_space<vmem>>, vector<2000x128xf32>
    %get3A_2 = arith.constant 0 : index
    %get3A_3 = arith.constant 0 : index
    %get3A_4 = arith.constant 0 : index
    %get3A_5 = vector.load %arg1[%get3A_2, %get3A_3, %get3A_4] : memref<1x1x2000xi32, #tpu.memory_space<vmem>>, vector<1x1x2000xi32>
    %get3A_6 = vector.shape_cast %get3A_5 : vector<1x1x2000xi32> to vector<1x2000xi32>
    %get3A_7 = arith.constant 0 : index
    %get3A_8 = arith.constant 0 : index
    %get3A_9 = vector.load %arg4[%get3A_7, %get3A_8] : memref<1x128xf32, #tpu.memory_space<vmem>>, vector<1x128xf32>
    %dot_general3A = arith.constant dense<0.000000e+00> : vector<1x2000xf32>
    %dot_general3A_10 = tpu.matmul %get3A_9, %get3A_1, %dot_general3A {dimension_numbers = #tpu.dot_dimension_numbers<[1], [1], [0], [0], [0, 0, 1, 0], [], []>, transpose_lhs_hint = false} : vector<1x128xf32>, vector<2000x128xf32>, vector<1x2000xf32> -> vector<1x2000xf32>
    %get3A_11 = arith.constant 0 : index
    %get3A_12 = arith.constant 0 : index
    %get3A_13 = vector.load %arg5[%get3A_11, %get3A_12] : memref<1x1xf32, #tpu.memory_space<vmem>>, vector<1x1xf32>
    %get3A_14 = vector.shape_cast %get3A_13 : vector<1x1xf32> to vector<1xf32>
    %broadcast_in_dim3A = vector.shape_cast %get3A_14 : vector<1xf32> to vector<1x1xf32>
    %add3A = vector.broadcast %broadcast_in_dim3A : vector<1x1xf32> to vector<1x2000xf32>
    %add3A_15 = arith.addf %dot_general3A_10, %add3A : vector<1x2000xf32>
    %iota3A = tpu.iota {dimensions = array<i32: 0>} : vector<512x2000xi32>
    %eq3A = vector.broadcast %get3A_6 : vector<1x2000xi32> to vector<512x2000xi32>
    %eq3A_16 = arith.cmpi eq, %iota3A, %eq3A : vector<512x2000xi32>
    %convert_element_type3A = arith.extui %eq3A_16 : vector<512x2000xi1> to vector<512x2000xi32>
    %convert_element_type3A_17 = arith.sitofp %convert_element_type3A : vector<512x2000xi32> to vector<512x2000xf32>
    %get3A_18 = arith.constant 0 : index
    %get3A_19 = arith.constant 0 : index
    %get3A_20 = vector.load %arg3[%get3A_18, %get3A_19] : memref<1x512xf32, #tpu.memory_space<vmem>>, vector<1x512xf32>
    %dot_general3A_21 = arith.constant dense<0.000000e+00> : vector<1x2000xf32>
    %dot_general3A_22 = tpu.matmul %get3A_20, %convert_element_type3A_17, %dot_general3A_21 {dimension_numbers = #tpu.dot_dimension_numbers<[1], [0], [0], [1], [0, 0, 1, 1], [], []>, transpose_lhs_hint = false} : vector<1x512xf32>, vector<512x2000xf32>, vector<1x2000xf32> -> vector<1x2000xf32>
    %mul3A = arith.mulf %dot_general3A_22, %add3A_15 : vector<1x2000xf32>
    %max3A = arith.constant 0.000000e+00 : f32
    %max3A_23 = vector.broadcast %max3A : f32 to vector<1x2000xf32>
    %max3A_24 = arith.maximumf %mul3A, %max3A_23 : vector<1x2000xf32>
    %abs3A = math.absf %mul3A : vector<1x2000xf32>
    %neg3A = arith.constant 0.000000e+00 : f32
    %neg3A_25 = vector.broadcast %neg3A : f32 to vector<1x2000xf32>
    %neg3A_26 = arith.subf %neg3A_25, %abs3A : vector<1x2000xf32>
    %exp3A = math.exp %neg3A_26 : vector<1x2000xf32>
    %add3A_27 = arith.constant 1.000000e+00 : f32
    %add3A_28 = vector.broadcast %add3A_27 : f32 to vector<1x2000xf32>
    %add3A_29 = arith.addf %add3A_28, %exp3A : vector<1x2000xf32>
    %log3A = math.log %add3A_29 : vector<1x2000xf32>
    %add3A_30 = arith.addf %max3A_24, %log3A : vector<1x2000xf32>
    %reshape3A = vector.shape_cast %add3A_30 : vector<1x2000xf32> to vector<1x1x2000xf32>
    %swap3A = arith.constant 0 : index
    %swap3A_31 = arith.constant 0 : index
    %swap3A_32 = arith.constant 0 : index
    %swap3A_33 = vector.load %arg6[%swap3A, %swap3A_31, %swap3A_32] : memref<1x1x2000xf32, #tpu.memory_space<vmem>>, vector<1x1x2000xf32>
    tpu.vector_store %arg6[%swap3A, %swap3A_31, %swap3A_32], %reshape3A {strides = array<i32>} : memref<1x1x2000xf32, #tpu.memory_space<vmem>>, vector<1x1x2000xf32>,
    return
  }
  func.func @transform_0(%arg0: i32) -> (i32, i32, i32) {
    %c0_i32 = arith.constant 0 : i32
    %c0_i32_0 = arith.constant 0 : i32
    %c0_i32_1 = arith.constant 0 : i32
    return %arg0, %c0_i32, %c0_i32_0 : i32, i32, i32
  }
  func.func @transform_1(%arg0: i32) -> (i32, i32) {
    %c0_i32 = arith.constant 0 : i32
    %c0_i32_0 = arith.constant 0 : i32
    return %arg0, %c0_i32 : i32, i32
  }
  func.func @transform_2(%arg0: i32) -> (i32, i32) {
    %c0_i32 = arith.constant 0 : i32
    %c0_i32_0 = arith.constant 0 : i32
    %c0_i32_1 = arith.constant 0 : i32
    return %c0_i32, %c0_i32_0 : i32, i32
  }
  func.func @transform_3(%arg0: i32) -> (i32, i32) {
    %c0_i32 = arith.constant 0 : i32
    %c0_i32_0 = arith.constant 0 : i32
    %c0_i32_1 = arith.constant 0 : i32
    return %c0_i32, %c0_i32_0 : i32, i32
  }
  func.func @transform_4(%arg0: i32) -> (i32, i32) {
    %c0_i32 = arith.constant 0 : i32
    %c0_i32_0 = arith.constant 0 : i32
    %c0_i32_1 = arith.constant 0 : i32
    return %c0_i32, %c0_i32_0 : i32, i32
  }
  func.func @transform_5(%arg0: i32) -> (i32, i32, i32) {
    %c0_i32 = arith.constant 0 : i32
    %c0_i32_0 = arith.constant 0 : i32
    %c0_i32_1 = arith.constant 0 : i32
    return %arg0, %c0_i32, %c0_i32_0 : i32, i32, i32
  }
}

module attributes {stable_mosaic.version = 14 : i64} {
  func.func @_body_c(%arg0: i32, %arg1: memref<1x1x2000xf32, #tpu.memory_space<vmem>>, %arg2: memref<1x128xf32, #tpu.memory_space<vmem>>, %arg3: memref<128x128xf32, #tpu.memory_space<vmem>>, %arg4: memref<128x128xf32, #tpu.memory_space<vmem>>, %arg5: memref<128x128xf32, #tpu.memory_space<vmem>>, %arg6: memref<2000x128xf32, #tpu.memory_space<vmem>>) attributes {dimension_semantics = [#tpu.dimension_semantics<arbitrary>], iteration_bounds = array<i64: 50>, scalar_prefetch = 0 : i64, scratch_operands = 0 : i64, tpu.core_type = #tpu.core_type<tc>, window_params = [{transform_indices = @transform_0, window_bounds = array<i64: 1, 1, 2000>}, {pipeline_mode = #tpu.pipeline_mode<synchronous>, transform_indices = @transform_1, window_bounds = array<i64: 1, 128>}, {pipeline_mode = #tpu.pipeline_mode<synchronous>, transform_indices = @transform_2, window_bounds = array<i64: 128, 128>}, {pipeline_mode = #tpu.pipeline_mode<synchronous>, transform_indices = @transform_3, window_bounds = array<i64: 128, 128>}, {pipeline_mode = #tpu.pipeline_mode<synchronous>, transform_indices = @transform_4, window_bounds = array<i64: 128, 128>}, {transform_indices = @transform_5, window_bounds = array<i64: 2000, 128>}]} {
    %get3A = arith.constant 0 : index
    %get3A_0 = arith.constant 0 : index
    %get3A_1 = arith.constant 0 : index
    %get3A_2 = vector.load %arg1[%get3A, %get3A_0, %get3A_1] : memref<1x1x2000xf32, #tpu.memory_space<vmem>>, vector<1x1x2000xf32>
    %get3A_3 = vector.shape_cast %get3A_2 : vector<1x1x2000xf32> to vector<1x2000xf32>
    %get3A_4 = arith.constant 0 : index
    %get3A_5 = arith.constant 0 : index
    %get3A_6 = vector.load %arg2[%get3A_4, %get3A_5] : memref<1x128xf32, #tpu.memory_space<vmem>>, vector<1x128xf32>
    %dot_general3A = arith.constant dense<0.000000e+00> : vector<2000x128xf32>
    %dot_general3A_7 = tpu.matmul %get3A_3, %get3A_6, %dot_general3A {dimension_numbers = #tpu.dot_dimension_numbers<[0], [0], [1], [1], [0, 1, 1, 1], [], []>, transpose_lhs_hint = false} : vector<1x2000xf32>, vector<1x128xf32>, vector<2000x128xf32> -> vector<2000x128xf32>
    %neg3A = arith.constant 0.000000e+00 : f32
    %neg3A_8 = vector.broadcast %neg3A : f32 to vector<2000x128xf32>
    %neg3A_9 = arith.subf %neg3A_8, %dot_general3A_7 : vector<2000x128xf32>
    %exp3A = math.exp %neg3A_9 : vector<2000x128xf32>
    %add3A = arith.constant 1.000000e+00 : f32
    %add3A_10 = vector.broadcast %add3A : f32 to vector<2000x128xf32>
    %add3A_11 = arith.addf %add3A_10, %exp3A : vector<2000x128xf32>
    %div3A = arith.constant 1.000000e+00 : f32
    %div3A_12 = vector.broadcast %div3A : f32 to vector<2000x128xf32>
    %div3A_13 = arith.divf %div3A_12, %add3A_11 : vector<2000x128xf32>
    %mul3A = arith.mulf %dot_general3A_7, %div3A_13 : vector<2000x128xf32>
    %get3A_14 = arith.constant 0 : index
    %get3A_15 = arith.constant 0 : index
    %get3A_16 = vector.load %arg3[%get3A_14, %get3A_15] : memref<128x128xf32, #tpu.memory_space<vmem>>, vector<128x128xf32>
    %dot_general3A_17 = arith.constant dense<0.000000e+00> : vector<2000x128xf32>
    %dot_general3A_18 = tpu.matmul %mul3A, %get3A_16, %dot_general3A_17 {dimension_numbers = #tpu.dot_dimension_numbers<[1], [1], [0], [0], [0, 0, 1, 0], [], []>, transpose_lhs_hint = false} : vector<2000x128xf32>, vector<128x128xf32>, vector<2000x128xf32> -> vector<2000x128xf32>
    %neg3A_19 = arith.constant 0.000000e+00 : f32
    %neg3A_20 = vector.broadcast %neg3A_19 : f32 to vector<2000x128xf32>
    %neg3A_21 = arith.subf %neg3A_20, %dot_general3A_18 : vector<2000x128xf32>
    %exp3A_22 = math.exp %neg3A_21 : vector<2000x128xf32>
    %add3A_23 = arith.constant 1.000000e+00 : f32
    %add3A_24 = vector.broadcast %add3A_23 : f32 to vector<2000x128xf32>
    %add3A_25 = arith.addf %add3A_24, %exp3A_22 : vector<2000x128xf32>
    %div3A_26 = arith.constant 1.000000e+00 : f32
    %div3A_27 = vector.broadcast %div3A_26 : f32 to vector<2000x128xf32>
    %div3A_28 = arith.divf %div3A_27, %add3A_25 : vector<2000x128xf32>
    %mul3A_29 = arith.mulf %dot_general3A_18, %div3A_28 : vector<2000x128xf32>
    %get3A_30 = arith.constant 0 : index
    %get3A_31 = arith.constant 0 : index
    %get3A_32 = vector.load %arg4[%get3A_30, %get3A_31] : memref<128x128xf32, #tpu.memory_space<vmem>>, vector<128x128xf32>
    %dot_general3A_33 = arith.constant dense<0.000000e+00> : vector<2000x128xf32>
    %dot_general3A_34 = tpu.matmul %mul3A_29, %get3A_32, %dot_general3A_33 {dimension_numbers = #tpu.dot_dimension_numbers<[1], [1], [0], [0], [0, 0, 1, 0], [], []>, transpose_lhs_hint = false} : vector<2000x128xf32>, vector<128x128xf32>, vector<2000x128xf32> -> vector<2000x128xf32>
    %add3A_35 = arith.addf %dot_general3A_7, %dot_general3A_34 : vector<2000x128xf32>
    %neg3A_36 = arith.constant 0.000000e+00 : f32
    %neg3A_37 = vector.broadcast %neg3A_36 : f32 to vector<2000x128xf32>
    %neg3A_38 = arith.subf %neg3A_37, %add3A_35 : vector<2000x128xf32>
    %exp3A_39 = math.exp %neg3A_38 : vector<2000x128xf32>
    %add3A_40 = arith.constant 1.000000e+00 : f32
    %add3A_41 = vector.broadcast %add3A_40 : f32 to vector<2000x128xf32>
    %add3A_42 = arith.addf %add3A_41, %exp3A_39 : vector<2000x128xf32>
    %div3A_43 = arith.constant 1.000000e+00 : f32
    %div3A_44 = vector.broadcast %div3A_43 : f32 to vector<2000x128xf32>
    %div3A_45 = arith.divf %div3A_44, %add3A_42 : vector<2000x128xf32>
    %mul3A_46 = arith.mulf %add3A_35, %div3A_45 : vector<2000x128xf32>
    %get3A_47 = arith.constant 0 : index
    %get3A_48 = arith.constant 0 : index
    %get3A_49 = vector.load %arg5[%get3A_47, %get3A_48] : memref<128x128xf32, #tpu.memory_space<vmem>>, vector<128x128xf32>
    %dot_general3A_50 = arith.constant dense<0.000000e+00> : vector<2000x128xf32>
    %dot_general3A_51 = tpu.matmul %mul3A_46, %get3A_49, %dot_general3A_50 {dimension_numbers = #tpu.dot_dimension_numbers<[1], [1], [0], [0], [0, 0, 1, 0], [], []>, transpose_lhs_hint = false} : vector<2000x128xf32>, vector<128x128xf32>, vector<2000x128xf32> -> vector<2000x128xf32>
    %swap3A = arith.constant 0 : index
    %swap3A_52 = arith.constant 0 : index
    %swap3A_53 = vector.load %arg6[%swap3A, %swap3A_52] : memref<2000x128xf32, #tpu.memory_space<vmem>>, vector<2000x128xf32>
    tpu.vector_store %arg6[%swap3A, %swap3A_52], %dot_general3A_51 {strides = array<i32>} : memref<2000x128xf32, #tpu.memory_space<vmem>>, vector<2000x128xf32>,
    return
  }
  func.func @transform_0(%arg0: i32) -> (i32, i32, i32) {
    %c0_i32 = arith.constant 0 : i32
    %c0_i32_0 = arith.constant 0 : i32
    %c0_i32_1 = arith.constant 0 : i32
    return %arg0, %c0_i32, %c0_i32_0 : i32, i32, i32
  }
  func.func @transform_1(%arg0: i32) -> (i32, i32) {
    %c0_i32 = arith.constant 0 : i32
    %c0_i32_0 = arith.constant 0 : i32
    %c0_i32_1 = arith.constant 0 : i32
    return %c0_i32, %c0_i32_0 : i32, i32
  }
  func.func @transform_2(%arg0: i32) -> (i32, i32) {
    %c0_i32 = arith.constant 0 : i32
    %c0_i32_0 = arith.constant 0 : i32
    %c0_i32_1 = arith.constant 0 : i32
    return %c0_i32, %c0_i32_0 : i32, i32
  }
  func.func @transform_3(%arg0: i32) -> (i32, i32) {
    %c0_i32 = arith.constant 0 : i32
    %c0_i32_0 = arith.constant 0 : i32
    %c0_i32_1 = arith.constant 0 : i32
    return %c0_i32, %c0_i32_0 : i32, i32
  }
  func.func @transform_4(%arg0: i32) -> (i32, i32) {
    %c0_i32 = arith.constant 0 : i32
    %c0_i32_0 = arith.constant 0 : i32
    %c0_i32_1 = arith.constant 0 : i32
    return %c0_i32, %c0_i32_0 : i32, i32
  }
  func.func @transform_5(%arg0: i32) -> (i32, i32) {
    %c0_i32 = arith.constant 0 : i32
    %c0_i32_0 = arith.constant 0 : i32
    return %arg0, %c0_i32 : i32, i32
  }
}

</mosaic_0001>

<sc_bundles>
// kernel: kernel.6.cloned.1.call-start
scs
__scs_entry_jumppad:
0x0: {  	(pc) =	sbr.rel $0x88, $3  }
0x1: {  	(tag) =	ssettag $0x0;
	lr =	simm.s32 $0x1  }
0x2: {  	[smem:$0x3F97] =	sst lr;
	_ =	strace $0xD0000000  }
0x3: {  	_ = 	snop  }
0x4: {  	_ = 	snop  }
0x5: {  	_ = 	snop  }
0x6: {  	_ = 	snop  }
0x7: {  	_ = 	snop  }
__scs_overlays_trampoline_lowered:
0x8: {  	[smem:$0x3FA6] =	sst s0  }
0x9: {  	[smem:$0x3FA7] =	sst s1  }
0xa: {  	[smem:$0x3FA8] =	sst s2  }
0xb: {  	[smem:$0x3FA9] =	sst s3  }
0xc: {  	[smem:$0x3FAA] =	sst s4  }
0xd: {  	[smem:$0x3FAB] =	sst s5  }
0xe: {  	[smem:$0x3FAC] =	sst s6  }
0xf: {  	[smem:$0x3FAD] =	sst s7  }
0x10: {  	[smem:$0x3FAE] =	sst s8  }
0x11: {  	[smem:$0x3FAF] =	sst s9;
	s0 =	simm.s32 @!p0 $0x0  }
0x12: {  	s1 =	sld [smem:$0x3F95];
	s0 =	simm.s32 @p0 $0x1  }
0x13: {  	[smem:$0x3FB0] =	sst s0;
	s0 =	simm.s32 @!p1 $0x0  }
0x14: {  	s2 =	sld [smem:$0x3F94];
	s0 =	simm.s32 @p1 $0x1  }
0x15: {  	[smem:$0x3FB1] =	sst s0;
	s0 =	simm.s32 @!p2 $0x0  }
0x16: {  	s3 =	sld [smem:$0x3FDB];
	s0 =	simm.s32 @p2 $0x1  }
0x17: {  	s4 =	simm.s32 $0x1BF5;
	[smem:$0x3FB3] =	sst s0  }
0x18: {  	s0 =	sld [smem:$0x3F96];
	_ =	swait.ge [sflag:s4], $0x0  }
0x19: {  	s7 =	sld [smem:$0x3F97]  }
0x1a: {  	s8 =	sadd.s32 $0xFFFFE003, lr  }
0x1b: {  	s9 =	sadd.s32 $0xFFFFFEF7, lr;
	s5 =	simm.s32 $0xFFFFFFFF;
	p2 =	slt.u32 s8, $0xFFFFF086  }
0x1c: {  	p1 =	slt.u32 s9, $0xF7A;
	s5 =	simm.s32 @!p2 $0x0  }
0x1d: {  	s5 =	simm.s32 @p1 $0x1;
	p0 =	seq.s32 s7, s2  }
0x1e: {  	s7 =	smul.u32 @!p0 $0xF7A, s2;
	p2 =	seq.s32 @!p0 s5, $0x0  }
0x1f: {  	s9 =	smul.u32 $0xF7A, s1;
	s8 =	simm.s32 @!p0 $0x1BF5;
	p2 =	por !p2, p0  }
0x20: {  	[sflag:s8] =	ssyncset.s32 @!p0 $0xFFFFF086;
	s6 =	sadd.s32 @!p0 s3, s7;
	s7 =	simm.s32 @!p0 $0x108  }
0x21: {  	s3 =	sadd.s32 s3, s9;
	s6 =	sadd.s32 @!p0 $0x88, s6;
	s7 =	simm.s32 @p2 $0x1082  }
0x22: {  	[simem:s7], [sflag:s8] =	dma.local @!p0 [hbm:s6], $0xF7A  }
0x23: {  	s9 =	sor.u32 $0xD0000000, s2;
	s6 =	simm.s32 $0x108;
	_ =	swait.ge @!p0 [sflag:s8], $0x0  }
0x24: {  	s3 =	sadd.s32 $0x88, s3;
	s6 =	simm.s32 @!p1 $0x1082;
	[sflag:s4] =	ssyncset.s32 $0xFFFFF086  }
0x25: {  	[simem:s6], [sflag:s4] =	dma.local [hbm:s3], $0xF7A  }
0x26: {  	[smem:$0x3F97] =	sst s1;
	(tag) =	ssettag s2;
	_ =	strace s9  }
0x27: {  	s1 =	sld [smem:$0x3FA7]  }
0x28: {  	s2 =	sld [smem:$0x3FA8]  }
0x29: {  	s4 =	sld [smem:$0x3FAA]  }
0x2a: {  	p0 =	seq.s32 s5, $0x0;
	s5 =	sld [smem:$0x3FAB]  }
0x2b: {  	s6 =	sld [smem:$0x3FAC]  }
0x2c: {  	s7 =	sld [smem:$0x3FAD]  }
0x2d: {  	s3 =	simm.s32 $0x108;
	s8 =	sld [smem:$0x3FAE]  }
0x2e: {  	s3 =	simm.s32 @!p0 $0x1082;
	s9 =	sld [smem:$0x3FAF]  }
0x2f: {  	lr =	sadd.s32 s0, s3;
	s0 =	sld [smem:$0x3FA6]  }
0x30: {  	s3 =	sld [smem:$0x3FA9]  }
0x31: {  	[smem:$0x3FB2] =	sst s10  }
0x32: {  	s10 =	sld [smem:$0x3FB0];
	_ =	sdelay $0x3  }
0x33: {  	p0 =	seq.s32 s10, $0x1;
	s10 =	sld [smem:$0x3FB2];
	_ =	sdelay $0x3  }
0x34: {  	[smem:$0x3FB2] =	sst s10  }
0x35: {  	s10 =	sld [smem:$0x3FB1];
	_ =	sdelay $0x3  }
0x36: {  	p1 =	seq.s32 s10, $0x1;
	s10 =	sld [smem:$0x3FB2];
	_ =	sdelay $0x3  }
0x37: {  	[smem:$0x3FB2] =	sst s10  }
0x38: {  	s10 =	sld [smem:$0x3FB3]  }
0x39: {  	_ = 	snop;
	(pc) =	sbr.ind lr, $3  }
0x3a: {  	_ = 	snop  }
0x3b: {  	_ = 	snop  }
0x3c: {  	p2 =	seq.s32 s10, $0x1;
	s10 =	sld [smem:$0x3FB2]  }
0x3d: {  	_ =	shalt  }
0x3e: {  	_ =	shalt  }
0x3f: {  	_ =	shalt  }
0x40: {  	_ =	shalt  }
0x41: {  	_ =	shalt  }
0x42: {  	_ =	shalt  }
0x43: {  	_ =	shalt  }
0x44: {  	_ =	shalt  }
0x45: {  	_ =	shalt  }
0x46: {  	_ =	shalt  }
0x47: {  	_ =	shalt  }
0x48: {  	_ =	shalt  }
0x49: {  	_ =	shalt  }
0x4a: {  	_ =	shalt  }
0x4b: {  	_ =	shalt  }
0x4c: {  	_ =	shalt  }
0x4d: {  	_ =	shalt  }
0x4e: {  	_ =	shalt  }
0x4f: {  	_ =	shalt  }
0x50: {  	_ =	shalt  }
0x51: {  	_ =	shalt  }
0x52: {  	_ =	shalt  }
0x53: {  	_ =	shalt  }
0x54: {  	_ =	shalt  }
0x55: {  	_ =	shalt  }
0x56: {  	_ =	shalt  }
0x57: {  	_ =	shalt  }
0x58: {  	_ =	shalt  }
0x59: {  	_ =	shalt  }
0x5a: {  	_ =	shalt  }
0x5b: {  	_ =	shalt  }
0x5c: {  	_ =	shalt  }
0x5d: {  	_ =	shalt  }
0x5e: {  	_ =	shalt  }
0x5f: {  	_ =	shalt  }
0x60: {  	_ =	shalt  }
0x61: {  	_ =	shalt  }
0x62: {  	_ =	shalt  }
0x63: {  	_ =	shalt  }
0x64: {  	_ =	shalt  }
0x65: {  	_ =	shalt  }
0x66: {  	_ =	shalt  }
0x67: {  	_ =	shalt  }
0x68: {  	_ =	shalt  }
0x69: {  	_ =	shalt  }
0x6a: {  	_ =	shalt  }
0x6b: {  	_ =	shalt  }
0x6c: {  	_ =	shalt  }
0x6d: {  	_ =	shalt  }
0x6e: {  	_ =	shalt  }
0x6f: {  	_ =	shalt  }
0x70: {  	_ =	shalt  }
0x71: {  	_ =	shalt  }
0x72: {  	_ =	shalt  }
0x73: {  	_ =	shalt  }
0x74: {  	_ =	shalt  }
0x75: {  	_ =	shalt  }
0x76: {  	_ =	shalt  }
0x77: {  	_ =	shalt  }
0x78: {  	_ =	shalt  }
0x79: {  	_ =	shalt  }
0x7a: {  	_ =	shalt  }
0x7b: {  	_ =	shalt  }
0x7c: {  	_ =	shalt  }
0x7d: {  	_ =	shalt  }
0x7e: {  	_ =	shalt  }
0x7f: {  	_ =	shalt  }
0x80: {  	_ =	shalt  }
0x81: {  	_ =	shalt  }
0x82: {  	_ =	shalt  }
0x83: {  	_ =	shalt  }
0x84: {  	_ =	shalt  }
0x85: {  	_ =	shalt  }
0x86: {  	_ =	shalt  }
0x87: {  	_ =	shalt  }
.Lfunc_end0:
.L_simem_size_0:
called_computation_lowered:
.L_overlay_start_0:
0x88: {  	s2 =	sld [smem:$0x3FD9]  }
0x89: {  	s3 =	sld [smem:$0x3FFE];
	_ =	sdelay $0x1  }
0x8a: {  	s1 =	srdreg.scid  }
0x8b: {  	s0 =	sand.u32 $0x1, s1  }
0x8c: {  	s17 =	sshll.u32 s0, $0xA;
	s2 =	sadd.s32 s3, s2  }
0x8d: {  	s2 =	sadd.s32 s2, s17  }
0x8e: {  	[smem:$0x3FBE] =	sst s2  }
0x8f: {  	_ = 	snop  }
0x90: {  	s2 =	sld [smem:$0x3FD0];
	(tm) =	ssettm $0x1  }
0x91: {  	s18 =	sld [smem:$0x3FFB];
	_ =	sdelay $0x3  }
0x92: {  	_ =	strace s18  }
0x93: {  	s3 =	sld [smem:$0x3FFC];
	_ =	sdelay $0x3  }
0x94: {  	_ =	strace s3  }
0x95: {  	s3 =	sld [smem:$0x3FFD];
	_ =	sdelay $0x3  }
0x96: {  	_ =	strace s3  }
0x97: {  	_ =	strace $0x8FFFFFFF  }
0x98: {  	s19 =	sld [smem:$0x3FDB];
	_ =	sdelay $0x1  }
0x99: {  	s4 =	simm.s32 $_scs_section_size  }
0x9a: {  	s5 =	simm.s32 $_size__tile_overlayer_lowered;
	s6 =	simm.s32 $_tile_overlayer_lowered  }
0x9b: {  	s22 =	simm.s32 $0x1BFF;
	s21 =	sshll.u32 s6, $0x1;
	s3 =	sadd.s32 s4, s19  }
0x9c: {  	s7 =	simm.s32 $0x0;
	s20 =	sshll.u32 s5, $0x1;
	s5 =	sadd.s32 s21, s3  }
0x9d: {  	[timem:s7], [sflag:s22] =	dma.local [hbm:s5], s20  }
0x9e: {  	_ =	swait.ge [sflag:s22], s20  }
0x9f: {  	s4 =	ssub.s32 $0x0, s20;
	[sflag:s22] =	ssyncset.done $0x0  }
0xa0: {  	[sflag:s22] =	ssyncadd.s32 s4;
	_ =	sdelay $0x1  }
0xa1: {  	s23 =	simm.s32 $0x1B8B  }
0xa2: {  	_ =	swait.ge [sflag:s23], $0x1  }
0xa3: {  	[sflag:s23] =	ssyncset.done $0x0  }
0xa4: {  	s25 =	simm.s32 $0x1B8E;
	s24 =	sld [smem:$0x3FFE];
	[sflag:s23] =	ssyncadd.s32 $0xFFFFFFFF  }
0xa5: {  	s26 =	simm.s32 $execute0_lowered;
	[smem:$0x3FD2] =	sst s25  }
0xa6: {  	s5 =	sshll.u32 s26, $0x1;
	_ =	strace $0x80000046;
	[dreg:$0x1] =	wrdreg $0xFFFFFFFF  }
0xa7: {  	s28 =	simm.s32 $_size_execute0_lowered;
	s3 =	sadd.s32 s3, s5;
	[dreg:$0x0] =	wrdreg $0x0  }
0xa8: {  	s5 =	sshll.u32 s28, $0x1;
	[dreg:$0x2] =	wrdreg s3  }
0xa9: {  	[dreg:$0x3] =	wrdreg s5  }
0xaa: {  	[dreg:$0x4] =	wrdreg $0xC0  }
0xab: {  	_ =	task [dreg:s7], $0x5FFFF  }
0xac: {  	[dreg:$0x1] =	wrdreg $0xFFFFFFFF  }
0xad: {  	[dreg:$0x0] =	wrdreg $0x60  }
0xae: {  	[dreg:$0x2] =	wrdreg s2  }
0xaf: {  	[dreg:$0x3] =	wrdreg s24  }
0xb0: {  	[dreg:$0x4] =	wrdreg $0x9  }
0xb1: {  	_ =	task.clear_ibuf [dreg:s7], $0x5FFFF;
	_ =	strace $0x90000046  }
0xb2: {  	s29 =	simm.s32 $0x9;
	_ =	strace $0x80000048  }
0xb3: {  	_ =	swait.ge [sflag:s29], $0x1  }
0xb4: {  	[sflag:s29] =	ssyncadd.s32 $0xFFFFFFFF  }
0xb5: {  	_ =	strace $0x90000048  }
0xb6: {  	_ =	sfence  }
0xb7: {  	s30 =	sld [smem:$0x0];
	_ =	sdelay $0x2  }
0xb8: {  	s31 =	sshll.u32 s1, $0xD;
	s1 =	sshrl.u32 s1, $0x2  }
0xb9: {  	s3 =	sand.u32 $0x4000, s31;
	s1 =	sadd.s32 s1, s30  }
0xba: {  	s0 =	sor.u32 s3, s0;
	s1 =	sshll.u32 s1, $0x11  }
0xbb: {  	s0 =	sor.u32 s1, s0  }
0xbc: {  	s0 =	sadd.s32 $0x8F2B, s0  }
0xbd: {  	[sflag:s0] =	ssyncadd.remote.s32 $0x1  }
0xbe: {  	_ =	sfence.sel $0xFFFF  }
0xbf: {  	[dreg:$0x0] =	wrdreg $0xFFFFFFFF;
	(pc) =	sbr.abs _section_cstart, $3  }
0xc0: {  	[dreg:$0x1] =	wrdreg $0xFFFFFFFF  }
0xc1: {  	_ =	task.clear_ibuf [dreg:s7], $0x2FFFF;
	_ =	strace $0x9FFFFFFF  }
0xc2: {  	(tm) =	ssettm $0x7FFFFFFF  }
0xc3: {  	_ =	shalt  }
tec
execute0_lowered:
.L_overlay_start_1:
0x0: {  	(tag) =	ssettag $0x1  }
0x1: {  	s3 =	rddreg [dreg:$0x0];
	s1 =	srdreg.scid  }
0x2: {  	s0 =	stileid.u32;
	s4 =	rddreg [dreg:$0x1];
	s2 =	simm.s32 $0x0  }
0x3: {  	s5 =	sand.u32 $0x1, s1;
	s6 =	sshll.u32 s0, $0x1;
	s1 =	rddreg [dreg:$0x2]  }
0x4: {  	s10 =	simm.s32 $0x0;
	[smem:$0x7FF] =	sst s2;
	s6 =	sor.u32 s5, s6  }
0x5: {  	s5 =	ssub.s32 $0x2, s5;
	s7 =	smul.u32 $0x188, s6;
	s6 =	sshll.u32 s6, $0x6  }
0x6: {  	_ =	strace $0x80000047;
	s31 =	sshrl.u32 s5, $0x1;
	s6 =	sadd.s32 s6, s4  }
0x7: {  	s9 =	ssub.s32 s5, s31;
	s8 =	sadd.s32 s7, s4;
	s3 =	sadd.s32 s3, s7  }
0x8: {  	s5 =	sadd.s32 $0x3E00, s6;
	s6 =	smax.u32 s9, $0x1;
	s7 =	simm.s32 $0x1  }
0x9: {  	v0 =	vimm.f32 $0.0e+00;
	s9 =	simm.s32 $0x1900;
	s4 =	sadd.s32 $0xC00, s8;
	s8 =	simm.s32 $0xC80  }
.LBB2_1:
0xa: {  	[tilespmem:s2], [sflag:$0x1] =	stream.linear.gather [hbm4b:s3+s2], $0xC40, $0x38;
	[tilespmem:$0x1B00] =	vst v63  }
0xb: {  	_ =	swait.ge [sflag:s7], $0xC40  }
0xc: {  	[sflag:s7] =	ssyncset.done $0x0  }
0xd: {  	[sflag:s7] =	ssyncadd.s32 $0xFFFFF3C0  }
0xe: {  	[tilespmem:s8], [sflag:$0x1] =	stream.linear.gather [hbm4b:s4+s2], $0xC40, $0x38;
	[tilespmem:$0x1B00] =	vst v63  }
0xf: {  	_ =	swait.ge [sflag:s7], $0xC40  }
0x10: {  	[sflag:s7] =	ssyncset.done $0x0  }
0x11: {  	[sflag:s7] =	ssyncadd.s32 $0xFFFFF3C0  }
0x12: {  	[tilespmem:$0x1900] =	vst v0  }
0x13: {  	[tilespmem:$0x1910] =	vst v0  }
0x14: {  	[tilespmem:$0x1920] =	vst v0  }
0x15: {  	[tilespmem:$0x1930] =	vst v0  }
0x16: {  	[tilespmem:$0x1940] =	vst v0  }
0x17: {  	[tilespmem:$0x1950] =	vst v0  }
0x18: {  	[tilespmem:$0x1960] =	vst v0  }
0x19: {  	[tilespmem:$0x1970] =	vst v0  }
0x1a: {  	[tilespmem:$0x1980] =	vst v0  }
0x1b: {  	[tilespmem:$0x1990] =	vst v0  }
0x1c: {  	[tilespmem:$0x19A0] =	vst v0  }
0x1d: {  	[tilespmem:$0x19B0] =	vst v0  }
0x1e: {  	[tilespmem:$0x19C0] =	vst v0  }
0x1f: {  	[tilespmem:$0x19D0] =	vst v0  }
0x20: {  	[tilespmem:$0x19E0] =	vst v0  }
0x21: {  	[tilespmem:$0x19F0] =	vst v0  }
0x22: {  	[tilespmem:$0x1A00] =	vst v0  }
0x23: {  	[tilespmem:$0x1A10] =	vst v0  }
0x24: {  	[tilespmem:$0x1A20] =	vst v0  }
0x25: {  	[tilespmem:$0x1A30] =	vst v0  }
0x26: {  	[tilespmem:$0x1A40] =	vst v0  }
0x27: {  	[tilespmem:$0x1A50] =	vst v0  }
0x28: {  	[tilespmem:$0x1A60] =	vst v0  }
0x29: {  	[tilespmem:$0x1A70] =	vst v0  }
0x2a: {  	[tilespmem:$0x1A80] =	vst v0  }
0x2b: {  	[tilespmem:$0x1A90] =	vst v0  }
0x2c: {  	[tilespmem:$0x1AA0] =	vst v0  }
0x2d: {  	[tilespmem:$0x1AB0] =	vst v0  }
0x2e: {  	[tilespmem:$0x1AC0] =	vst v0  }
0x2f: {  	[tilespmem:$0x1AD0] =	vst v0  }
0x30: {  	[tilespmem:$0x1AE0] =	vst v0  }
0x31: {  	s12 =	simm.s32 $0x0;
	s11 =	simm.s32 $0x40;
	[tilespmem:$0x1AF0] =	vst v0  }
.LBB2_2:
0x32: {  	p0 =	sne.s32 s11, $0x30C0;
	v1 =	vld [tilespmem:s12+$0xC80];
	_ =	sdelay $0x2  }
0x33: {  	v2 =	vld [tilespmem:s12+$0x0]  }
.Ltmp0:
0x34: {  	(pc) =	sbr.rel @p0 .LBB2_2-.Ltmp0, $2  }
0x35: {  	_ =	sdelay $0x2  }
0x36: {  	s12 =	sshra.s32 s11, $0x2;
	s11 =	sadd.s32 $0x40, s11;
	[tilespmem:v1+s9+$0x0] =	vst.idx.add.f32.msk $0xffff, v2  }
0x37: {  	v1 =	vld [tilespmem:s12+$0xC80];
	_ =	sdelay $0x2  }
0x38: {  	v2 =	vld [tilespmem:s12+$0x0];
	_ =	sdelay $0x2  }
0x39: {  	s10 =	sadd.s32 $0x1, s10  }
0x3a: {  	p0 =	sne.s32 s10, s6  }
.Ltmp1:
0x3b: {  	[tilespmem:v1+s9+$0x0] =	vst.idx.add.f32.msk $0xffff, v2;
	(pc) =	sbr.rel @p0 .LBB2_1-.Ltmp1, $4  }
0x3c: {  	[hbm4b:s5+s2] =	stream.linear.scatter [tilespmem:s9], [sflag:$0x1], $0x200, $0x38;
	[tilespmem:$0x1B00] =	vst v63  }
0x3d: {  	_ =	swait.ge [sflag:s7], $0x200  }
0x3e: {  	[sflag:s7] =	ssyncset.done $0x0  }
0x3f: {  	[sflag:s7] =	ssyncadd.s32 $0xFFFFFE00  }
0x40: {  	_ =	sfence.sel $0x180000  }
0x41: {  	[bflag:$0x0] =	sbarrier.arrive $0xFFFF  }
0x42: {  	p0 =	sne.s32 s0, $0x0;
	_ =	strace $0x90000047  }
0x43: {  	s0 =	sadd.s32 @!p0 $0x100000, s1;
	[bflag:$0x2] =	sbarrier.arrive $0xFFFF  }
0x44: {  	[sflag:s0] =	ssyncadd.tile.s32 @!p0 $0x1;
	_ =	shalt  }
.Lfunc_end2:
_tile_overlayer_lowered:
.L_overlay_start_2:
0x45: {  	(tag) =	ssettag $0x2  }
0x46: {  	s0 =	rddreg [dreg:$0x0];
	s2 =	stileid.u32  }
0x47: {  	s1 =	rddreg [dreg:$0x1];
	p0 =	sne.s32 s2, $0x0  }
0x48: {  	s3 =	rddreg [dreg:$0x2];
	[bflag:$0x3] =	sbarrier.arrive $0xFFFF;
	s2 =	simm.s32 @!p0 $0x1C01  }
0x49: {  	[timem:s3], [sflag:s2] =	dma.local @!p0 [hbm:s0], s1  }
0x4a: {  	s0 =	simm.s32 @!p0 $0x1  }
0x4b: {  	_ =	swait.ge @!p0 [sflag:s0], s1  }
0x4c: {  	s1 =	ssub.s32 @!p0 $0x0, s1;
	[sflag:s0] =	ssyncset.done @!p0 $0x0  }
0x4d: {  	[sflag:s0] =	ssyncadd.s32 @!p0 s1  }
0x4e: {  	[bflag:$0x3] =	sbarrier.arrive $0xFFFF  }
0x4f: {  	_ =	shalt  }

// kernel: kernel.9.cloned.1.call-start
scs
__scs_entry_jumppad:
0x0: {  	(pc) =	sbr.rel $0x88, $3  }
0x1: {  	(tag) =	ssettag $0x0;
	lr =	simm.s32 $0x1  }
0x2: {  	[smem:$0x3F97] =	sst lr;
	_ =	strace $0xD0000000  }
0x3: {  	_ = 	snop  }
0x4: {  	_ = 	snop  }
0x5: {  	_ = 	snop  }
0x6: {  	_ = 	snop  }
0x7: {  	_ = 	snop  }
__scs_overlays_trampoline_lowered:
0x8: {  	[smem:$0x3FA6] =	sst s0  }
0x9: {  	[smem:$0x3FA7] =	sst s1  }
0xa: {  	[smem:$0x3FA8] =	sst s2  }
0xb: {  	[smem:$0x3FA9] =	sst s3  }
0xc: {  	[smem:$0x3FAA] =	sst s4  }
0xd: {  	[smem:$0x3FAB] =	sst s5  }
0xe: {  	[smem:$0x3FAC] =	sst s6  }
0xf: {  	[smem:$0x3FAD] =	sst s7  }
0x10: {  	[smem:$0x3FAE] =	sst s8  }
0x11: {  	[smem:$0x3FAF] =	sst s9;
	s0 =	simm.s32 @!p0 $0x0  }
0x12: {  	s1 =	sld [smem:$0x3F95];
	s0 =	simm.s32 @p0 $0x1  }
0x13: {  	[smem:$0x3FB0] =	sst s0;
	s0 =	simm.s32 @!p1 $0x0  }
0x14: {  	s2 =	sld [smem:$0x3F94];
	s0 =	simm.s32 @p1 $0x1  }
0x15: {  	[smem:$0x3FB1] =	sst s0;
	s0 =	simm.s32 @!p2 $0x0  }
0x16: {  	s3 =	sld [smem:$0x3FDB];
	s0 =	simm.s32 @p2 $0x1  }
0x17: {  	s4 =	simm.s32 $0x1BF5;
	[smem:$0x3FB3] =	sst s0  }
0x18: {  	s0 =	sld [smem:$0x3F96];
	_ =	swait.ge [sflag:s4], $0x0  }
0x19: {  	s7 =	sld [smem:$0x3F97]  }
0x1a: {  	s8 =	sadd.s32 $0xFFFFE003, lr  }
0x1b: {  	s9 =	sadd.s32 $0xFFFFFEF7, lr;
	s5 =	simm.s32 $0xFFFFFFFF;
	p2 =	slt.u32 s8, $0xFFFFF086  }
0x1c: {  	p1 =	slt.u32 s9, $0xF7A;
	s5 =	simm.s32 @!p2 $0x0  }
0x1d: {  	s5 =	simm.s32 @p1 $0x1;
	p0 =	seq.s32 s7, s2  }
0x1e: {  	s7 =	smul.u32 @!p0 $0xF7A, s2;
	p2 =	seq.s32 @!p0 s5, $0x0  }
0x1f: {  	s9 =	smul.u32 $0xF7A, s1;
	s8 =	simm.s32 @!p0 $0x1BF5;
	p2 =	por !p2, p0  }
0x20: {  	[sflag:s8] =	ssyncset.s32 @!p0 $0xFFFFF086;
	s6 =	sadd.s32 @!p0 s3, s7;
	s7 =	simm.s32 @!p0 $0x108  }
0x21: {  	s3 =	sadd.s32 s3, s9;
	s6 =	sadd.s32 @!p0 $0x88, s6;
	s7 =	simm.s32 @p2 $0x1082  }
0x22: {  	[simem:s7], [sflag:s8] =	dma.local @!p0 [hbm:s6], $0xF7A  }
0x23: {  	s9 =	sor.u32 $0xD0000000, s2;
	s6 =	simm.s32 $0x108;
	_ =	swait.ge @!p0 [sflag:s8], $0x0  }
0x24: {  	s3 =	sadd.s32 $0x88, s3;
	s6 =	simm.s32 @!p1 $0x1082;
	[sflag:s4] =	ssyncset.s32 $0xFFFFF086  }
0x25: {  	[simem:s6], [sflag:s4] =	dma.local [hbm:s3], $0xF7A  }
0x26: {  	[smem:$0x3F97] =	sst s1;
	(tag) =	ssettag s2;
	_ =	strace s9  }
0x27: {  	s1 =	sld [smem:$0x3FA7]  }
0x28: {  	s2 =	sld [smem:$0x3FA8]  }
0x29: {  	s4 =	sld [smem:$0x3FAA]  }
0x2a: {  	p0 =	seq.s32 s5, $0x0;
	s5 =	sld [smem:$0x3FAB]  }
0x2b: {  	s6 =	sld [smem:$0x3FAC]  }
0x2c: {  	s7 =	sld [smem:$0x3FAD]  }
0x2d: {  	s3 =	simm.s32 $0x108;
	s8 =	sld [smem:$0x3FAE]  }
0x2e: {  	s3 =	simm.s32 @!p0 $0x1082;
	s9 =	sld [smem:$0x3FAF]  }
0x2f: {  	lr =	sadd.s32 s0, s3;
	s0 =	sld [smem:$0x3FA6]  }
0x30: {  	s3 =	sld [smem:$0x3FA9]  }
0x31: {  	[smem:$0x3FB2] =	sst s10  }
0x32: {  	s10 =	sld [smem:$0x3FB0];
	_ =	sdelay $0x3  }
0x33: {  	p0 =	seq.s32 s10, $0x1;
	s10 =	sld [smem:$0x3FB2];
	_ =	sdelay $0x3  }
0x34: {  	[smem:$0x3FB2] =	sst s10  }
0x35: {  	s10 =	sld [smem:$0x3FB1];
	_ =	sdelay $0x3  }
0x36: {  	p1 =	seq.s32 s10, $0x1;
	s10 =	sld [smem:$0x3FB2];
	_ =	sdelay $0x3  }
0x37: {  	[smem:$0x3FB2] =	sst s10  }
0x38: {  	s10 =	sld [smem:$0x3FB3]  }
0x39: {  	_ = 	snop;
	(pc) =	sbr.ind lr, $3  }
0x3a: {  	_ = 	snop  }
0x3b: {  	_ = 	snop  }
0x3c: {  	p2 =	seq.s32 s10, $0x1;
	s10 =	sld [smem:$0x3FB2]  }
0x3d: {  	_ =	shalt  }
0x3e: {  	_ =	shalt  }
0x3f: {  	_ =	shalt  }
0x40: {  	_ =	shalt  }
0x41: {  	_ =	shalt  }
0x42: {  	_ =	shalt  }
0x43: {  	_ =	shalt  }
0x44: {  	_ =	shalt  }
0x45: {  	_ =	shalt  }
0x46: {  	_ =	shalt  }
0x47: {  	_ =	shalt  }
0x48: {  	_ =	shalt  }
0x49: {  	_ =	shalt  }
0x4a: {  	_ =	shalt  }
0x4b: {  	_ =	shalt  }
0x4c: {  	_ =	shalt  }
0x4d: {  	_ =	shalt  }
0x4e: {  	_ =	shalt  }
0x4f: {  	_ =	shalt  }
0x50: {  	_ =	shalt  }
0x51: {  	_ =	shalt  }
0x52: {  	_ =	shalt  }
0x53: {  	_ =	shalt  }
0x54: {  	_ =	shalt  }
0x55: {  	_ =	shalt  }
0x56: {  	_ =	shalt  }
0x57: {  	_ =	shalt  }
0x58: {  	_ =	shalt  }
0x59: {  	_ =	shalt  }
0x5a: {  	_ =	shalt  }
0x5b: {  	_ =	shalt  }
0x5c: {  	_ =	shalt  }
0x5d: {  	_ =	shalt  }
0x5e: {  	_ =	shalt  }
0x5f: {  	_ =	shalt  }
0x60: {  	_ =	shalt  }
0x61: {  	_ =	shalt  }
0x62: {  	_ =	shalt  }
0x63: {  	_ =	shalt  }
0x64: {  	_ =	shalt  }
0x65: {  	_ =	shalt  }
0x66: {  	_ =	shalt  }
0x67: {  	_ =	shalt  }
0x68: {  	_ =	shalt  }
0x69: {  	_ =	shalt  }
0x6a: {  	_ =	shalt  }
0x6b: {  	_ =	shalt  }
0x6c: {  	_ =	shalt  }
0x6d: {  	_ =	shalt  }
0x6e: {  	_ =	shalt  }
0x6f: {  	_ =	shalt  }
0x70: {  	_ =	shalt  }
0x71: {  	_ =	shalt  }
0x72: {  	_ =	shalt  }
0x73: {  	_ =	shalt  }
0x74: {  	_ =	shalt  }
0x75: {  	_ =	shalt  }
0x76: {  	_ =	shalt  }
0x77: {  	_ =	shalt  }
0x78: {  	_ =	shalt  }
0x79: {  	_ =	shalt  }
0x7a: {  	_ =	shalt  }
0x7b: {  	_ =	shalt  }
0x7c: {  	_ =	shalt  }
0x7d: {  	_ =	shalt  }
0x7e: {  	_ =	shalt  }
0x7f: {  	_ =	shalt  }
0x80: {  	_ =	shalt  }
0x81: {  	_ =	shalt  }
0x82: {  	_ =	shalt  }
0x83: {  	_ =	shalt  }
0x84: {  	_ =	shalt  }
0x85: {  	_ =	shalt  }
0x86: {  	_ =	shalt  }
0x87: {  	_ =	shalt  }
.Lfunc_end0:
.L_simem_size_0:
called_computation.1_lowered:
.L_overlay_start_0:
0x88: {  	s2 =	sld [smem:$0x3FD9]  }
0x89: {  	s3 =	sld [smem:$0x3FFE];
	_ =	sdelay $0x1  }
0x8a: {  	s1 =	srdreg.scid  }
0x8b: {  	s0 =	sand.u32 $0x1, s1  }
0x8c: {  	s17 =	sshll.u32 s0, $0xA;
	s2 =	sadd.s32 s3, s2  }
0x8d: {  	s2 =	sadd.s32 s2, s17  }
0x8e: {  	[smem:$0x3FBE] =	sst s2  }
0x8f: {  	_ = 	snop  }
0x90: {  	s2 =	sld [smem:$0x3FD0];
	(tm) =	ssettm $0x1  }
0x91: {  	s18 =	sld [smem:$0x3FFB];
	_ =	sdelay $0x3  }
0x92: {  	_ =	strace s18  }
0x93: {  	s3 =	sld [smem:$0x3FFC];
	_ =	sdelay $0x3  }
0x94: {  	_ =	strace s3  }
0x95: {  	s3 =	sld [smem:$0x3FFD];
	_ =	sdelay $0x3  }
0x96: {  	_ =	strace s3  }
0x97: {  	_ =	strace $0x8FFFFFFF  }
0x98: {  	s19 =	sld [smem:$0x3FDB];
	_ =	sdelay $0x1  }
0x99: {  	s4 =	simm.s32 $_scs_section_size  }
0x9a: {  	s5 =	simm.s32 $_size__tile_overlayer_lowered;
	s6 =	simm.s32 $_tile_overlayer_lowered  }
0x9b: {  	s22 =	simm.s32 $0x1BFF;
	s21 =	sshll.u32 s6, $0x1;
	s3 =	sadd.s32 s4, s19  }
0x9c: {  	s7 =	simm.s32 $0x0;
	s20 =	sshll.u32 s5, $0x1;
	s5 =	sadd.s32 s21, s3  }
0x9d: {  	[timem:s7], [sflag:s22] =	dma.local [hbm:s5], s20  }
0x9e: {  	_ =	swait.ge [sflag:s22], s20  }
0x9f: {  	s4 =	ssub.s32 $0x0, s20;
	[sflag:s22] =	ssyncset.done $0x0  }
0xa0: {  	[sflag:s22] =	ssyncadd.s32 s4;
	_ =	sdelay $0x1  }
0xa1: {  	s23 =	simm.s32 $0x1B8B  }
0xa2: {  	_ =	swait.ge [sflag:s23], $0x1  }
0xa3: {  	[sflag:s23] =	ssyncset.done $0x0  }
0xa4: {  	s25 =	simm.s32 $0x1B8E;
	s24 =	sld [smem:$0x3FFE];
	[sflag:s23] =	ssyncadd.s32 $0xFFFFFFFF  }
0xa5: {  	s26 =	simm.s32 $execute0_lowered;
	[smem:$0x3FD2] =	sst s25  }
0xa6: {  	s5 =	sshll.u32 s26, $0x1;
	_ =	strace $0x80000049;
	[dreg:$0x1] =	wrdreg $0xFFFFFFFF  }
0xa7: {  	s28 =	simm.s32 $_size_execute0_lowered;
	s3 =	sadd.s32 s3, s5;
	[dreg:$0x0] =	wrdreg $0x0  }
0xa8: {  	s5 =	sshll.u32 s28, $0x1;
	[dreg:$0x2] =	wrdreg s3  }
0xa9: {  	[dreg:$0x3] =	wrdreg s5  }
0xaa: {  	[dreg:$0x4] =	wrdreg $0xC0  }
0xab: {  	_ =	task [dreg:s7], $0x5FFFF  }
0xac: {  	[dreg:$0x1] =	wrdreg $0xFFFFFFFF  }
0xad: {  	[dreg:$0x0] =	wrdreg $0x60  }
0xae: {  	[dreg:$0x2] =	wrdreg s2  }
0xaf: {  	[dreg:$0x3] =	wrdreg s24  }
0xb0: {  	[dreg:$0x4] =	wrdreg $0x9  }
0xb1: {  	_ =	task.clear_ibuf [dreg:s7], $0x5FFFF;
	_ =	strace $0x90000049  }
0xb2: {  	s29 =	simm.s32 $0x9;
	_ =	strace $0x8000004B  }
0xb3: {  	_ =	swait.ge [sflag:s29], $0x1  }
0xb4: {  	[sflag:s29] =	ssyncadd.s32 $0xFFFFFFFF  }
0xb5: {  	_ =	strace $0x9000004B  }
0xb6: {  	_ =	sfence  }
0xb7: {  	s30 =	sld [smem:$0x0];
	_ =	sdelay $0x2  }
0xb8: {  	s31 =	sshll.u32 s1, $0xD;
	s1 =	sshrl.u32 s1, $0x2  }
0xb9: {  	s3 =	sand.u32 $0x4000, s31;
	s1 =	sadd.s32 s1, s30  }
0xba: {  	s0 =	sor.u32 s3, s0;
	s1 =	sshll.u32 s1, $0x11  }
0xbb: {  	s0 =	sor.u32 s1, s0  }
0xbc: {  	s0 =	sadd.s32 $0x8F2B, s0  }
0xbd: {  	[sflag:s0] =	ssyncadd.remote.s32 $0x1  }
0xbe: {  	_ =	sfence.sel $0xFFFF  }
0xbf: {  	[dreg:$0x0] =	wrdreg $0xFFFFFFFF;
	(pc) =	sbr.abs _section_cstart, $3  }
0xc0: {  	[dreg:$0x1] =	wrdreg $0xFFFFFFFF  }
0xc1: {  	_ =	task.clear_ibuf [dreg:s7], $0x2FFFF;
	_ =	strace $0x9FFFFFFF  }
0xc2: {  	(tm) =	ssettm $0x7FFFFFFF  }
0xc3: {  	_ =	shalt  }
tec
execute0_lowered:
.L_overlay_start_1:
0x0: {  	(tag) =	ssettag $0x1  }
0x1: {  	s5 =	rddreg [dreg:$0x0];
	s1 =	srdreg.scid  }
0x2: {  	s0 =	stileid.u32;
	s6 =	rddreg [dreg:$0x1];
	s2 =	simm.s32 $0x0  }
0x3: {  	s10 =	simm.s32 $0xC80;
	s11 =	simm.s32 $0x1900;
	s12 =	simm.s32 $0x5B00  }
0x4: {  	s13 =	simm.s32 $0x5900;
	s14 =	simm.s32 $0x5D00;
	s15 =	simm.s32 $0x0  }
0x5: {  	s4 =	sand.u32 $0x1, s1;
	s3 =	sshll.u32 s0, $0x1;
	s1 =	rddreg [dreg:$0x2]  }
0x6: {  	[smem:$0x7FF] =	sst s2;
	s3 =	sor.u32 s4, s3;
	s8 =	ssub.s32 $0x2, s4  }
0x7: {  	_ =	strace $0x8000004A;
	s7 =	smul.u32 $0x188, s3;
	s31 =	sshrl.u32 s8, $0x1  }
0x8: {  	s4 =	sadd.s32 $0xA00, s6;
	s3 =	sadd.s32 $0x3E00, s6;
	s8 =	ssub.s32 s8, s31  }
0x9: {  	s9 =	sadd.s32 s7, s6;
	s5 =	sadd.s32 s5, s7;
	s8 =	smax.u32 s8, $0x1  }
0xa: {  	s6 =	sadd.s32 $0xC00, s9;
	s7 =	sadd.s32 $0x4600, s9;
	s9 =	simm.s32 $0x1  }
.LBB2_1:
0xb: {  	[tilespmem:s2], [sflag:$0x1] =	stream.linear.gather [hbm4b:s5+s2], $0xC40, $0x38;
	[tilespmem:$0x6980] =	vst v63  }
0xc: {  	_ =	swait.ge [sflag:s9], $0xC40  }
0xd: {  	[sflag:s9] =	ssyncset.done $0x0  }
0xe: {  	[sflag:s9] =	ssyncadd.s32 $0xFFFFF3C0  }
0xf: {  	[tilespmem:s10], [sflag:$0x1] =	stream.linear.gather [hbm4b:s6+s2], $0xC40, $0x38;
	[tilespmem:$0x6980] =	vst v63  }
0x10: {  	_ =	swait.ge [sflag:s9], $0xC40  }
0x11: {  	[sflag:s9] =	ssyncset.done $0x0  }
0x12: {  	[sflag:s9] =	ssyncadd.s32 $0xFFFFF3C0  }
0x13: {  	[tilespmem:s11], [sflag:$0x1] =	stream.linear.gather [hbm4b:s3+s2], $0x4000, $0x38;
	[tilespmem:$0x6980] =	vst v63  }
0x14: {  	_ =	swait.ge [sflag:s9], $0x4000  }
0x15: {  	[sflag:s9] =	ssyncset.done $0x0  }
0x16: {  	[sflag:s9] =	ssyncadd.s32 $0xFFFFC000  }
0x17: {  	[tilespmem:s12], [sflag:$0x1] =	stream.linear.gather [hbm4b:s4+s2], $0x200, $0x38;
	[tilespmem:$0x6980] =	vst v63  }
0x18: {  	_ =	swait.ge [sflag:s9], $0x200  }
0x19: {  	[sflag:s9] =	ssyncset.done $0x0  }
0x1a: {  	[sflag:s9] =	ssyncadd.s32 $0xFFFFFE00  }
0x1b: {  	v0 =	vld [tilespmem:$0x1900];
	_ =	sdelay $0x1  }
0x1c: {  	v1 =	vld [tilespmem:$0x1B00];
	_ =	sdelay $0x1  }
0x1d: {  	v2 =	vld [tilespmem:$0x1D00]  }
0x1e: {  	v0 =	vadd.f32 $0.0e+00, v0  }
0x1f: {  	v3 =	vld [tilespmem:$0x1F00]  }
0x20: {  	v0 =	vadd.f32 v1, v0  }
0x21: {  	v1 =	vld [tilespmem:$0x2100]  }
0x22: {  	v0 =	vadd.f32 v2, v0  }
0x23: {  	v2 =	vld [tilespmem:$0x2300]  }
0x24: {  	v0 =	vadd.f32 v3, v0  }
0x25: {  	v3 =	vld [tilespmem:$0x2500]  }
0x26: {  	v0 =	vadd.f32 v1, v0  }
0x27: {  	v1 =	vld [tilespmem:$0x2700]  }
0x28: {  	v0 =	vadd.f32 v2, v0  }
0x29: {  	v2 =	vld [tilespmem:$0x2900]  }
0x2a: {  	v0 =	vadd.f32 v3, v0  }
0x2b: {  	v3 =	vld [tilespmem:$0x2B00]  }
0x2c: {  	v0 =	vadd.f32 v1, v0  }
0x2d: {  	v1 =	vld [tilespmem:$0x2D00]  }
0x2e: {  	v0 =	vadd.f32 v2, v0  }
0x2f: {  	v2 =	vld [tilespmem:$0x2F00]  }
0x30: {  	v0 =	vadd.f32 v3, v0  }
0x31: {  	v4 =	vld [tilespmem:$0x3100]  }
0x32: {  	v0 =	vadd.f32 v1, v0  }
0x33: {  	v3 =	vld [tilespmem:$0x3300]  }
0x34: {  	v0 =	vadd.f32 v2, v0  }
0x35: {  	v5 =	vld [tilespmem:$0x3500]  }
0x36: {  	v0 =	vadd.f32 v4, v0  }
0x37: {  	v1 =	vld [tilespmem:$0x3700]  }
0x38: {  	v0 =	vadd.f32 v3, v0  }
0x39: {  	v6 =	vld [tilespmem:$0x3900]  }
0x3a: {  	v0 =	vadd.f32 v5, v0  }
0x3b: {  	v2 =	vld [tilespmem:$0x3B00]  }
0x3c: {  	v0 =	vadd.f32 v1, v0  }
0x3d: {  	v7 =	vld [tilespmem:$0x3D00]  }
0x3e: {  	v0 =	vadd.f32 v6, v0  }
0x3f: {  	v44 =	vld [tilespmem:$0x3F00]  }
0x40: {  	v0 =	vadd.f32 v2, v0  }
0x41: {  	v8 =	vld [tilespmem:$0x4100]  }
0x42: {  	v0 =	vadd.f32 v7, v0  }
0x43: {  	v3 =	vld [tilespmem:$0x4300]  }
0x44: {  	v0 =	vadd.f32 v44, v0  }
0x45: {  	v9 =	vld [tilespmem:$0x4500]  }
0x46: {  	v0 =	vadd.f32 v8, v0  }
0x47: {  	v45 =	vld [tilespmem:$0x4700]  }
0x48: {  	v0 =	vadd.f32 v3, v0  }
0x49: {  	v10 =	vld [tilespmem:$0x4900]  }
0x4a: {  	v0 =	vadd.f32 v9, v0  }
0x4b: {  	v1 =	vld [tilespmem:$0x4B00]  }
0x4c: {  	v0 =	vadd.f32 v45, v0  }
0x4d: {  	v11 =	vld [tilespmem:$0x4D00]  }
0x4e: {  	v0 =	vadd.f32 v10, v0  }
0x4f: {  	v46 =	vld [tilespmem:$0x4F00]  }
0x50: {  	v0 =	vadd.f32 v1, v0  }
0x51: {  	v12 =	vld [tilespmem:$0x5100]  }
0x52: {  	v0 =	vadd.f32 v11, v0  }
0x53: {  	v2 =	vld [tilespmem:$0x5300]  }
0x54: {  	v0 =	vadd.f32 v46, v0  }
0x55: {  	v13 =	vld [tilespmem:$0x5500]  }
0x56: {  	v0 =	vadd.f32 v12, v0  }
0x57: {  	v47 =	vld [tilespmem:$0x5700]  }
0x58: {  	v0 =	vadd.f32 v2, v0;
	_ =	sdelay $0x1  }
0x59: {  	v0 =	vadd.f32 v13, v0;
	_ =	sdelay $0x1  }
0x5a: {  	v0 =	vadd.f32 v47, v0;
	_ =	sdelay $0x1  }
0x5b: {  	[tilespmem:$0x5900] =	vst v0;
	v0 =	vld [tilespmem:$0x4F10];
	_ =	sdelay $0x4  }
0x5c: {  	[tilespmem:$0x1E1E0] =	vst v0;
	v0 =	vld [tilespmem:$0x5110];
	_ =	sdelay $0x4  }
0x5d: {  	[tilespmem:$0x1E220] =	vst v0;
	v0 =	vld [tilespmem:$0x5310];
	_ =	sdelay $0x4  }
0x5e: {  	[tilespmem:$0x1E260] =	vst v0;
	v0 =	vld [tilespmem:$0x5510];
	_ =	sdelay $0x4  }
0x5f: {  	[tilespmem:$0x1E2A0] =	vst v0;
	v0 =	vld [tilespmem:$0x5710];
	_ =	sdelay $0x4  }
0x60: {  	[tilespmem:$0x1E2E0] =	vst v0;
	v0 =	vld [tilespmem:$0x2F20];
	_ =	sdelay $0x3  }
0x61: {  	v1 =	vld [tilespmem:$0x3310]  }
0x62: {  	[tilespmem:$0x1DF10] =	vst v0;
	v0 =	vld [tilespmem:$0x3120];
	_ =	sdelay $0x3  }
0x63: {  	[tilespmem:$0x1DF40] =	vst v1;
	v1 =	vld [tilespmem:$0x3510]  }
0x64: {  	[tilespmem:$0x1DF30] =	vst v0;
	v0 =	vld [tilespmem:$0x3320];
	_ =	sdelay $0x3  }
0x65: {  	[tilespmem:$0x1DF60] =	vst v1;
	v1 =	vld [tilespmem:$0x3710]  }
0x66: {  	[tilespmem:$0x1DF50] =	vst v0;
	v0 =	vld [tilespmem:$0x3520];
	_ =	sdelay $0x3  }
0x67: {  	[tilespmem:$0x1DF80] =	vst v1;
	v1 =	vld [tilespmem:$0x3910]  }
0x68: {  	[tilespmem:$0x1DF70] =	vst v0;
	v0 =	vld [tilespmem:$0x3720];
	_ =	sdelay $0x3  }
0x69: {  	[tilespmem:$0x1DFA0] =	vst v1;
	v1 =	vld [tilespmem:$0x3B10]  }
0x6a: {  	[tilespmem:$0x1DF90] =	vst v0;
	v0 =	vld [tilespmem:$0x3920];
	_ =	sdelay $0x3  }
0x6b: {  	[tilespmem:$0x1DFC0] =	vst v1;
	v1 =	vld [tilespmem:$0x3D10]  }
0x6c: {  	[tilespmem:$0x1DFB0] =	vst v0;
	v0 =	vld [tilespmem:$0x3B20];
	_ =	sdelay $0x2  }
0x6d: {  	v3 =	vld [tilespmem:$0x2310]  }
0x6e: {  	[tilespmem:$0x1DFF0] =	vst v1;
	v1 =	vld [tilespmem:$0x3F10]  }
0x6f: {  	[tilespmem:$0x1DFE0] =	vst v0;
	v0 =	vld [tilespmem:$0x3D20];
	_ =	sdelay $0x2  }
0x70: {  	[tilespmem:$0x1DEA0] =	vst v3;
	v3 =	vld [tilespmem:$0x2510]  }
0x71: {  	[tilespmem:$0x1E020] =	vst v1;
	v1 =	vld [tilespmem:$0x4110]  }
0x72: {  	[tilespmem:$0x1E010] =	vst v0;
	v0 =	vld [tilespmem:$0x3F20];
	_ =	sdelay $0x1  }
0x73: {  	v55 =	vld [tilespmem:$0x1910]  }
0x74: {  	[tilespmem:$0x1DEB0] =	vst v3;
	v3 =	vld [tilespmem:$0x2710]  }
0x75: {  	[tilespmem:$0x1E050] =	vst v1;
	v1 =	vld [tilespmem:$0x4310]  }
0x76: {  	[tilespmem:$0x1E040] =	vst v0;
	v0 =	vld [tilespmem:$0x4120]  }
0x77: {  	v58 =	vld [tilespmem:$0x1B10]  }
0x78: {  	v48 =	vld [tilespmem:$0x1D10]  }
0x79: {  	[tilespmem:$0x1DEC0] =	vst v3;
	v3 =	vld [tilespmem:$0x2910]  }
0x7a: {  	[tilespmem:$0x1E080] =	vst v1;
	v1 =	vld [tilespmem:$0x4510]  }
0x7b: {  	[tilespmem:$0x1E070] =	vst v0;
	v0 =	vld [tilespmem:$0x4320]  }
0x7c: {  	v49 =	vld [tilespmem:$0x1F10]  }
0x7d: {  	v50 =	vld [tilespmem:$0x2110]  }
0x7e: {  	[tilespmem:$0x1DED0] =	vst v3;
	v3 =	vld [tilespmem:$0x2B10]  }
0x7f: {  	[tilespmem:$0x1E0B0] =	vst v1;
	v1 =	vld [tilespmem:$0x4710]  }
0x80: {  	[tilespmem:$0x1E0A0] =	vst v0;
	v0 =	vld [tilespmem:$0x4520]  }
0x81: {  	v18 =	vld [tilespmem:$0x1920]  }
0x82: {  	v21 =	vld [tilespmem:$0x1B20]  }
0x83: {  	[tilespmem:$0x1DEE0] =	vst v3;
	v3 =	vld [tilespmem:$0x2D10]  }
0x84: {  	[tilespmem:$0x1E0E0] =	vst v1;
	v1 =	vld [tilespmem:$0x4910]  }
0x85: {  	[tilespmem:$0x1E0D0] =	vst v0;
	v0 =	vld [tilespmem:$0x4720]  }
0x86: {  	v25 =	vld [tilespmem:$0x1D20]  }
0x87: {  	v29 =	vld [tilespmem:$0x1F20]  }
0x88: {  	[tilespmem:$0x1DEF0] =	vst v3;
	v3 =	vld [tilespmem:$0x2F10]  }
0x89: {  	[tilespmem:$0x1E120] =	vst v1;
	v1 =	vld [tilespmem:$0x4B10]  }
0x8a: {  	[tilespmem:$0x1E100] =	vst v0;
	v0 =	vld [tilespmem:$0x4920]  }
0x8b: {  	v33 =	vld [tilespmem:$0x2120]  }
0x8c: {  	v37 =	vld [tilespmem:$0x2320];
	[tilespmem:$0x1DE70] =	vst v48  }
0x8d: {  	[tilespmem:$0x1DF00] =	vst v3;
	v3 =	vld [tilespmem:$0x3110]  }
0x8e: {  	[tilespmem:$0x1E160] =	vst v1;
	v1 =	vld [tilespmem:$0x4D10]  }
0x8f: {  	[tilespmem:$0x1E140] =	vst v0;
	v0 =	vld [tilespmem:$0x4B20]  }
0x90: {  	v41 =	vld [tilespmem:$0x2520];
	[tilespmem:$0x1DE80] =	vst v49  }
0x91: {  	v56 =	vld [tilespmem:$0x2B20];
	[tilespmem:$0x1DE90] =	vst v50  }
0x92: {  	v60 =	vld [tilespmem:$0x2D20];
	[tilespmem:$0x1DF20] =	vst v3  }
0x93: {  	v50 =	vld [tilespmem:$0x2920];
	[tilespmem:$0x1E1A0] =	vst v1  }
0x94: {  	v45 =	vld [tilespmem:$0x2720];
	[tilespmem:$0x1E180] =	vst v0  }
0x95: {  	v0 =	vld [tilespmem:$0x4D20]  }
0x96: {  	v6 =	vld [tilespmem:$0x1930]  }
0x97: {  	v8 =	vld [tilespmem:$0x1B30]  }
0x98: {  	v10 =	vld [tilespmem:$0x1D30]  }
0x99: {  	v12 =	vld [tilespmem:$0x1F30]  }
0x9a: {  	v14 =	vld [tilespmem:$0x2130]  }
0x9b: {  	v16 =	vld [tilespmem:$0x2330]  }
0x9c: {  	v19 =	vld [tilespmem:$0x2530]  }
0x9d: {  	v23 =	vld [tilespmem:$0x2730]  }
0x9e: {  	v26 =	vld [tilespmem:$0x2930]  }
0x9f: {  	v30 =	vld [tilespmem:$0x2B30]  }
0xa0: {  	v34 =	vld [tilespmem:$0x2D30]  }
0xa1: {  	v39 =	vld [tilespmem:$0x2F30]  }
0xa2: {  	v42 =	vld [tilespmem:$0x3130]  }
0xa3: {  	v47 =	vld [tilespmem:$0x3330]  }
0xa4: {  	v53 =	vld [tilespmem:$0x3530]  }
0xa5: {  	v59 =	vld [tilespmem:$0x3730]  }
0xa6: {  	v1 =	vld [tilespmem:$0x1B40]  }
0xa7: {  	v2 =	vld [tilespmem:$0x1D40]  }
0xa8: {  	v3 =	vld [tilespmem:$0x1F40]  }
0xa9: {  	v4 =	vld [tilespmem:$0x2140]  }
0xaa: {  	v5 =	vld [tilespmem:$0x2340]  }
0xab: {  	v7 =	vld [tilespmem:$0x2540]  }
0xac: {  	v9 =	vld [tilespmem:$0x2740]  }
0xad: {  	v11 =	vld [tilespmem:$0x2940]  }
0xae: {  	v13 =	vld [tilespmem:$0x2B40]  }
0xaf: {  	v15 =	vld [tilespmem:$0x2D40]  }
0xb0: {  	v17 =	vld [tilespmem:$0x2F40]  }
0xb1: {  	v20 =	vld [tilespmem:$0x3140]  }
0xb2: {  	v24 =	vld [tilespmem:$0x3340]  }
0xb3: {  	v28 =	vld [tilespmem:$0x3540]  }
0xb4: {  	v32 =	vld [tilespmem:$0x3740]  }
0xb5: {  	v35 =	vld [tilespmem:$0x3940]  }
0xb6: {  	v40 =	vld [tilespmem:$0x3B40]  }
0xb7: {  	v44 =	vld [tilespmem:$0x3D40]  }
0xb8: {  	v49 =	vld [tilespmem:$0x3F40]  }
0xb9: {  	v54 =	vld [tilespmem:$0x4140]  }
0xba: {  	v62 =	vld [tilespmem:$0x4340]  }
0xbb: {  	v22 =	vld [tilespmem:$0x4540]  }
0xbc: {  	v51 =	vld [tilespmem:$0x4740]  }
0xbd: {  	v52 =	vld [tilespmem:$0x4940]  }
0xbe: {  	v57 =	vld [tilespmem:$0x4B40]  }
0xbf: {  	v61 =	vld [tilespmem:$0x4D40]  }
0xc0: {  	v63 =	vld [tilespmem:$0x4F40]  }
0xc1: {  	v27 =	vld [tilespmem:$0x5140]  }
0xc2: {  	v31 =	vld [tilespmem:$0x5340]  }
0xc3: {  	v36 =	vld [tilespmem:$0x5540]  }
0xc4: {  	v38 =	vld [tilespmem:$0x5740]  }
0xc5: {  	v18 =	vadd.f32 $0.0e+00, v18;
	v43 =	vld [tilespmem:$0x1950]  }
0xc6: {  	v55 =	vadd.f32 $0.0e+00, v55;
	v46 =	vld [tilespmem:$0x1B50]  }
0xc7: {  	v18 =	vadd.f32 v21, v18;
	v48 =	vld [tilespmem:$0x1D50]  }
0xc8: {  	v55 =	vadd.f32 v58, v55;
	v58 =	vld [tilespmem:$0x1DE70]  }
0xc9: {  	v18 =	vadd.f32 v25, v18;
	v25 =	vld [tilespmem:$0x2B90]  }
0xca: {  	[tilespmem:$0x1E1C0] =	vst v0;
	v0 =	vld [tilespmem:$0x4F20]  }
0xcb: {  	[tilespmem:$0x1E150] =	vst v51;
	v51 =	vld [tilespmem:$0x1F50]  }
0xcc: {  	[tilespmem:$0x1E190] =	vst v52;
	v52 =	vld [tilespmem:$0x2150]  }
0xcd: {  	[tilespmem:$0x1E1D0] =	vst v57;
	v57 =	vld [tilespmem:$0x2350]  }
0xce: {  	[tilespmem:$0x1E210] =	vst v61;
	v61 =	vld [tilespmem:$0x2550]  }
0xcf: {  	[tilespmem:$0x1E250] =	vst v63;
	v63 =	vld [tilespmem:$0x2750]  }
0xd0: {  	[tilespmem:$0x1E290] =	vst v27;
	v27 =	vld [tilespmem:$0x2950]  }
0xd1: {  	[tilespmem:$0x1E2D0] =	vst v31;
	v31 =	vld [tilespmem:$0x2B50]  }
0xd2: {  	[tilespmem:$0x1E310] =	vst v36;
	v36 =	vld [tilespmem:$0x2D50]  }
0xd3: {  	[tilespmem:$0x1E340] =	vst v38;
	v38 =	vld [tilespmem:$0x2F50]  }
0xd4: {  	[tilespmem:$0x1E330] =	vst v43;
	v43 =	vld [tilespmem:$0x3150]  }
0xd5: {  	[tilespmem:$0x1E360] =	vst v46;
	v46 =	vld [tilespmem:$0x3350]  }
0xd6: {  	[tilespmem:$0x1E380] =	vst v48;
	v48 =	vld [tilespmem:$0x3550]  }
0xd7: {  	[tilespmem:$0x1E110] =	vst v22;
	v22 =	vld [tilespmem:$0x1980]  }
0xd8: {  	v6 =	vadd.f32 $0.0e+00, v6;
	v21 =	vadd.f32 v58, v55;
	v55 =	vld [tilespmem:$0x2F90]  }
0xd9: {  	[tilespmem:$0x1EB60] =	vst v25;
	v25 =	vld [tilespmem:$0x1DEE0]  }
0xda: {  	v6 =	vadd.f32 v8, v6;
	v8 =	vadd.f32 v29, v18;
	v18 =	vld [tilespmem:$0x3D90]  }
0xdb: {  	v29 =	vld [tilespmem:$0x4390]  }
0xdc: {  	v58 =	vadd.f32 v33, v8;
	v8 =	vld [tilespmem:$0x1DEB0]  }
0xdd: {  	v6 =	vadd.f32 v10, v6;
	v10 =	vld [tilespmem:$0x3790]  }
0xde: {  	v33 =	vld [tilespmem:$0x4590]  }
0xdf: {  	[tilespmem:$0x1E200] =	vst v0;
	v0 =	vld [tilespmem:$0x5120]  }
0xe0: {  	[tilespmem:$0x1E3A0] =	vst v51;
	v51 =	vld [tilespmem:$0x3750]  }
0xe1: {  	[tilespmem:$0x1E3C0] =	vst v52;
	v52 =	vld [tilespmem:$0x3950]  }
0xe2: {  	[tilespmem:$0x1E3F0] =	vst v57;
	v57 =	vld [tilespmem:$0x3B50]  }
0xe3: {  	[tilespmem:$0x1E420] =	vst v61;
	v61 =	vld [tilespmem:$0x3D50]  }
0xe4: {  	[tilespmem:$0x1E450] =	vst v63;
	v63 =	vld [tilespmem:$0x3F50]  }
0xe5: {  	[tilespmem:$0x1E480] =	vst v27;
	v27 =	vld [tilespmem:$0x4150]  }
0xe6: {  	[tilespmem:$0x1E4B0] =	vst v31;
	v31 =	vld [tilespmem:$0x4350]  }
0xe7: {  	[tilespmem:$0x1E4E0] =	vst v36;
	v36 =	vld [tilespmem:$0x4550]  }
0xe8: {  	[tilespmem:$0x1E520] =	vst v38;
	v38 =	vld [tilespmem:$0x4750]  }
0xe9: {  	[tilespmem:$0x1E560] =	vst v43;
	v43 =	vld [tilespmem:$0x4950]  }
0xea: {  	[tilespmem:$0x1E5A0] =	vst v46;
	v46 =	vld [tilespmem:$0x4B50]  }
0xeb: {  	[tilespmem:$0x1E5E0] =	vst v48;
	v48 =	vld [tilespmem:$0x4D50]  }
0xec: {  	[tilespmem:$0x1EBA0] =	vst v55;
	v55 =	vld [tilespmem:$0x4B90]  }
0xed: {  	[tilespmem:$0x1EC80] =	vst v18;
	v18 =	vld [tilespmem:$0x1DF90]  }
0xee: {  	[tilespmem:$0x1ED00] =	vst v29;
	v29 =	vld [tilespmem:$0x1DFF0]  }
0xef: {  	[tilespmem:$0x1EC20] =	vst v10;
	v10 =	vld [tilespmem:$0x1DF40]  }
0xf0: {  	[tilespmem:$0x1ED30] =	vst v33;
	v33 =	vld [tilespmem:$0x1E010]  }
0xf1: {  	[tilespmem:$0x1E240] =	vst v0;
	v0 =	vld [tilespmem:$0x5320]  }
0xf2: {  	[tilespmem:$0x1E620] =	vst v51;
	v51 =	vld [tilespmem:$0x4F50]  }
0xf3: {  	[tilespmem:$0x1E660] =	vst v52;
	v52 =	vld [tilespmem:$0x5150]  }
0xf4: {  	[tilespmem:$0x1E6A0] =	vst v57;
	v57 =	vld [tilespmem:$0x5350]  }
0xf5: {  	[tilespmem:$0x1E6E0] =	vst v61;
	v61 =	vld [tilespmem:$0x5550]  }
0xf6: {  	[tilespmem:$0x1E720] =	vst v63;
	v63 =	vld [tilespmem:$0x5750]  }
0xf7: {  	[tilespmem:$0x1E760] =	vst v27;
	v27 =	vld [tilespmem:$0x1960]  }
0xf8: {  	[tilespmem:$0x1E7A0] =	vst v31;
	v31 =	vld [tilespmem:$0x1B60]  }
0xf9: {  	[tilespmem:$0x1E7E0] =	vst v36;
	v36 =	vld [tilespmem:$0x1D60]  }
0xfa: {  	[tilespmem:$0x1E820] =	vst v38;
	v38 =	vld [tilespmem:$0x1F60]  }
0xfb: {  	[tilespmem:$0x1E860] =	vst v43;
	v43 =	vld [tilespmem:$0x2160]  }
0xfc: {  	[tilespmem:$0x1E8A0] =	vst v46;
	v46 =	vld [tilespmem:$0x2360]  }
0xfd: {  	[tilespmem:$0x1E280] =	vst v0;
	v0 =	vld [tilespmem:$0x5520]  }
0xfe: {  	[tilespmem:$0x1EA20] =	vst v63;
	v63 =	vld [tilespmem:$0x2F60]  }
0xff: {  	[tilespmem:$0x1E8E0] =	vst v48;
	v48 =	vld [tilespmem:$0x2560]  }
0x100: {  	[tilespmem:$0x1EDC0] =	vst v55;
	v55 =	vld [tilespmem:$0x1E070]  }
0x101: {  	[tilespmem:$0x1E920] =	vst v51;
	v51 =	vld [tilespmem:$0x2760]  }
0x102: {  	[tilespmem:$0x1E2C0] =	vst v0;
	v0 =	vld [tilespmem:$0x5720]  }
0x103: {  	[tilespmem:$0x1E540] =	vst v63;
	v63 =	vld [tilespmem:$0x4760]  }
0x104: {  	[tilespmem:$0x1E960] =	vst v52;
	v52 =	vld [tilespmem:$0x2960]  }
0x105: {  	[tilespmem:$0x1E9A0] =	vst v57;
	v57 =	vld [tilespmem:$0x2B60]  }
0x106: {  	[tilespmem:$0x1E9E0] =	vst v61;
	v61 =	vld [tilespmem:$0x2D60]  }
0x107: {  	[tilespmem:$0x1E300] =	vst v0;
	v0 =	vld [tilespmem:$0x3930]  }
0x108: {  	[tilespmem:$0x1E840] =	vst v63;
	v63 =	vld [tilespmem:$0x2370]  }
0x109: {  	[tilespmem:$0x1E350] =	vst v27;
	v27 =	vld [tilespmem:$0x3160]  }
0x10a: {  	[tilespmem:$0x1E370] =	vst v31;
	v31 =	vld [tilespmem:$0x3360]  }
0x10b: {  	[tilespmem:$0x1E390] =	vst v36;
	v36 =	vld [tilespmem:$0x3560]  }
0x10c: {  	[tilespmem:$0x1DFD0] =	vst v0;
	v0 =	vld [tilespmem:$0x3B30]  }
0x10d: {  	[tilespmem:$0x1E430] =	vst v63;
	v63 =	vld [tilespmem:$0x3570]  }
0x10e: {  	[tilespmem:$0x1E3B0] =	vst v38;
	v38 =	vld [tilespmem:$0x3760]  }
0x10f: {  	[tilespmem:$0x1E3E0] =	vst v43;
	v43 =	vld [tilespmem:$0x3960]  }
0x110: {  	[tilespmem:$0x1E410] =	vst v46;
	v46 =	vld [tilespmem:$0x3B60]  }
0x111: {  	[tilespmem:$0x1E000] =	vst v0;
	v0 =	vld [tilespmem:$0x3D30]  }
0x112: {  	[tilespmem:$0x1E630] =	vst v63;
	v63 =	vld [tilespmem:$0x4770]  }
0x113: {  	[tilespmem:$0x1E440] =	vst v48;
	v48 =	vld [tilespmem:$0x3D60]  }
0x114: {  	[tilespmem:$0x1E470] =	vst v51;
	v51 =	vld [tilespmem:$0x3F60]  }
0x115: {  	[tilespmem:$0x1E4A0] =	vst v52;
	v52 =	vld [tilespmem:$0x4160]  }
0x116: {  	[tilespmem:$0x1E030] =	vst v0;
	v0 =	vld [tilespmem:$0x3F30]  }
0x117: {  	[tilespmem:$0x1E870] =	vst v63;
	v63 =	vld [tilespmem:$0x2B80]  }
0x118: {  	[tilespmem:$0x1E4D0] =	vst v57;
	v57 =	vld [tilespmem:$0x4360]  }
0x119: {  	[tilespmem:$0x1E500] =	vst v61;
	v61 =	vld [tilespmem:$0x4560]  }
0x11a: {  	[tilespmem:$0x1E580] =	vst v27;
	v27 =	vld [tilespmem:$0x4960]  }
0x11b: {  	[tilespmem:$0x1E060] =	vst v0;
	v0 =	vld [tilespmem:$0x4130]  }
0x11c: {  	[tilespmem:$0x1E510] =	vst v63;
	v63 =	vld [tilespmem:$0x2D80]  }
0x11d: {  	[tilespmem:$0x1E5C0] =	vst v31;
	v31 =	vld [tilespmem:$0x4B60]  }
0x11e: {  	[tilespmem:$0x1E600] =	vst v36;
	v36 =	vld [tilespmem:$0x4D60]  }
0x11f: {  	[tilespmem:$0x1E640] =	vst v38;
	v38 =	vld [tilespmem:$0x4F60]  }
0x120: {  	[tilespmem:$0x1E090] =	vst v0;
	v0 =	vld [tilespmem:$0x4330]  }
0x121: {  	[tilespmem:$0x1E550] =	vst v63;
	v63 =	vld [tilespmem:$0x2F80]  }
0x122: {  	[tilespmem:$0x1E680] =	vst v43;
	v43 =	vld [tilespmem:$0x5160]  }
0x123: {  	[tilespmem:$0x1E6C0] =	vst v46;
	v46 =	vld [tilespmem:$0x5360]  }
0x124: {  	[tilespmem:$0x1E700] =	vst v48;
	v48 =	vld [tilespmem:$0x5560]  }
0x125: {  	[tilespmem:$0x1E0C0] =	vst v0;
	v0 =	vld [tilespmem:$0x4530]  }
0x126: {  	[tilespmem:$0x1E590] =	vst v63;
	v63 =	vld [tilespmem:$0x3180]  }
0x127: {  	[tilespmem:$0x1E740] =	vst v51;
	v51 =	vld [tilespmem:$0x5760]  }
0x128: {  	[tilespmem:$0x1E9C0] =	vst v46;
	v46 =	vld [tilespmem:$0x1970]  }
0x129: {  	[tilespmem:$0x1E7C0] =	vst v57;
	v57 =	vld [tilespmem:$0x1D70]  }
0x12a: {  	[tilespmem:$0x1E0F0] =	vst v0;
	v0 =	vld [tilespmem:$0x4730]  }
0x12b: {  	[tilespmem:$0x1E5D0] =	vst v63;
	v63 =	vld [tilespmem:$0x3380]  }
0x12c: {  	[tilespmem:$0x1E780] =	vst v52;
	v52 =	vld [tilespmem:$0x1F70]  }
0x12d: {  	[tilespmem:$0x1E800] =	vst v61;
	v61 =	vld [tilespmem:$0x2170]  }
0x12e: {  	[tilespmem:$0x1E880] =	vst v27;
	v27 =	vld [tilespmem:$0x2570]  }
0x12f: {  	[tilespmem:$0x1E130] =	vst v0;
	v0 =	vld [tilespmem:$0x4930]  }
0x130: {  	[tilespmem:$0x1E610] =	vst v63;
	v63 =	vld [tilespmem:$0x3580]  }
0x131: {  	[tilespmem:$0x1E8C0] =	vst v31;
	v31 =	vld [tilespmem:$0x2770]  }
0x132: {  	[tilespmem:$0x1E900] =	vst v36;
	v36 =	vld [tilespmem:$0x2970]  }
0x133: {  	[tilespmem:$0x1E940] =	vst v38;
	v38 =	vld [tilespmem:$0x2B70]  }
0x134: {  	[tilespmem:$0x1E170] =	vst v0;
	v0 =	vld [tilespmem:$0x4B30]  }
0x135: {  	[tilespmem:$0x1E650] =	vst v63;
	v63 =	vld [tilespmem:$0x3780]  }
0x136: {  	[tilespmem:$0x1E980] =	vst v43;
	v43 =	vld [tilespmem:$0x2D70]  }
0x137: {  	[tilespmem:$0x1EA00] =	vst v48;
	v48 =	vld [tilespmem:$0x2F70]  }
0x138: {  	[tilespmem:$0x1EA40] =	vst v51;
	v51 =	vld [tilespmem:$0x1B70]  }
0x139: {  	[tilespmem:$0x1E1B0] =	vst v0;
	v0 =	vld [tilespmem:$0x4D30]  }
0x13a: {  	[tilespmem:$0x1E690] =	vst v63;
	v63 =	vld [tilespmem:$0x3980]  }
0x13b: {  	[tilespmem:$0x1E3D0] =	vst v52;
	v52 =	vld [tilespmem:$0x3170]  }
0x13c: {  	[tilespmem:$0x1E400] =	vst v61;
	v61 =	vld [tilespmem:$0x3370]  }
0x13d: {  	[tilespmem:$0x1E460] =	vst v27;
	v27 =	vld [tilespmem:$0x3770]  }
0x13e: {  	[tilespmem:$0x1E1F0] =	vst v0;
	v0 =	vld [tilespmem:$0x4F30]  }
0x13f: {  	[tilespmem:$0x1E6D0] =	vst v63;
	v63 =	vld [tilespmem:$0x3B80]  }
0x140: {  	[tilespmem:$0x1E490] =	vst v31;
	v31 =	vld [tilespmem:$0x3970]  }
0x141: {  	[tilespmem:$0x1E4C0] =	vst v36;
	v36 =	vld [tilespmem:$0x3B70]  }
0x142: {  	[tilespmem:$0x1E4F0] =	vst v38;
	v38 =	vld [tilespmem:$0x3D70]  }
0x143: {  	[tilespmem:$0x1E230] =	vst v0;
	v0 =	vld [tilespmem:$0x5130]  }
0x144: {  	[tilespmem:$0x1E710] =	vst v63;
	v63 =	vld [tilespmem:$0x3D80]  }
0x145: {  	[tilespmem:$0x1E530] =	vst v43;
	v43 =	vld [tilespmem:$0x3F70]  }
0x146: {  	[tilespmem:$0x1E570] =	vst v48;
	v48 =	vld [tilespmem:$0x4170]  }
0x147: {  	[tilespmem:$0x1E5B0] =	vst v52;
	v52 =	vld [tilespmem:$0x4370]  }
0x148: {  	[tilespmem:$0x1E270] =	vst v0;
	v0 =	vld [tilespmem:$0x5330]  }
0x149: {  	[tilespmem:$0x1E750] =	vst v63;
	v63 =	vld [tilespmem:$0x3F80]  }
0x14a: {  	[tilespmem:$0x1E5F0] =	vst v61;
	v61 =	vld [tilespmem:$0x4570]  }
0x14b: {  	[tilespmem:$0x1E670] =	vst v27;
	v27 =	vld [tilespmem:$0x4970]  }
0x14c: {  	[tilespmem:$0x1E6B0] =	vst v31;
	v31 =	vld [tilespmem:$0x4B70]  }
0x14d: {  	[tilespmem:$0x1E2B0] =	vst v0;
	v0 =	vld [tilespmem:$0x5530]  }
0x14e: {  	[tilespmem:$0x1E790] =	vst v63;
	v63 =	vld [tilespmem:$0x4180]  }
0x14f: {  	[tilespmem:$0x1E6F0] =	vst v36;
	v36 =	vld [tilespmem:$0x4D70]  }
0x150: {  	[tilespmem:$0x1E730] =	vst v38;
	v38 =	vld [tilespmem:$0x4F70]  }
0x151: {  	[tilespmem:$0x1E770] =	vst v43;
	v43 =	vld [tilespmem:$0x5170]  }
0x152: {  	[tilespmem:$0x1E2F0] =	vst v0;
	v0 =	vld [tilespmem:$0x5730]  }
0x153: {  	[tilespmem:$0x1E7D0] =	vst v63;
	v63 =	vld [tilespmem:$0x4380]  }
0x154: {  	[tilespmem:$0x1E7B0] =	vst v48;
	v48 =	vld [tilespmem:$0x5370]  }
0x155: {  	[tilespmem:$0x1E7F0] =	vst v52;
	v52 =	vld [tilespmem:$0x5570]  }
0x156: {  	[tilespmem:$0x1E830] =	vst v61;
	v61 =	vld [tilespmem:$0x5770]  }
0x157: {  	[tilespmem:$0x1E320] =	vst v0;
	v0 =	vld [tilespmem:$0x1940]  }
0x158: {  	[tilespmem:$0x1E810] =	vst v63;
	v63 =	vld [tilespmem:$0x4580]  }
0x159: {  	[tilespmem:$0x1E8B0] =	vst v27;
	v27 =	vld [tilespmem:$0x1B80]  }
0x15a: {  	[tilespmem:$0x1E8F0] =	vst v31;
	v31 =	vld [tilespmem:$0x1D80]  }
0x15b: {  	[tilespmem:$0x1E930] =	vst v36;
	v36 =	vld [tilespmem:$0x1F80]  }
0x15c: {  	[tilespmem:$0x1E970] =	vst v38;
	v38 =	vld [tilespmem:$0x2180]  }
0x15d: {  	[tilespmem:$0x1E850] =	vst v63;
	v63 =	vld [tilespmem:$0x4780];
	v0 =	vadd.f32 $0.0e+00, v0  }
0x15e: {  	[tilespmem:$0x1E9B0] =	vst v43;
	v43 =	vld [tilespmem:$0x2380]  }
0x15f: {  	v0 =	vadd.f32 v1, v0;
	v1 =	vld [tilespmem:$0x2990]  }
0x160: {  	[tilespmem:$0x1E9F0] =	vst v48;
	v48 =	vld [tilespmem:$0x2580]  }
0x161: {  	v0 =	vadd.f32 v2, v0;
	v2 =	vld [tilespmem:$0x2D90]  }
0x162: {  	[tilespmem:$0x1E890] =	vst v63;
	v63 =	vld [tilespmem:$0x4980]  }
0x163: {  	v0 =	vadd.f32 v3, v0;
	v3 =	vld [tilespmem:$0x3190]  }
0x164: {  	[tilespmem:$0x1EB40] =	vst v1;
	v1 =	vld [tilespmem:$0x1DE80]  }
0x165: {  	[tilespmem:$0x1EA30] =	vst v52;
	v52 =	vld [tilespmem:$0x2780]  }
0x166: {  	v0 =	vadd.f32 v4, v0;
	[tilespmem:$0x1EB80] =	vst v2;
	v2 =	vld [tilespmem:$0x1DE90]  }
0x167: {  	[tilespmem:$0x1E8D0] =	vst v63;
	v63 =	vld [tilespmem:$0x4B80]  }
0x168: {  	[tilespmem:$0x1EA60] =	vst v61;
	v61 =	vld [tilespmem:$0x2980];
	v0 =	vadd.f32 v5, v0  }
0x169: {  	[tilespmem:$0x1EBC0] =	vst v3;
	v3 =	vld [tilespmem:$0x1DEA0];
	v1 =	vadd.f32 v1, v21  }
0x16a: {  	v0 =	vadd.f32 v7, v0;
	v21 =	vld [tilespmem:$0x3F90]  }
0x16b: {  	v1 =	vadd.f32 v2, v1;
	v2 =	vadd.f32 v12, v6;
	v12 =	vld [tilespmem:$0x3990]  }
0x16c: {  	[tilespmem:$0x1E910] =	vst v63;
	v63 =	vld [tilespmem:$0x4D80]  }
0x16d: {  	v0 =	vadd.f32 v9, v0;
	v9 =	vld [tilespmem:$0x5190]  }
0x16e: {  	v1 =	vadd.f32 v3, v1;
	v3 =	vld [tilespmem:$0x3390]  }
0x16f: {  	v2 =	vadd.f32 v14, v2;
	v14 =	vld [tilespmem:$0x1DEC0]  }
0x170: {  	v0 =	vadd.f32 v11, v0;
	v11 =	vld [tilespmem:$0x5390]  }
0x171: {  	[tilespmem:$0x1E950] =	vst v63;
	v63 =	vld [tilespmem:$0x4F80]  }
0x172: {  	[tilespmem:$0x1ECA0] =	vst v21;
	v21 =	vld [tilespmem:$0x21A0]  }
0x173: {  	v2 =	vadd.f32 v16, v2;
	v16 =	vld [tilespmem:$0x3B90]  }
0x174: {  	v1 =	vadd.f32 v8, v1;
	v8 =	vld [tilespmem:$0x1DF30]  }
0x175: {  	v0 =	vadd.f32 v13, v0;
	v13 =	vld [tilespmem:$0x5590]  }
0x176: {  	[tilespmem:$0x1E990] =	vst v63;
	v63 =	vld [tilespmem:$0x5180]  }
0x177: {  	[tilespmem:$0x1EC40] =	vst v12;
	v12 =	vld [tilespmem:$0x1DF50]  }
0x178: {  	[tilespmem:$0x1EE50] =	vst v9;
	v9 =	vld [tilespmem:$0x35A0]  }
0x179: {  	v2 =	vadd.f32 v19, v2;
	v19 =	vld [tilespmem:$0x1DED0]  }
0x17a: {  	v0 =	vadd.f32 v15, v0;
	v15 =	vld [tilespmem:$0x5790]  }
0x17b: {  	[tilespmem:$0x1E9D0] =	vst v63;
	v63 =	vld [tilespmem:$0x5380]  }
0x17c: {  	[tilespmem:$0x1EBE0] =	vst v3;
	v3 =	vadd.f32 v37, v58;
	v37 =	vld [tilespmem:$0x1DEF0]  }
0x17d: {  	v58 =	vld [tilespmem:$0x4D90]  }
0x17e: {  	v1 =	vadd.f32 v14, v1;
	v14 =	vld [tilespmem:$0x1DF60]  }
0x17f: {  	[tilespmem:$0x1EE80] =	vst v11;
	v11 =	vld [tilespmem:$0x1E0C0]  }
0x180: {  	[tilespmem:$0x1EA10] =	vst v63;
	v63 =	vld [tilespmem:$0x5580]  }
0x181: {  	v2 =	vadd.f32 v23, v2;
	v23 =	vld [tilespmem:$0x4190]  }
0x182: {  	v0 =	vadd.f32 v17, v0;
	v17 =	vld [tilespmem:$0x1DF80]  }
0x183: {  	[tilespmem:$0x1EAD0] =	vst v21;
	v21 =	vld [tilespmem:$0x1E120]  }
0x184: {  	v3 =	vadd.f32 v41, v3;
	v41 =	vld [tilespmem:$0x4790]  }
0x185: {  	[tilespmem:$0x1EA50] =	vst v63;
	v63 =	vld [tilespmem:$0x5780]  }
0x186: {  	[tilespmem:$0x1EC60] =	vst v16;
	v16 =	vld [tilespmem:$0x1DF70]  }
0x187: {  	[tilespmem:$0x1EEB0] =	vst v13;
	v13 =	vld [tilespmem:$0x1E0D0]  }
0x188: {  	v0 =	vadd.f32 v20, v0;
	v20 =	vld [tilespmem:$0x1DFB0]  }
0x189: {  	v2 =	vadd.f32 v26, v2;
	v26 =	vld [tilespmem:$0x1DFE0]  }
0x18a: {  	[tilespmem:$0x1EA80] =	vst v63;
	v63 =	vld [tilespmem:$0x1990]  }
0x18b: {  	v3 =	vadd.f32 v45, v3;
	v45 =	vld [tilespmem:$0x4990]  }
0x18c: {  	v1 =	vadd.f32 v19, v1;
	v19 =	vld [tilespmem:$0x1DFA0]  }
0x18d: {  	[tilespmem:$0x1EEE0] =	vst v15;
	v15 =	vld [tilespmem:$0x1E0E0]  }
0x18e: {  	v0 =	vadd.f32 v24, v0;
	v24 =	vld [tilespmem:$0x1DFD0]  }
0x18f: {  	[tilespmem:$0x1EA70] =	vst v63;
	v63 =	vld [tilespmem:$0x1B90]  }
0x190: {  	v2 =	vadd.f32 v30, v2;
	v30 =	vld [tilespmem:$0x1E000]  }
0x191: {  	[tilespmem:$0x1EDF0] =	vst v58;
	v58 =	vld [tilespmem:$0x31A0]  }
0x192: {  	v3 =	vadd.f32 v50, v3;
	v50 =	vld [tilespmem:$0x1DF00]  }
0x193: {  	[tilespmem:$0x1ECD0] =	vst v23;
	v23 =	vld [tilespmem:$0x1DFC0]  }
0x194: {  	[tilespmem:$0x1EA90] =	vst v63;
	v63 =	vld [tilespmem:$0x1D90]  }
0x195: {  	v1 =	vadd.f32 v25, v1;
	v25 =	vld [tilespmem:$0x23A0]  }
0x196: {  	[tilespmem:$0x1ED60] =	vst v41;
	v41 =	vld [tilespmem:$0x1DA0]  }
0x197: {  	v0 =	vadd.f32 v28, v0;
	v28 =	vld [tilespmem:$0x25A0]  }
0x198: {  	v2 =	vadd.f32 v34, v2;
	v34 =	vld [tilespmem:$0x29A0]  }
0x199: {  	[tilespmem:$0x1EAA0] =	vst v63;
	v63 =	vld [tilespmem:$0x1F90]  }
0x19a: {  	v3 =	vadd.f32 v56, v3;
	v56 =	vld [tilespmem:$0x1DF10]  }
0x19b: {  	v1 =	vadd.f32 v37, v1;
	v37 =	vld [tilespmem:$0x1BA0]  }
0x19c: {  	v0 =	vadd.f32 v32, v0;
	v32 =	vld [tilespmem:$0x27A0]  }
0x19d: {  	v2 =	vadd.f32 v39, v2;
	v39 =	vld [tilespmem:$0x1E030]  }
0x19e: {  	[tilespmem:$0x1EAB0] =	vst v63;
	v63 =	vld [tilespmem:$0x2190]  }
0x19f: {  	[tilespmem:$0x1ED90] =	vst v45;
	v45 =	vld [tilespmem:$0x1E050]  }
0x1a0: {  	v3 =	vadd.f32 v60, v3;
	v60 =	vld [tilespmem:$0x1DF20]  }
0x1a1: {  	v0 =	vadd.f32 v35, v0;
	v35 =	vld [tilespmem:$0x1E020]  }
0x1a2: {  	v2 =	vadd.f32 v42, v2;
	v42 =	vld [tilespmem:$0x1E040]  }
0x1a3: {  	[tilespmem:$0x1EAC0] =	vst v63;
	v63 =	vld [tilespmem:$0x2390]  }
0x1a4: {  	v1 =	vadd.f32 v50, v1;
	v50 =	vld [tilespmem:$0x1E060]  }
0x1a5: {  	[tilespmem:$0x1EAF0] =	vst v25;
	v25 =	vld [tilespmem:$0x1E140]  }
0x1a6: {  	[tilespmem:$0x1EB10] =	vst v28;
	v28 =	vld [tilespmem:$0x41A0]  }
0x1a7: {  	v3 =	vadd.f32 v56, v3;
	v56 =	vld [tilespmem:$0x19A0]  }
0x1a8: {  	[tilespmem:$0x1EAE0] =	vst v63;
	v63 =	vld [tilespmem:$0x2590]  }
0x1a9: {  	v2 =	vadd.f32 v47, v2;
	v47 =	vld [tilespmem:$0x1FA0]  }
0x1aa: {  	v0 =	vadd.f32 v40, v0;
	v40 =	vld [tilespmem:$0x2BA0]  }
0x1ab: {  	[tilespmem:$0x1EB30] =	vst v32;
	v32 =	vld [tilespmem:$0x43A0]  }
0x1ac: {  	v0 =	vadd.f32 v44, v0;
	v44 =	vld [tilespmem:$0x2DA0]  }
0x1ad: {  	[tilespmem:$0x1EB00] =	vst v63;
	v63 =	vld [tilespmem:$0x2790]  }
0x1ae: {  	v2 =	vadd.f32 v53, v2;
	v53 =	vld [tilespmem:$0x2FA0]  }
0x1af: {  	v1 =	vadd.f32 v60, v1;
	v60 =	vld [tilespmem:$0x1E090]  }
0x1b0: {  	v3 =	vadd.f32 v8, v3;
	v8 =	vld [tilespmem:$0x1E0A0]  }
0x1b1: {  	[tilespmem:$0x1EC10] =	vst v9;
	v2 =	vadd.f32 v59, v2;
	v59 =	vld [tilespmem:$0x1E080]  }
0x1b2: {  	v1 =	vadd.f32 v10, v1;
	[tilespmem:$0x1EB20] =	vst v63;
	v63 =	vld [tilespmem:$0x3590]  }
0x1b3: {  	[tilespmem:$0x1EBD0] =	vst v58;
	v10 =	vld [tilespmem:$0x1E0B0]  }
0x1b4: {  	[tilespmem:$0x1EB50] =	vst v34;
	v3 =	vadd.f32 v12, v3;
	v12 =	vld [tilespmem:$0x37A0];
	v1 =	vadd.f32 v14, v1  }
0x1b5: {  	[tilespmem:$0x1ECF0] =	vst v28;
	v14 =	vld [tilespmem:$0x39A0]  }
0x1b6: {  	[tilespmem:$0x1EB70] =	vst v40;
	v3 =	vadd.f32 v16, v3;
	v16 =	vld [tilespmem:$0x1E0F0];
	v1 =	vadd.f32 v17, v1  }
0x1b7: {  	[tilespmem:$0x1EC00] =	vst v63;
	v63 =	vld [tilespmem:$0x4F90]  }
0x1b8: {  	v2 =	vadd.f32 v24, v2;
	v24 =	vld [tilespmem:$0x3FA0];
	[tilespmem:$0x1ED20] =	vst v32;
	v1 =	vadd.f32 v19, v1  }
0x1b9: {  	[tilespmem:$0x1EB90] =	vst v44;
	v3 =	vadd.f32 v18, v3;
	v17 =	vld [tilespmem:$0x3BA0]  }
0x1ba: {  	[tilespmem:$0x1EBB0] =	vst v53;
	v18 =	vld [tilespmem:$0x1E100];
	v1 =	vadd.f32 v23, v1  }
0x1bb: {  	[tilespmem:$0x1EC30] =	vst v12;
	v3 =	vadd.f32 v20, v3;
	v20 =	vld [tilespmem:$0x3DA0]  }
0x1bc: {  	v1 =	vadd.f32 v29, v1;
	[tilespmem:$0x1EE20] =	vst v63;
	v63 =	vld [tilespmem:$0x33A0]  }
0x1bd: {  	v2 =	vadd.f32 v30, v2;
	v30 =	vld [tilespmem:$0x1E170];
	[tilespmem:$0x1EC50] =	vst v14  }
0x1be: {  	v19 =	vld [tilespmem:$0x1E110];
	[tilespmem:$0x1ECC0] =	vst v24;
	v1 =	vadd.f32 v35, v1  }
0x1bf: {  	v23 =	vld [tilespmem:$0x1E130];
	[tilespmem:$0x1EC70] =	vst v17  }
0x1c0: {  	v3 =	vadd.f32 v26, v3;
	v26 =	vld [tilespmem:$0x1E150];
	[tilespmem:$0x1EC90] =	vst v20;
	v1 =	vadd.f32 v45, v1  }
0x1c1: {  	v29 =	vld [tilespmem:$0x1E160];
	[tilespmem:$0x1EBF0] =	vst v63  }
0x1c2: {  	v1 =	vadd.f32 v59, v1;
	v4 =	vld [tilespmem:$0x1E180]  }
0x1c3: {  	v3 =	vadd.f32 v33, v3;
	v33 =	vld [tilespmem:$0x1E190]  }
0x1c4: {  	v1 =	vadd.f32 v10, v1;
	v35 =	vld [tilespmem:$0x1E1A0]  }
0x1c5: {  	v2 =	vadd.f32 v39, v2;
	v39 =	vld [tilespmem:$0x1E1B0]  }
0x1c6: {  	v3 =	vadd.f32 v42, v3;
	v1 =	vadd.f32 v15, v1;
	v42 =	vld [tilespmem:$0x1E1C0]  }
0x1c7: {  	v2 =	vadd.f32 v50, v2;
	v44 =	vld [tilespmem:$0x1E1D0]  }
0x1c8: {  	v0 =	vadd.f32 v49, v0;
	v1 =	vadd.f32 v21, v1;
	v49 =	vld [tilespmem:$0x1E1E0]  }
0x1c9: {  	v2 =	vadd.f32 v60, v2;
	v50 =	vld [tilespmem:$0x1E1F0]  }
0x1ca: {  	v1 =	vadd.f32 v29, v1;
	v53 =	vld [tilespmem:$0x4BA0]  }
0x1cb: {  	v0 =	vadd.f32 v54, v0;
	v2 =	vadd.f32 v11, v2;
	v59 =	vld [tilespmem:$0x1E220]  }
0x1cc: {  	v3 =	vadd.f32 v55, v3;
	v54 =	vld [tilespmem:$0x1E200];
	v1 =	vadd.f32 v35, v1  }
0x1cd: {  	v2 =	vadd.f32 v16, v2;
	v10 =	vld [tilespmem:$0x1E260]  }
0x1ce: {  	v3 =	vadd.f32 v8, v3;
	v55 =	vld [tilespmem:$0x1E210];
	v1 =	vadd.f32 v49, v1  }
0x1cf: {  	v2 =	vadd.f32 v23, v2;
	v16 =	vld [tilespmem:$0x1E2A0]  }
0x1d0: {  	v3 =	vadd.f32 v13, v3;
	v58 =	vld [tilespmem:$0x4DA0];
	v1 =	vadd.f32 v59, v1  }
0x1d1: {  	v2 =	vadd.f32 v30, v2;
	v21 =	vld [tilespmem:$0x1E2E0]  }
0x1d2: {  	v3 =	vadd.f32 v18, v3;
	v60 =	vld [tilespmem:$0x1E230];
	v1 =	vadd.f32 v10, v1  }
0x1d3: {  	v0 =	vadd.f32 v62, v0;
	v62 =	vld [tilespmem:$0x4FA0];
	v2 =	vadd.f32 v39, v2  }
0x1d4: {  	v3 =	vadd.f32 v25, v3;
	v11 =	vld [tilespmem:$0x1E270];
	v1 =	vadd.f32 v16, v1  }
0x1d5: {  	v63 =	vld [tilespmem:$0x1E240];
	v2 =	vadd.f32 v50, v2  }
0x1d6: {  	v17 =	vld [tilespmem:$0x1E2B0];
	v3 =	vadd.f32 v4, v3;
	v1 =	vadd.f32 v21, v1  }
0x1d7: {  	v8 =	vld [tilespmem:$0x1E250];
	v2 =	vadd.f32 v60, v2  }
0x1d8: {  	v3 =	vadd.f32 v42, v3;
	[tilespmem:$0x1EF50] =	vst v1;
	v1 =	vld [tilespmem:$0x1E2F0]  }
0x1d9: {  	v0 =	vadd.f32 v19, v0;
	v13 =	vld [tilespmem:$0x1E280];
	v2 =	vadd.f32 v11, v2  }
0x1da: {  	v9 =	vld [tilespmem:$0x51A0];
	v3 =	vadd.f32 v54, v3  }
0x1db: {  	v0 =	vadd.f32 v26, v0;
	v19 =	vld [tilespmem:$0x1E2C0];
	v2 =	vadd.f32 v17, v2  }
0x1dc: {  	v12 =	vld [tilespmem:$0x53A0];
	v3 =	vadd.f32 v63, v3  }
0x1dd: {  	v0 =	vadd.f32 v33, v0;
	v1 =	vadd.f32 v1, v2;
	v2 =	vld [tilespmem:$0x1E300]  }
0x1de: {  	v14 =	vld [tilespmem:$0x1E290];
	v3 =	vadd.f32 v13, v3  }
0x1df: {  	v15 =	vld [tilespmem:$0x55A0];
	v0 =	vadd.f32 v44, v0  }
0x1e0: {  	v18 =	vld [tilespmem:$0x57A0];
	v3 =	vadd.f32 v19, v3  }
0x1e1: {  	v20 =	vld [tilespmem:$0x1E2D0];
	v0 =	vadd.f32 v55, v0  }
0x1e2: {  	v23 =	vld [tilespmem:$0x1E380];
	v2 =	vadd.f32 v2, v3  }
0x1e3: {  	v24 =	vld [tilespmem:$0x1E390];
	v0 =	vadd.f32 v8, v0  }
0x1e4: {  	[tilespmem:$0x1EF70] =	vst v2;
	v2 =	vld [tilespmem:$0x1E310]  }
0x1e5: {  	v25 =	vld [tilespmem:$0x1E3A0];
	v0 =	vadd.f32 v14, v0  }
0x1e6: {  	v28 =	vld [tilespmem:$0x1E3C0]  }
0x1e7: {  	v29 =	vld [tilespmem:$0x1E3D0];
	v0 =	vadd.f32 v20, v0  }
0x1e8: {  	v30 =	vld [tilespmem:$0x1E3E0]  }
0x1e9: {  	v0 =	vadd.f32 v2, v0;
	v2 =	vld [tilespmem:$0x1E320]  }
0x1ea: {  	v32 =	vld [tilespmem:$0x1E400]  }
0x1eb: {  	[tilespmem:$0x1EDE0] =	vst v53;
	v53 =	vld [tilespmem:$0x1E480]  }
0x1ec: {  	[tilespmem:$0x1EE10] =	vst v58;
	v58 =	vld [tilespmem:$0x1E4A0]  }
0x1ed: {  	[tilespmem:$0x1EE40] =	vst v62;
	v62 =	vld [tilespmem:$0x41B0]  }
0x1ee: {  	v1 =	vadd.f32 v2, v1;
	v2 =	vld [tilespmem:$0x1E340]  }
0x1ef: {  	[tilespmem:$0x1EE70] =	vst v9;
	v9 =	vld [tilespmem:$0x43B0]  }
0x1f0: {  	[tilespmem:$0x1EEA0] =	vst v12;
	v12 =	vld [tilespmem:$0x1E4E0]  }
0x1f1: {  	[tilespmem:$0x1EED0] =	vst v15;
	v15 =	vld [tilespmem:$0x1E500]  }
0x1f2: {  	[tilespmem:$0x1EF00] =	vst v18;
	v18 =	vld [tilespmem:$0x1E520]  }
0x1f3: {  	v42 =	vld [tilespmem:$0x1E430];
	v0 =	vadd.f32 v2, v0  }
0x1f4: {  	v44 =	vld [tilespmem:$0x1E440]  }
0x1f5: {  	[tilespmem:$0x1EFA0] =	vst v0;
	v0 =	vld [tilespmem:$0x1E350]  }
0x1f6: {  	v49 =	vld [tilespmem:$0x1E460]  }
0x1f7: {  	v3 =	vld [tilespmem:$0x1E370]  }
0x1f8: {  	v50 =	vld [tilespmem:$0x1E470]  }
0x1f9: {  	v55 =	vld [tilespmem:$0x1E490]  }
0x1fa: {  	[tilespmem:$0x1ED10] =	vst v62;
	v62 =	vld [tilespmem:$0x1E610];
	v0 =	vadd.f32 $0.0e+00, v0  }
0x1fb: {  	[tilespmem:$0x1ED40] =	vst v9;
	v9 =	vld [tilespmem:$0x1E640]  }
0x1fc: {  	v63 =	vld [tilespmem:$0x1E4B0];
	v0 =	vadd.f32 v3, v0;
	v3 =	vadd.f32 $0.0e+00, v22  }
0x1fd: {  	v8 =	vld [tilespmem:$0x1E4C0]  }
0x1fe: {  	v3 =	vadd.f32 v27, v3;
	v27 =	vld [tilespmem:$0x1E3B0]  }
0x1ff: {  	[tilespmem:$0x1EF80] =	vst v1;
	v1 =	vld [tilespmem:$0x1E330]  }
0x200: {  	v10 =	vld [tilespmem:$0x1E4D0];
	v3 =	vadd.f32 v31, v3  }
0x201: {  	v2 =	vld [tilespmem:$0x1E360];
	v0 =	vadd.f32 v24, v0  }
0x202: {  	v3 =	vadd.f32 v36, v3;
	v36 =	vld [tilespmem:$0x1E410]  }
0x203: {  	v11 =	vld [tilespmem:$0x45B0];
	v0 =	vadd.f32 v27, v0  }
0x204: {  	v14 =	vld [tilespmem:$0x47B0];
	v1 =	vadd.f32 $0.0e+00, v1  }
0x205: {  	v13 =	vld [tilespmem:$0x1E4F0];
	v0 =	vadd.f32 v30, v0  }
0x206: {  	v16 =	vld [tilespmem:$0x1E510];
	v1 =	vadd.f32 v2, v1;
	v2 =	vadd.f32 $0.0e+00, v46  }
0x207: {  	v17 =	vld [tilespmem:$0x49B0];
	v0 =	vadd.f32 v36, v0  }
0x208: {  	v21 =	vld [tilespmem:$0x1E530];
	v2 =	vadd.f32 v51, v2  }
0x209: {  	[tilespmem:$0x1EDA0] =	vst v14;
	v14 =	vld [tilespmem:$0x1E690];
	v1 =	vadd.f32 v23, v1;
	v0 =	vadd.f32 v44, v0  }
0x20a: {  	v2 =	vadd.f32 v57, v2;
	v31 =	vld [tilespmem:$0x1E3F0]  }
0x20b: {  	v46 =	vld [tilespmem:$0x1E450];
	v1 =	vadd.f32 v25, v1;
	v0 =	vadd.f32 v50, v0  }
0x20c: {  	v2 =	vadd.f32 v29, v2;
	v3 =	vadd.f32 v38, v3;
	v38 =	vld [tilespmem:$0x1E420]  }
0x20d: {  	v51 =	vld [tilespmem:$0x3DB0];
	v1 =	vadd.f32 v28, v1;
	v0 =	vadd.f32 v58, v0  }
0x20e: {  	v23 =	vld [tilespmem:$0x1E540];
	v2 =	vadd.f32 v32, v2;
	v3 =	vadd.f32 v43, v3  }
0x20f: {  	[tilespmem:$0x1EDD0] =	vst v17;
	v17 =	vld [tilespmem:$0x1E6C0];
	v1 =	vadd.f32 v31, v1;
	v0 =	vadd.f32 v10, v0  }
0x210: {  	v2 =	vadd.f32 v42, v2;
	v43 =	vld [tilespmem:$0x1E580];
	v3 =	vadd.f32 v48, v3  }
0x211: {  	v57 =	vld [tilespmem:$0x3FB0];
	v1 =	vadd.f32 v38, v1;
	v0 =	vadd.f32 v15, v0  }
0x212: {  	[tilespmem:$0x1ECB0] =	vst v51;
	v51 =	vld [tilespmem:$0x1E5C0];
	v2 =	vadd.f32 v49, v2;
	v3 =	vadd.f32 v52, v3  }
0x213: {  	v28 =	vld [tilespmem:$0x1E550];
	v1 =	vadd.f32 v46, v1;
	v0 =	vadd.f32 v23, v0  }
0x214: {  	v2 =	vadd.f32 v55, v2;
	v3 =	vadd.f32 v61, v3;
	v61 =	vld [tilespmem:$0x1E600]  }
0x215: {  	v44 =	vld [tilespmem:$0x1E590];
	v1 =	vadd.f32 v53, v1;
	v0 =	vadd.f32 v43, v0  }
0x216: {  	v32 =	vld [tilespmem:$0x1E560];
	v2 =	vadd.f32 v8, v2;
	v3 =	vadd.f32 v16, v3  }
0x217: {  	v52 =	vld [tilespmem:$0x1E5D0];
	v1 =	vadd.f32 v63, v1;
	v0 =	vadd.f32 v51, v0  }
0x218: {  	v2 =	vadd.f32 v13, v2;
	v13 =	vld [tilespmem:$0x1E680];
	v3 =	vadd.f32 v28, v3  }
0x219: {  	v49 =	vld [tilespmem:$0x1E5B0];
	v1 =	vadd.f32 v12, v1;
	v0 =	vadd.f32 v61, v0  }
0x21a: {  	v48 =	vld [tilespmem:$0x1E5A0];
	v3 =	vadd.f32 v44, v3  }
0x21b: {  	v10 =	vld [tilespmem:$0x1E650];
	v1 =	vadd.f32 v18, v1;
	v0 =	vadd.f32 v9, v0  }
0x21c: {  	v55 =	vld [tilespmem:$0x1E5E0];
	v3 =	vadd.f32 v52, v3  }
0x21d: {  	v38 =	vld [tilespmem:$0x1E570];
	v1 =	vadd.f32 v32, v1;
	v0 =	vadd.f32 v13, v0  }
0x21e: {  	v63 =	vld [tilespmem:$0x1E620];
	v3 =	vadd.f32 v62, v3  }
0x21f: {  	v1 =	vadd.f32 v48, v1;
	v7 =	vadd.f32 v17, v0;
	v0 =	vld [tilespmem:$0x1E6D0]  }
0x220: {  	[tilespmem:$0x1ED70] =	vst v11;
	v11 =	vld [tilespmem:$0x1E660];
	v2 =	vadd.f32 v21, v2;
	v3 =	vadd.f32 v10, v3  }
0x221: {  	[tilespmem:$0x1ECE0] =	vst v57;
	v57 =	vld [tilespmem:$0x1E5F0];
	v1 =	vadd.f32 v55, v1  }
0x222: {  	v2 =	vadd.f32 v38, v2;
	v15 =	vld [tilespmem:$0x1E6A0];
	v3 =	vadd.f32 v14, v3  }
0x223: {  	v8 =	vld [tilespmem:$0x1E630];
	v1 =	vadd.f32 v63, v1  }
0x224: {  	v2 =	vadd.f32 v49, v2;
	v3 =	vadd.f32 v0, v3;
	v0 =	vld [tilespmem:$0x1E6E0]  }
0x225: {  	v12 =	vld [tilespmem:$0x1E670];
	v1 =	vadd.f32 v11, v1  }
0x226: {  	v2 =	vadd.f32 v57, v2  }
0x227: {  	v16 =	vld [tilespmem:$0x1E6B0];
	v1 =	vadd.f32 v15, v1  }
0x228: {  	v2 =	vadd.f32 v8, v2  }
0x229: {  	v1 =	vadd.f32 v0, v1;
	v0 =	vld [tilespmem:$0x1E6F0]  }
0x22a: {  	v2 =	vadd.f32 v12, v2;
	_ =	sdelay $0x1  }
0x22b: {  	v2 =	vadd.f32 v16, v2;
	_ =	sdelay $0x1  }
0x22c: {  	v2 =	vadd.f32 v0, v2;
	v0 =	vld [tilespmem:$0x1E700];
	_ =	sdelay $0x4  }
0x22d: {  	v7 =	vadd.f32 v0, v7;
	v0 =	vld [tilespmem:$0x1E710];
	_ =	sdelay $0x4  }
0x22e: {  	v3 =	vadd.f32 v0, v3;
	v0 =	vld [tilespmem:$0x1E720];
	_ =	sdelay $0x4  }
0x22f: {  	v18 =	vadd.f32 v0, v1;
	v0 =	vld [tilespmem:$0x1E730];
	_ =	sdelay $0x4  }
0x230: {  	v21 =	vadd.f32 v0, v2;
	v0 =	vld [tilespmem:$0x1E740];
	_ =	sdelay $0x3  }
0x231: {  	v22 =	vld [tilespmem:$0x4BB0]  }
0x232: {  	v7 =	vadd.f32 v0, v7;
	v0 =	vld [tilespmem:$0x1E750];
	_ =	sdelay $0x4  }
0x233: {  	[tilespmem:$0x1EE00] =	vst v22;
	v22 =	vadd.f32 v0, v3;
	v0 =	vld [tilespmem:$0x1E760];
	_ =	sdelay $0x4  }
0x234: {  	v8 =	vadd.f32 v0, v18;
	v0 =	vld [tilespmem:$0x1E770];
	_ =	sdelay $0x4  }
0x235: {  	v9 =	vadd.f32 v0, v21;
	v0 =	vld [tilespmem:$0x1E780];
	_ =	sdelay $0x4  }
0x236: {  	v23 =	vadd.f32 v0, v7;
	v0 =	vld [tilespmem:$0x1E790];
	_ =	sdelay $0x4  }
0x237: {  	v10 =	vadd.f32 v0, v22;
	v0 =	vld [tilespmem:$0x1E7A0];
	_ =	sdelay $0x4  }
0x238: {  	v28 =	vadd.f32 v0, v8;
	v0 =	vld [tilespmem:$0x1E7B0];
	_ =	sdelay $0x4  }
0x239: {  	v32 =	vadd.f32 v0, v9;
	v0 =	vld [tilespmem:$0x1E7C0];
	_ =	sdelay $0x4  }
0x23a: {  	v11 =	vadd.f32 v0, v23;
	v0 =	vld [tilespmem:$0x1E7D0];
	_ =	sdelay $0x4  }
0x23b: {  	v43 =	vadd.f32 v0, v10;
	v0 =	vld [tilespmem:$0x1E7E0];
	_ =	sdelay $0x4  }
0x23c: {  	v12 =	vadd.f32 v0, v28;
	v0 =	vld [tilespmem:$0x1E7F0];
	_ =	sdelay $0x4  }
0x23d: {  	v13 =	vadd.f32 v0, v32;
	v0 =	vld [tilespmem:$0x1E800];
	_ =	sdelay $0x4  }
0x23e: {  	v44 =	vadd.f32 v0, v11;
	v0 =	vld [tilespmem:$0x1E810];
	_ =	sdelay $0x4  }
0x23f: {  	v14 =	vadd.f32 v0, v43;
	v0 =	vld [tilespmem:$0x1E820];
	_ =	sdelay $0x4  }
0x240: {  	v48 =	vadd.f32 v0, v12;
	v0 =	vld [tilespmem:$0x1E830];
	_ =	sdelay $0x4  }
0x241: {  	v49 =	vadd.f32 v0, v13;
	v0 =	vld [tilespmem:$0x1E840];
	_ =	sdelay $0x4  }
0x242: {  	v16 =	vadd.f32 v0, v44;
	v0 =	vld [tilespmem:$0x1E850];
	_ =	sdelay $0x4  }
0x243: {  	v14 =	vadd.f32 v0, v14;
	v0 =	vld [tilespmem:$0x1E860];
	_ =	sdelay $0x4  }
0x244: {  	v17 =	vadd.f32 v0, v48;
	v0 =	vld [tilespmem:$0x1E870];
	_ =	sdelay $0x4  }
0x245: {  	v18 =	vadd.f32 v0, v49;
	v0 =	vld [tilespmem:$0x1E880];
	_ =	sdelay $0x3  }
0x246: {  	v50 =	vld [tilespmem:$0x53B0]  }
0x247: {  	v16 =	vadd.f32 v0, v16;
	v0 =	vld [tilespmem:$0x1E890];
	_ =	sdelay $0x4  }
0x248: {  	[tilespmem:$0x1EEC0] =	vst v50;
	v50 =	vadd.f32 v0, v14;
	v0 =	vld [tilespmem:$0x1E8A0];
	_ =	sdelay $0x4  }
0x249: {  	v17 =	vadd.f32 v0, v17;
	v0 =	vld [tilespmem:$0x1E8B0];
	_ =	sdelay $0x3  }
0x24a: {  	v58 =	vld [tilespmem:$0x57B0]  }
0x24b: {  	v18 =	vadd.f32 v0, v18;
	v0 =	vld [tilespmem:$0x1E8C0];
	_ =	sdelay $0x4  }
0x24c: {  	[tilespmem:$0x1EF10] =	vst v58;
	v58 =	vadd.f32 v0, v16;
	v0 =	vld [tilespmem:$0x1E8D0];
	_ =	sdelay $0x4  }
0x24d: {  	v21 =	vadd.f32 v0, v50;
	v0 =	vld [tilespmem:$0x1E8E0];
	_ =	sdelay $0x4  }
0x24e: {  	v17 =	vadd.f32 v0, v17;
	v0 =	vld [tilespmem:$0x1E8F0];
	_ =	sdelay $0x4  }
0x24f: {  	v18 =	vadd.f32 v0, v18;
	v0 =	vld [tilespmem:$0x1E900];
	_ =	sdelay $0x4  }
0x250: {  	v22 =	vadd.f32 v0, v58;
	v0 =	vld [tilespmem:$0x1E910];
	_ =	sdelay $0x4  }
0x251: {  	v21 =	vadd.f32 v0, v21;
	v0 =	vld [tilespmem:$0x1E920];
	_ =	sdelay $0x4  }
0x252: {  	v61 =	vadd.f32 v0, v17;
	v0 =	vld [tilespmem:$0x1E930];
	_ =	sdelay $0x4  }
0x253: {  	v18 =	vadd.f32 v0, v18;
	v0 =	vld [tilespmem:$0x1E940];
	_ =	sdelay $0x4  }
0x254: {  	v22 =	vadd.f32 v0, v22;
	v0 =	vld [tilespmem:$0x1E950];
	_ =	sdelay $0x4  }
0x255: {  	v21 =	vadd.f32 v0, v21;
	v0 =	vld [tilespmem:$0x1E960];
	_ =	sdelay $0x4  }
0x256: {  	v23 =	vadd.f32 v0, v61;
	v0 =	vld [tilespmem:$0x1E970];
	_ =	sdelay $0x4  }
0x257: {  	v18 =	vadd.f32 v0, v18;
	v0 =	vld [tilespmem:$0x1E980];
	_ =	sdelay $0x4  }
0x258: {  	v62 =	vadd.f32 v0, v22;
	v0 =	vld [tilespmem:$0x1E990];
	_ =	sdelay $0x4  }
0x259: {  	v63 =	vadd.f32 v0, v21;
	v0 =	vld [tilespmem:$0x1E9A0];
	_ =	sdelay $0x4  }
0x25a: {  	v23 =	vadd.f32 v0, v23;
	v0 =	vld [tilespmem:$0x1E9B0];
	_ =	sdelay $0x4  }
0x25b: {  	v18 =	vadd.f32 v0, v18;
	v0 =	vld [tilespmem:$0x1E9C0];
	_ =	sdelay $0x4  }
0x25c: {  	v28 =	vadd.f32 v0, v62;
	v0 =	vld [tilespmem:$0x1E9D0];
	_ =	sdelay $0x4  }
0x25d: {  	v48 =	vadd.f32 v0, v63;
	v0 =	vld [tilespmem:$0x1E9E0];
	_ =	sdelay $0x4  }
0x25e: {  	v23 =	vadd.f32 v0, v23;
	v0 =	vld [tilespmem:$0x1E9F0];
	_ =	sdelay $0x4  }
0x25f: {  	v18 =	vadd.f32 v0, v18;
	v0 =	vld [tilespmem:$0x1EA00];
	_ =	sdelay $0x1  }
0x260: {  	v34 =	vld [tilespmem:$0x45A0]  }
0x261: {  	v40 =	vld [tilespmem:$0x47A0]  }
0x262: {  	v45 =	vld [tilespmem:$0x49A0]  }
0x263: {  	v52 =	vadd.f32 v0, v28;
	v0 =	vld [tilespmem:$0x1EA10]  }
0x264: {  	v26 =	vld [tilespmem:$0x21B0]  }
0x265: {  	v5 =	vld [tilespmem:$0x21C0]  }
0x266: {  	v6 =	vld [tilespmem:$0x23C0]  }
0x267: {  	v35 =	vld [tilespmem:$0x19B0]  }
0x268: {  	v48 =	vadd.f32 v0, v48;
	v0 =	vld [tilespmem:$0x1EA20]  }
0x269: {  	[tilespmem:$0x1ED50] =	vst v34;
	v34 =	vld [tilespmem:$0x1BB0]  }
0x26a: {  	[tilespmem:$0x1ED80] =	vst v40;
	v40 =	vld [tilespmem:$0x1DB0]  }
0x26b: {  	v39 =	vld [tilespmem:$0x1FB0]  }
0x26c: {  	v33 =	vld [tilespmem:$0x25B0]  }
0x26d: {  	[tilespmem:$0x1EDB0] =	vst v45;
	v45 =	vld [tilespmem:$0x37B0];
	v0 =	vadd.f32 v0, v23  }
0x26e: {  	v4 =	vld [tilespmem:$0x1FC0]  }
0x26f: {  	v35 =	vadd.f32 $0.0e+00, v35;
	[tilespmem:$0x1EFB0] =	vst v0;
	v0 =	vld [tilespmem:$0x1EA30]  }
0x270: {  	v60 =	vld [tilespmem:$0x23B0]  }
0x271: {  	v54 =	vld [tilespmem:$0x29B0];
	v34 =	vadd.f32 v34, v35  }
0x272: {  	v59 =	vld [tilespmem:$0x2BB0]  }
0x273: {  	v34 =	vadd.f32 v40, v34;
	v40 =	vld [tilespmem:$0x1EAE0]  }
0x274: {  	v58 =	vadd.f32 v0, v18;
	v0 =	vld [tilespmem:$0x1EA40]  }
0x275: {  	v19 =	vld [tilespmem:$0x27B0]  }
0x276: {  	v20 =	vld [tilespmem:$0x2DB0];
	v34 =	vadd.f32 v39, v34  }
0x277: {  	v39 =	vld [tilespmem:$0x1EAD0]  }
0x278: {  	v26 =	vadd.f32 v26, v34;
	v34 =	vld [tilespmem:$0x33D0]  }
0x279: {  	v25 =	vld [tilespmem:$0x31B0];
	v0 =	vadd.f32 v0, v52  }
0x27a: {  	v24 =	vld [tilespmem:$0x2FB0]  }
0x27b: {  	[tilespmem:$0x1EFD0] =	vst v0;
	v0 =	vld [tilespmem:$0x1EA50]  }
0x27c: {  	v29 =	vld [tilespmem:$0x39B0]  }
0x27d: {  	v42 =	vld [tilespmem:$0x4FB0]  }
0x27e: {  	v27 =	vld [tilespmem:$0x33B0]  }
0x27f: {  	v31 =	vld [tilespmem:$0x4DB0]  }
0x280: {  	v21 =	vadd.f32 v0, v48;
	v0 =	vld [tilespmem:$0x1EA60]  }
0x281: {  	v30 =	vld [tilespmem:$0x3BB0]  }
0x282: {  	v36 =	vld [tilespmem:$0x35B0]  }
0x283: {  	[tilespmem:$0x1EE60] =	vst v42;
	v42 =	vld [tilespmem:$0x1DC0]  }
0x284: {  	v46 =	vld [tilespmem:$0x51B0]  }
0x285: {  	[tilespmem:$0x1EE30] =	vst v31;
	v31 =	vld [tilespmem:$0x25C0];
	v0 =	vadd.f32 v0, v58  }
0x286: {  	v53 =	vld [tilespmem:$0x55B0]  }
0x287: {  	[tilespmem:$0x1EFE0] =	vst v0;
	v0 =	vld [tilespmem:$0x1EA70]  }
0x288: {  	v38 =	vld [tilespmem:$0x29C0]  }
0x289: {  	[tilespmem:$0x1EE90] =	vst v46;
	v46 =	vld [tilespmem:$0x19C0]  }
0x28a: {  	v57 =	vld [tilespmem:$0x3FC0]  }
0x28b: {  	[tilespmem:$0x1EEF0] =	vst v53;
	v53 =	vld [tilespmem:$0x43C0]  }
0x28c: {  	v61 =	vadd.f32 $0.0e+00, v0;
	v0 =	vld [tilespmem:$0x1EA80]  }
0x28d: {  	v51 =	vld [tilespmem:$0x1BC0]  }
0x28e: {  	v55 =	vld [tilespmem:$0x4FC0]  }
0x28f: {  	v15 =	vld [tilespmem:$0x27C0]  }
0x290: {  	v1 =	vld [tilespmem:$0x2BC0]  }
0x291: {  	v2 =	vld [tilespmem:$0x2DC0];
	v0 =	vadd.f32 v0, v21  }
0x292: {  	v3 =	vld [tilespmem:$0x2FC0]  }
0x293: {  	v18 =	vadd.f32 $0.0e+00, v56;
	[tilespmem:$0x1F000] =	vst v0;
	v0 =	vld [tilespmem:$0x1EA90]  }
0x294: {  	v7 =	vld [tilespmem:$0x31C0]  }
0x295: {  	v8 =	vld [tilespmem:$0x33C0];
	v37 =	vadd.f32 v37, v18  }
0x296: {  	v21 =	vld [tilespmem:$0x1EAA0]  }
0x297: {  	v9 =	vld [tilespmem:$0x35C0];
	v35 =	vadd.f32 v41, v37  }
0x298: {  	v41 =	vld [tilespmem:$0x1EAB0];
	v58 =	vadd.f32 v0, v61;
	v0 =	vadd.f32 $0.0e+00, v46  }
0x299: {  	v10 =	vld [tilespmem:$0x37C0]  }
0x29a: {  	v32 =	vld [tilespmem:$0x53C0];
	v0 =	vadd.f32 v51, v0  }
0x29b: {  	v11 =	vld [tilespmem:$0x39C0];
	v58 =	vadd.f32 v21, v58  }
0x29c: {  	v43 =	vld [tilespmem:$0x4DC0];
	v0 =	vadd.f32 v42, v0  }
0x29d: {  	v21 =	vadd.f32 v41, v58;
	v58 =	vld [tilespmem:$0x1EAC0]  }
0x29e: {  	v12 =	vld [tilespmem:$0x3BC0];
	v0 =	vadd.f32 v4, v0  }
0x29f: {  	v13 =	vld [tilespmem:$0x3DC0]  }
0x2a0: {  	v35 =	vadd.f32 v47, v35;
	v47 =	vld [tilespmem:$0x1EAF0];
	v0 =	vadd.f32 v5, v0  }
0x2a1: {  	v44 =	vld [tilespmem:$0x57C0]  }
0x2a2: {  	v49 =	vld [tilespmem:$0x47C0];
	v21 =	vadd.f32 v58, v21;
	v0 =	vadd.f32 v6, v0  }
0x2a3: {  	v26 =	vadd.f32 v60, v26;
	v14 =	vld [tilespmem:$0x41C0];
	v35 =	vadd.f32 v39, v35  }
0x2a4: {  	v4 =	vadd.f32 v40, v21;
	v21 =	vld [tilespmem:$0x1EB00];
	v0 =	vadd.f32 v31, v0  }
0x2a5: {  	v18 =	vld [tilespmem:$0x1EB20];
	v39 =	vadd.f32 v47, v35  }
0x2a6: {  	v47 =	vld [tilespmem:$0x1EB10];
	v5 =	vadd.f32 v33, v26;
	v0 =	vadd.f32 v15, v0  }
0x2a7: {  	v26 =	vld [tilespmem:$0x1EB40]  }
0x2a8: {  	v5 =	vadd.f32 v19, v5;
	v19 =	vld [tilespmem:$0x1EB60];
	v0 =	vadd.f32 v38, v0  }
0x2a9: {  	v31 =	vld [tilespmem:$0x1EB50];
	v4 =	vadd.f32 v21, v4  }
0x2aa: {  	v0 =	vadd.f32 v1, v0;
	v1 =	vld [tilespmem:$0x49D0]  }
0x2ab: {  	v21 =	vld [tilespmem:$0x1EB30];
	v4 =	vadd.f32 v18, v4  }
0x2ac: {  	v0 =	vadd.f32 v2, v0;
	v2 =	vld [tilespmem:$0x4DD0]  }
0x2ad: {  	v4 =	vadd.f32 v26, v4;
	v26 =	vld [tilespmem:$0x1EB80]  }
0x2ae: {  	v0 =	vadd.f32 v3, v0;
	v3 =	vld [tilespmem:$0x51D0]  }
0x2af: {  	[tilespmem:$0x1EF30] =	vst v1;
	v1 =	vld [tilespmem:$0x1EBA0]  }
0x2b0: {  	v60 =	vadd.f32 v47, v39;
	v18 =	vld [tilespmem:$0x41D0];
	v4 =	vadd.f32 v19, v4  }
0x2b1: {  	v5 =	vadd.f32 v54, v5;
	[tilespmem:$0x1EF60] =	vst v2;
	v2 =	vld [tilespmem:$0x1EBC0]  }
0x2b2: {  	v6 =	vadd.f32 v21, v60;
	v21 =	vld [tilespmem:$0x1EB70];
	v4 =	vadd.f32 v26, v4  }
0x2b3: {  	[tilespmem:$0x1EFC0] =	vst v3;
	v3 =	vld [tilespmem:$0x1EBE0]  }
0x2b4: {  	v5 =	vadd.f32 v59, v5;
	v15 =	vld [tilespmem:$0x1EC20];
	v1 =	vadd.f32 v1, v4  }
0x2b5: {  	v6 =	vadd.f32 v31, v6;
	v31 =	vld [tilespmem:$0x1EB90]  }
0x2b6: {  	[tilespmem:$0x1EF20] =	vst v18;
	v18 =	vadd.f32 v20, v5;
	v20 =	vld [tilespmem:$0x1EBB0];
	v1 =	vadd.f32 v2, v1  }
0x2b7: {  	v26 =	vld [tilespmem:$0x1EC00];
	v6 =	vadd.f32 v21, v6  }
0x2b8: {  	v2 =	vadd.f32 v24, v18;
	v1 =	vadd.f32 v3, v1;
	v3 =	vld [tilespmem:$0x53D0]  }
0x2b9: {  	v0 =	vadd.f32 v7, v0;
	v21 =	vld [tilespmem:$0x4FD0]  }
0x2ba: {  	v6 =	vadd.f32 v31, v6;
	v31 =	vld [tilespmem:$0x1EC10];
	v2 =	vadd.f32 v25, v2  }
0x2bb: {  	v0 =	vadd.f32 v8, v0;
	v24 =	vld [tilespmem:$0x1EBD0]  }
0x2bc: {  	v18 =	vld [tilespmem:$0x1EC30];
	v2 =	vadd.f32 v27, v2  }
0x2bd: {  	v0 =	vadd.f32 v9, v0;
	[tilespmem:$0x1EFF0] =	vst v3;
	v3 =	vld [tilespmem:$0x1EBF0]  }
0x2be: {  	v5 =	vadd.f32 v20, v6;
	[tilespmem:$0x1EF90] =	vst v21;
	v21 =	vld [tilespmem:$0x1EC40];
	v2 =	vadd.f32 v36, v2  }
0x2bf: {  	v0 =	vadd.f32 v10, v0;
	v25 =	vld [tilespmem:$0x55D0];
	v1 =	vadd.f32 v26, v1  }
0x2c0: {  	v26 =	vld [tilespmem:$0x1EC60];
	v4 =	vadd.f32 v24, v5;
	v2 =	vadd.f32 v45, v2  }
0x2c1: {  	v0 =	vadd.f32 v11, v0;
	v11 =	vld [tilespmem:$0x1ECD0];
	v1 =	vadd.f32 v15, v1  }
0x2c2: {  	v2 =	vadd.f32 v29, v2;
	v29 =	vld [tilespmem:$0x1EC80];
	v3 =	vadd.f32 v3, v4  }
0x2c3: {  	v27 =	vld [tilespmem:$0x57D0];
	v1 =	vadd.f32 v21, v1  }
0x2c4: {  	v0 =	vadd.f32 v12, v0;
	v3 =	vadd.f32 v31, v3;
	v31 =	vld [tilespmem:$0x1ECA0]  }
0x2c5: {  	v36 =	vld [tilespmem:$0x1ECB0];
	v1 =	vadd.f32 v26, v1  }
0x2c6: {  	v0 =	vadd.f32 v13, v0;
	[tilespmem:$0x1F010] =	vst v25;
	v25 =	vld [tilespmem:$0x1EC50]  }
0x2c7: {  	v21 =	vld [tilespmem:$0x1ED00];
	v1 =	vadd.f32 v29, v1  }
0x2c8: {  	v0 =	vadd.f32 v57, v0;
	[tilespmem:$0x1F020] =	vst v27;
	v27 =	vld [tilespmem:$0x1EC70];
	v2 =	vadd.f32 v30, v2  }
0x2c9: {  	v30 =	vld [tilespmem:$0x1EC90];
	v3 =	vadd.f32 v18, v3;
	v1 =	vadd.f32 v31, v1  }
0x2ca: {  	v0 =	vadd.f32 v14, v0;
	v29 =	vld [tilespmem:$0x1ED30]  }
0x2cb: {  	v13 =	vld [tilespmem:$0x1ECE0];
	v3 =	vadd.f32 v25, v3;
	v1 =	vadd.f32 v11, v1  }
0x2cc: {  	v57 =	vadd.f32 v53, v0;
	v0 =	vld [tilespmem:$0x1ED60]  }
0x2cd: {  	v26 =	vld [tilespmem:$0x1ED10];
	v3 =	vadd.f32 v27, v3;
	v1 =	vadd.f32 v21, v1  }
0x2ce: {  	v45 =	vld [tilespmem:$0x1ECC0];
	v2 =	vadd.f32 v36, v2  }
0x2cf: {  	v3 =	vadd.f32 v30, v3;
	v30 =	vld [tilespmem:$0x1ED40];
	v1 =	vadd.f32 v29, v1  }
0x2d0: {  	v2 =	vadd.f32 v13, v2;
	v18 =	vld [tilespmem:$0x1ECF0]  }
0x2d1: {  	v1 =	vadd.f32 v0, v1;
	v0 =	vld [tilespmem:$0x1ED70]  }
0x2d2: {  	v2 =	vadd.f32 v26, v2;
	v27 =	vld [tilespmem:$0x1ED20]  }
0x2d3: {  	v16 =	vld [tilespmem:$0x45C0];
	v3 =	vadd.f32 v45, v3  }
0x2d4: {  	v31 =	vld [tilespmem:$0x1ED50];
	v2 =	vadd.f32 v30, v2  }
0x2d5: {  	v28 =	vld [tilespmem:$0x19D0];
	v3 =	vadd.f32 v18, v3  }
0x2d6: {  	v2 =	vadd.f32 v0, v2;
	v0 =	vld [tilespmem:$0x1ED80]  }
0x2d7: {  	v50 =	vld [tilespmem:$0x49C0];
	v3 =	vadd.f32 v27, v3  }
0x2d8: {  	v23 =	vld [tilespmem:$0x1BD0]  }
0x2d9: {  	v17 =	vld [tilespmem:$0x4BC0];
	v3 =	vadd.f32 v31, v3  }
0x2da: {  	v62 =	vld [tilespmem:$0x1DD0]  }
0x2db: {  	v28 =	vadd.f32 $0.0e+00, v28;
	v21 =	vadd.f32 v0, v3;
	v0 =	vld [tilespmem:$0x1ED90]  }
0x2dc: {  	v22 =	vld [tilespmem:$0x51C0]  }
0x2dd: {  	v63 =	vld [tilespmem:$0x55C0];
	v23 =	vadd.f32 v23, v28  }
0x2de: {  	v56 =	vld [tilespmem:$0x21D0]  }
0x2df: {  	v23 =	vadd.f32 v62, v23;
	v62 =	vld [tilespmem:$0x2000]  }
0x2e0: {  	v31 =	vadd.f32 v0, v1;
	v0 =	vld [tilespmem:$0x1EDA0]  }
0x2e1: {  	v37 =	vld [tilespmem:$0x2FD0]  }
0x2e2: {  	v48 =	vld [tilespmem:$0x1FD0]  }
0x2e3: {  	v52 =	vld [tilespmem:$0x25D0]  }
0x2e4: {  	v35 =	vld [tilespmem:$0x35D0]  }
0x2e5: {  	v53 =	vadd.f32 v0, v2;
	v0 =	vld [tilespmem:$0x1EDB0]  }
0x2e6: {  	v39 =	vld [tilespmem:$0x39D0]  }
0x2e7: {  	v47 =	vld [tilespmem:$0x3DD0];
	v23 =	vadd.f32 v48, v23  }
0x2e8: {  	v48 =	vld [tilespmem:$0x2200]  }
0x2e9: {  	v23 =	vadd.f32 v56, v23;
	v56 =	vld [tilespmem:$0x2800]  }
0x2ea: {  	v14 =	vadd.f32 v0, v21;
	v0 =	vld [tilespmem:$0x1EDC0]  }
0x2eb: {  	v61 =	vld [tilespmem:$0x23D0]  }
0x2ec: {  	v46 =	vld [tilespmem:$0x27D0]  }
0x2ed: {  	v51 =	vld [tilespmem:$0x29D0]  }
0x2ee: {  	v41 =	vld [tilespmem:$0x2BD0]  }
0x2ef: {  	v11 =	vadd.f32 v16, v57;
	v16 =	vadd.f32 v0, v31;
	v0 =	vld [tilespmem:$0x1EDD0]  }
0x2f0: {  	v42 =	vld [tilespmem:$0x2DD0];
	v23 =	vadd.f32 v61, v23  }
0x2f1: {  	v61 =	vld [tilespmem:$0x29F0]  }
0x2f2: {  	v23 =	vadd.f32 v52, v23;
	v52 =	vld [tilespmem:$0x3200]  }
0x2f3: {  	v33 =	vld [tilespmem:$0x3BD0]  }
0x2f4: {  	v57 =	vadd.f32 v0, v53;
	v0 =	vld [tilespmem:$0x1EDE0]  }
0x2f5: {  	v58 =	vld [tilespmem:$0x31D0]  }
0x2f6: {  	v40 =	vld [tilespmem:$0x37D0]  }
0x2f7: {  	v54 =	vld [tilespmem:$0x43D0]  }
0x2f8: {  	v59 =	vld [tilespmem:$0x47D0]  }
0x2f9: {  	v14 =	vadd.f32 v0, v14;
	v0 =	vld [tilespmem:$0x1EDF0]  }
0x2fa: {  	v38 =	vld [tilespmem:$0x45D0]  }
0x2fb: {  	v19 =	vld [tilespmem:$0x4BD0]  }
0x2fc: {  	v60 =	vld [tilespmem:$0x3FD0]  }
0x2fd: {  	v7 =	vld [tilespmem:$0x2BE0]  }
0x2fe: {  	v16 =	vadd.f32 v0, v16;
	v0 =	vld [tilespmem:$0x1EE00]  }
0x2ff: {  	v8 =	vld [tilespmem:$0x31E0]  }
0x300: {  	[tilespmem:$0x1EF40] =	vst v19;
	v19 =	vld [tilespmem:$0x19E0]  }
0x301: {  	v9 =	vld [tilespmem:$0x1FE0]  }
0x302: {  	v20 =	vld [tilespmem:$0x1BE0]  }
0x303: {  	v11 =	vadd.f32 v49, v11;
	v49 =	vadd.f32 v0, v57;
	v0 =	vld [tilespmem:$0x1EE10]  }
0x304: {  	v10 =	vld [tilespmem:$0x21E0]  }
0x305: {  	v6 =	vld [tilespmem:$0x37E0]  }
0x306: {  	v24 =	vld [tilespmem:$0x1DE0]  }
0x307: {  	v19 =	vadd.f32 $0.0e+00, v19;
	v12 =	vld [tilespmem:$0x2DE0]  }
0x308: {  	v14 =	vadd.f32 v0, v14;
	v0 =	vld [tilespmem:$0x1EE20]  }
0x309: {  	v23 =	vadd.f32 v46, v23;
	v5 =	vld [tilespmem:$0x27E0];
	v19 =	vadd.f32 v20, v19  }
0x30a: {  	v15 =	vld [tilespmem:$0x29E0]  }
0x30b: {  	v19 =	vadd.f32 v24, v19;
	v24 =	vadd.f32 v51, v23;
	v51 =	vld [tilespmem:$0x31F0]  }
0x30c: {  	v25 =	vld [tilespmem:$0x23E0]  }
0x30d: {  	v9 =	vadd.f32 v9, v19;
	v16 =	vadd.f32 v0, v16;
	v0 =	vld [tilespmem:$0x1EE30]  }
0x30e: {  	v4 =	vld [tilespmem:$0x25E0]  }
0x30f: {  	v23 =	vld [tilespmem:$0x3800];
	v9 =	vadd.f32 v10, v9  }
0x310: {  	v19 =	vld [tilespmem:$0x23F0]  }
0x311: {  	v36 =	vld [tilespmem:$0x33E0];
	v9 =	vadd.f32 v25, v9  }
0x312: {  	v31 =	vadd.f32 v0, v49;
	v0 =	vld [tilespmem:$0x1EE40]  }
0x313: {  	v13 =	vld [tilespmem:$0x35E0];
	v4 =	vadd.f32 v4, v9  }
0x314: {  	v26 =	vld [tilespmem:$0x55E0]  }
0x315: {  	v25 =	vld [tilespmem:$0x2C00];
	v4 =	vadd.f32 v5, v4  }
0x316: {  	v45 =	vld [tilespmem:$0x2FE0]  }
0x317: {  	v4 =	vadd.f32 v15, v4;
	v14 =	vadd.f32 v0, v14;
	v0 =	vld [tilespmem:$0x1EE50]  }
0x318: {  	v29 =	vld [tilespmem:$0x43E0]  }
0x319: {  	v11 =	vadd.f32 v50, v11;
	v50 =	vld [tilespmem:$0x4BE0];
	v4 =	vadd.f32 v7, v4  }
0x31a: {  	v18 =	vld [tilespmem:$0x39E0]  }
0x31b: {  	v30 =	vld [tilespmem:$0x3BE0];
	v4 =	vadd.f32 v12, v4  }
0x31c: {  	v11 =	vadd.f32 v17, v11;
	v16 =	vadd.f32 v0, v16;
	v0 =	vld [tilespmem:$0x1EE60]  }
0x31d: {  	v27 =	vld [tilespmem:$0x45E0];
	v4 =	vadd.f32 v45, v4  }
0x31e: {  	v43 =	vadd.f32 v43, v11;
	v11 =	vld [tilespmem:$0x4DE0]  }
0x31f: {  	v15 =	vld [tilespmem:$0x1EF70];
	v4 =	vadd.f32 v8, v4  }
0x320: {  	v1 =	vld [tilespmem:$0x1EE80]  }
0x321: {  	v4 =	vadd.f32 v36, v4;
	v17 =	vadd.f32 v0, v31;
	v0 =	vld [tilespmem:$0x1EE70]  }
0x322: {  	v12 =	vld [tilespmem:$0x1EF60]  }
0x323: {  	v45 =	vld [tilespmem:$0x45F0];
	v4 =	vadd.f32 v13, v4  }
0x324: {  	v3 =	vld [tilespmem:$0x3DE0]  }
0x325: {  	v36 =	vld [tilespmem:$0x3E00];
	v4 =	vadd.f32 v6, v4;
	v16 =	vadd.f32 v1, v16  }
0x326: {  	v1 =	vld [tilespmem:$0x1EE90];
	v14 =	vadd.f32 v0, v14;
	v0 =	vadd.f32 v55, v43  }
0x327: {  	v31 =	vld [tilespmem:$0x1EEC0]  }
0x328: {  	v4 =	vadd.f32 v18, v4;
	v0 =	vadd.f32 v22, v0;
	v22 =	vld [tilespmem:$0x1EEB0]  }
0x329: {  	v13 =	vld [tilespmem:$0x5000]  }
0x32a: {  	v2 =	vld [tilespmem:$0x3FE0];
	v4 =	vadd.f32 v30, v4  }
0x32b: {  	v17 =	vadd.f32 v1, v17;
	v1 =	vld [tilespmem:$0x1EEA0]  }
0x32c: {  	v3 =	vadd.f32 v3, v4;
	v21 =	vld [tilespmem:$0x41E0]  }
0x32d: {  	v16 =	vadd.f32 v22, v16;
	v22 =	vadd.f32 v31, v17;
	v17 =	vld [tilespmem:$0x1EED0]  }
0x32e: {  	v18 =	vld [tilespmem:$0x51F0]  }
0x32f: {  	v30 =	vld [tilespmem:$0x1EFE0];
	v2 =	vadd.f32 v2, v3  }
0x330: {  	v3 =	vld [tilespmem:$0x43F0];
	v1 =	vadd.f32 v1, v14  }
0x331: {  	v2 =	vadd.f32 v21, v2;
	v21 =	vld [tilespmem:$0x5200]  }
0x332: {  	v1 =	vadd.f32 v17, v1;
	v17 =	vld [tilespmem:$0x1EEE0]  }
0x333: {  	v2 =	vadd.f32 v29, v2;
	v29 =	vld [tilespmem:$0x55F0]  }
0x334: {  	v14 =	vld [tilespmem:$0x1EF00]  }
0x335: {  	v57 =	vld [tilespmem:$0x47E0]  }
0x336: {  	v2 =	vadd.f32 v27, v2;
	v27 =	vld [tilespmem:$0x5400]  }
0x337: {  	v17 =	vadd.f32 v17, v16;
	v16 =	vld [tilespmem:$0x1EEF0]  }
0x338: {  	v53 =	vld [tilespmem:$0x49E0]  }
0x339: {  	v14 =	vadd.f32 v14, v1;
	v1 =	vld [tilespmem:$0x1EF10]  }
0x33a: {  	v2 =	vadd.f32 v57, v2;
	v57 =	vld [tilespmem:$0x1EF30]  }
0x33b: {  	v0 =	vadd.f32 v32, v0;
	v32 =	vld [tilespmem:$0x19F0]  }
0x33c: {  	v16 =	vadd.f32 v16, v22;
	v22 =	vld [tilespmem:$0x1A00]  }
0x33d: {  	v0 =	vadd.f32 v63, v0;
	v63 =	vld [tilespmem:$0x1BF0]  }
0x33e: {  	v16 =	vadd.f32 v1, v16;
	v1 =	vld [tilespmem:$0x1C00]  }
0x33f: {  	v0 =	vadd.f32 v44, v0;
	v44 =	vld [tilespmem:$0x1DF0]  }
0x340: {  	v28 =	vadd.f32 $0.0e+00, v32;
	v32 =	vld [tilespmem:$0x1E00]  }
0x341: {  	v20 =	vadd.f32 $0.0e+00, v22;
	v22 =	vld [tilespmem:$0x1FF0]  }
0x342: {  	v49 =	vld [tilespmem:$0x4FE0];
	v28 =	vadd.f32 v63, v28  }
0x343: {  	v1 =	vadd.f32 v1, v20;
	v20 =	vld [tilespmem:$0x21F0]  }
0x344: {  	v43 =	vld [tilespmem:$0x51E0];
	v44 =	vadd.f32 v44, v28  }
0x345: {  	v55 =	vld [tilespmem:$0x53E0];
	v1 =	vadd.f32 v32, v1  }
0x346: {  	v63 =	vld [tilespmem:$0x2400];
	v22 =	vadd.f32 v22, v44  }
0x347: {  	v32 =	vld [tilespmem:$0x25F0];
	v1 =	vadd.f32 v62, v1  }
0x348: {  	v44 =	vld [tilespmem:$0x2600];
	v20 =	vadd.f32 v20, v22  }
0x349: {  	v1 =	vadd.f32 v48, v1;
	v48 =	vld [tilespmem:$0x27F0]  }
0x34a: {  	v31 =	vld [tilespmem:$0x57E0];
	v19 =	vadd.f32 v19, v20  }
0x34b: {  	v28 =	vld [tilespmem:$0x2DF0];
	v1 =	vadd.f32 v63, v1  }
0x34c: {  	v62 =	vld [tilespmem:$0x2A00];
	v10 =	vadd.f32 v32, v19  }
0x34d: {  	v63 =	vld [tilespmem:$0x2BF0];
	v1 =	vadd.f32 v44, v1  }
0x34e: {  	v22 =	vld [tilespmem:$0x37F0];
	v10 =	vadd.f32 v48, v10  }
0x34f: {  	v20 =	vld [tilespmem:$0x1EF90];
	v1 =	vadd.f32 v56, v1  }
0x350: {  	v32 =	vadd.f32 v41, v24;
	v41 =	vld [tilespmem:$0x2E00];
	v9 =	vadd.f32 v61, v10  }
0x351: {  	v44 =	vld [tilespmem:$0x2FF0];
	v1 =	vadd.f32 v62, v1  }
0x352: {  	v48 =	vld [tilespmem:$0x3000];
	v5 =	vadd.f32 v63, v9  }
0x353: {  	v24 =	vld [tilespmem:$0x39F0];
	v46 =	vadd.f32 v42, v32;
	v1 =	vadd.f32 v25, v1  }
0x354: {  	v32 =	vld [tilespmem:$0x3BF0];
	v5 =	vadd.f32 v28, v5  }
0x355: {  	v56 =	vld [tilespmem:$0x33F0];
	v19 =	vadd.f32 v37, v46;
	v1 =	vadd.f32 v41, v1  }
0x356: {  	v61 =	vld [tilespmem:$0x3400];
	v5 =	vadd.f32 v44, v5  }
0x357: {  	v62 =	vld [tilespmem:$0x35F0];
	v58 =	vadd.f32 v58, v19;
	v1 =	vadd.f32 v48, v1  }
0x358: {  	v19 =	vld [tilespmem:$0x3600];
	v5 =	vadd.f32 v51, v5  }
0x359: {  	v42 =	vld [tilespmem:$0x1EF20];
	v63 =	vadd.f32 v34, v58;
	v1 =	vadd.f32 v52, v1  }
0x35a: {  	v37 =	vld [tilespmem:$0x3FF0];
	v5 =	vadd.f32 v56, v5  }
0x35b: {  	v28 =	vld [tilespmem:$0x3A00];
	v9 =	vadd.f32 v35, v63;
	v1 =	vadd.f32 v61, v1  }
0x35c: {  	v34 =	vld [tilespmem:$0x3C00];
	v5 =	vadd.f32 v62, v5  }
0x35d: {  	v58 =	vld [tilespmem:$0x4C00];
	v25 =	vadd.f32 v40, v9;
	v1 =	vadd.f32 v19, v1  }
0x35e: {  	v41 =	vld [tilespmem:$0x4200];
	v5 =	vadd.f32 v22, v5  }
0x35f: {  	v35 =	vld [tilespmem:$0x3DF0];
	v7 =	vadd.f32 v39, v25;
	v1 =	vadd.f32 v23, v1  }
0x360: {  	v44 =	vld [tilespmem:$0x4400];
	v5 =	vadd.f32 v24, v5  }
0x361: {  	v63 =	vld [tilespmem:$0x1EF50];
	v7 =	vadd.f32 v33, v7;
	v1 =	vadd.f32 v28, v1  }
0x362: {  	v39 =	vld [tilespmem:$0x4000];
	v5 =	vadd.f32 v32, v5  }
0x363: {  	v40 =	vld [tilespmem:$0x41F0];
	v7 =	vadd.f32 v47, v7;
	v1 =	vadd.f32 v34, v1  }
0x364: {  	v2 =	vadd.f32 v53, v2;
	v48 =	vld [tilespmem:$0x47F0];
	v5 =	vadd.f32 v35, v5  }
0x365: {  	v51 =	vld [tilespmem:$0x4800];
	v7 =	vadd.f32 v60, v7;
	v1 =	vadd.f32 v36, v1  }
0x366: {  	v2 =	vadd.f32 v50, v2;
	v52 =	vld [tilespmem:$0x49F0];
	v5 =	vadd.f32 v37, v5  }
0x367: {  	v56 =	vld [tilespmem:$0x4BF0];
	v7 =	vadd.f32 v42, v7;
	v1 =	vadd.f32 v39, v1  }
0x368: {  	v2 =	vadd.f32 v11, v2;
	v47 =	vld [tilespmem:$0x4600];
	v4 =	vadd.f32 v40, v5  }
0x369: {  	v25 =	vld [tilespmem:$0x1EFC0];
	v46 =	vadd.f32 v54, v7;
	v1 =	vadd.f32 v41, v1  }
0x36a: {  	v2 =	vadd.f32 v49, v2;
	v61 =	vld [tilespmem:$0x4E00];
	v3 =	vadd.f32 v3, v4  }
0x36b: {  	v60 =	vld [tilespmem:$0x1EF40];
	v6 =	vadd.f32 v38, v46;
	v1 =	vadd.f32 v44, v1  }
0x36c: {  	v2 =	vadd.f32 v43, v2;
	v54 =	vld [tilespmem:$0x4A00];
	v3 =	vadd.f32 v45, v3  }
0x36d: {  	v62 =	vld [tilespmem:$0x4FF0];
	v6 =	vadd.f32 v59, v6;
	v1 =	vadd.f32 v47, v1  }
0x36e: {  	v2 =	vadd.f32 v55, v2;
	v33 =	vld [tilespmem:$0x5600];
	v3 =	vadd.f32 v48, v3  }
0x36f: {  	v59 =	vld [tilespmem:$0x4DF0];
	v5 =	vadd.f32 v57, v6;
	v1 =	vadd.f32 v51, v1  }
0x370: {  	v2 =	vadd.f32 v26, v2;
	v19 =	vld [tilespmem:$0x1EF80];
	v3 =	vadd.f32 v52, v3  }
0x371: {  	v22 =	vld [tilespmem:$0x1EFA0];
	v4 =	vadd.f32 v60, v5;
	v1 =	vadd.f32 v54, v1  }
0x372: {  	[tilespmem:$0x59C0] =	vst v0;
	v0 =	vadd.f32 v31, v2;
	v23 =	vld [tilespmem:$0x53F0];
	v3 =	vadd.f32 v56, v3  }
0x373: {  	[tilespmem:$0x5920] =	vst v15;
	v24 =	vld [tilespmem:$0x1EFB0];
	v4 =	vadd.f32 v12, v4;
	v1 =	vadd.f32 v58, v1  }
0x374: {  	[tilespmem:$0x5970] =	vst v30;
	v32 =	vld [tilespmem:$0x1EFF0];
	v3 =	vadd.f32 v59, v3  }
0x375: {  	[tilespmem:$0x59E0] =	vst v0;
	v28 =	vld [tilespmem:$0x1EFD0];
	v4 =	vadd.f32 v20, v4;
	v1 =	vadd.f32 v61, v1  }
0x376: {  	[tilespmem:$0x59A0] =	vst v14;
	v36 =	vld [tilespmem:$0x1F010];
	v3 =	vadd.f32 v62, v3  }
0x377: {  	[tilespmem:$0x5990] =	vst v17;
	v34 =	vld [tilespmem:$0x1F000];
	v4 =	vadd.f32 v25, v4;
	v1 =	vadd.f32 v13, v1  }
0x378: {  	[tilespmem:$0x59B0] =	vst v16;
	v38 =	vld [tilespmem:$0x1F020];
	v3 =	vadd.f32 v18, v3  }
0x379: {  	[tilespmem:$0x5910] =	vst v63;
	v35 =	vld [tilespmem:$0x57F0];
	v4 =	vadd.f32 v32, v4;
	v1 =	vadd.f32 v21, v1  }
0x37a: {  	[tilespmem:$0x5930] =	vst v19;
	v37 =	vld [tilespmem:$0x5800];
	v3 =	vadd.f32 v23, v3  }
0x37b: {  	[tilespmem:$0x5940] =	vst v22;
	v4 =	vadd.f32 v36, v4;
	v1 =	vadd.f32 v27, v1  }
0x37c: {  	v42 =	vld [tilespmem:$0x2010];
	[tilespmem:$0x5950] =	vst v24;
	v3 =	vadd.f32 v29, v3  }
0x37d: {  	[tilespmem:$0x5960] =	vst v28;
	v46 =	vld [tilespmem:$0x2210];
	v4 =	vadd.f32 v38, v4;
	v1 =	vadd.f32 v33, v1  }
0x37e: {  	[tilespmem:$0x5980] =	vst v34;
	v51 =	vld [tilespmem:$0x2410];
	v2 =	vadd.f32 v35, v3  }
0x37f: {  	v32 =	vld [tilespmem:$0x1C10];
	[tilespmem:$0x59D0] =	vst v4;
	v0 =	vadd.f32 v37, v1  }
0x380: {  	v29 =	vld [tilespmem:$0x1A10];
	[tilespmem:$0x59F0] =	vst v2  }
0x381: {  	v37 =	vld [tilespmem:$0x1E10];
	[tilespmem:$0x5A00] =	vst v0  }
0x382: {  	v55 =	vld [tilespmem:$0x2610]  }
0x383: {  	v0 =	vld [tilespmem:$0x2A10];
	_ =	sdelay $0x4  }
0x384: {  	[tilespmem:$0x1F030] =	vst v0;
	v0 =	vld [tilespmem:$0x2C10];
	_ =	sdelay $0x4  }
0x385: {  	[tilespmem:$0x1F040] =	vst v0;
	v0 =	vld [tilespmem:$0x2E10];
	_ =	sdelay $0x4  }
0x386: {  	[tilespmem:$0x1F050] =	vst v0;
	v0 =	vld [tilespmem:$0x3010];
	_ =	sdelay $0x4  }
0x387: {  	[tilespmem:$0x1F060] =	vst v0;
	v0 =	vld [tilespmem:$0x3210];
	_ =	sdelay $0x4  }
0x388: {  	[tilespmem:$0x1F070] =	vst v0;
	v0 =	vld [tilespmem:$0x3410];
	_ =	sdelay $0x4  }
0x389: {  	[tilespmem:$0x1F080] =	vst v0;
	v0 =	vld [tilespmem:$0x3610];
	_ =	sdelay $0x4  }
0x38a: {  	[tilespmem:$0x1F090] =	vst v0;
	v0 =	vld [tilespmem:$0x3810];
	_ =	sdelay $0x4  }
0x38b: {  	[tilespmem:$0x1F0A0] =	vst v0;
	v0 =	vld [tilespmem:$0x3A10];
	_ =	sdelay $0x4  }
0x38c: {  	[tilespmem:$0x1F0C0] =	vst v0;
	v0 =	vld [tilespmem:$0x3C10];
	_ =	sdelay $0x4  }
0x38d: {  	[tilespmem:$0x1F0E0] =	vst v0;
	v0 =	vld [tilespmem:$0x3E10];
	_ =	sdelay $0x4  }
0x38e: {  	[tilespmem:$0x1F100] =	vst v0;
	v0 =	vld [tilespmem:$0x4010];
	_ =	sdelay $0x4  }
0x38f: {  	[tilespmem:$0x1F120] =	vst v0;
	v0 =	vld [tilespmem:$0x4210];
	_ =	sdelay $0x4  }
0x390: {  	[tilespmem:$0x1F140] =	vst v0;
	v0 =	vld [tilespmem:$0x4410];
	_ =	sdelay $0x4  }
0x391: {  	[tilespmem:$0x1F160] =	vst v0;
	v0 =	vld [tilespmem:$0x4610];
	_ =	sdelay $0x4  }
0x392: {  	[tilespmem:$0x1F180] =	vst v0;
	v0 =	vld [tilespmem:$0x4810];
	_ =	sdelay $0x4  }
0x393: {  	[tilespmem:$0x1F1A0] =	vst v0;
	v0 =	vld [tilespmem:$0x4A10];
	_ =	sdelay $0x4  }
0x394: {  	[tilespmem:$0x1F1C0] =	vst v0;
	v0 =	vld [tilespmem:$0x4C10];
	_ =	sdelay $0x4  }
0x395: {  	[tilespmem:$0x1F1F0] =	vst v0;
	v0 =	vld [tilespmem:$0x4E10];
	_ =	sdelay $0x4  }
0x396: {  	[tilespmem:$0x1F220] =	vst v0;
	v0 =	vld [tilespmem:$0x5010];
	_ =	sdelay $0x4  }
0x397: {  	[tilespmem:$0x1F250] =	vst v0;
	v0 =	vld [tilespmem:$0x5210];
	_ =	sdelay $0x4  }
0x398: {  	[tilespmem:$0x1F280] =	vst v0;
	v0 =	vld [tilespmem:$0x5410];
	_ =	sdelay $0x4  }
0x399: {  	[tilespmem:$0x1F2B0] =	vst v0;
	v0 =	vld [tilespmem:$0x5610];
	_ =	sdelay $0x4  }
0x39a: {  	[tilespmem:$0x1F2E0] =	vst v0;
	v0 =	vld [tilespmem:$0x5810];
	_ =	sdelay $0x4  }
0x39b: {  	[tilespmem:$0x1F310] =	vst v0;
	v0 =	vld [tilespmem:$0x3820];
	_ =	sdelay $0x4  }
0x39c: {  	[tilespmem:$0x1F0B0] =	vst v0;
	v0 =	vld [tilespmem:$0x3A20];
	_ =	sdelay $0x4  }
0x39d: {  	[tilespmem:$0x1F0D0] =	vst v0;
	v0 =	vld [tilespmem:$0x3C20];
	_ =	sdelay $0x4  }
0x39e: {  	[tilespmem:$0x1F0F0] =	vst v0;
	v0 =	vld [tilespmem:$0x3E20];
	_ =	sdelay $0x4  }
0x39f: {  	[tilespmem:$0x1F110] =	vst v0;
	v0 =	vld [tilespmem:$0x4020];
	_ =	sdelay $0x4  }
0x3a0: {  	[tilespmem:$0x1F130] =	vst v0;
	v0 =	vld [tilespmem:$0x4220];
	_ =	sdelay $0x4  }
0x3a1: {  	[tilespmem:$0x1F150] =	vst v0;
	v0 =	vld [tilespmem:$0x4420];
	_ =	sdelay $0x4  }
0x3a2: {  	[tilespmem:$0x1F170] =	vst v0;
	v0 =	vld [tilespmem:$0x4620];
	_ =	sdelay $0x4  }
0x3a3: {  	[tilespmem:$0x1F190] =	vst v0;
	v0 =	vld [tilespmem:$0x4820];
	_ =	sdelay $0x4  }
0x3a4: {  	[tilespmem:$0x1F1B0] =	vst v0;
	v0 =	vld [tilespmem:$0x4A20];
	_ =	sdelay $0x4  }
0x3a5: {  	[tilespmem:$0x1F1E0] =	vst v0;
	v0 =	vld [tilespmem:$0x4C20];
	_ =	sdelay $0x4  }
0x3a6: {  	[tilespmem:$0x1F210] =	vst v0;
	v0 =	vld [tilespmem:$0x4E20];
	_ =	sdelay $0x4  }
0x3a7: {  	[tilespmem:$0x1F240] =	vst v0;
	v0 =	vld [tilespmem:$0x5020];
	_ =	sdelay $0x4  }
0x3a8: {  	[tilespmem:$0x1F270] =	vst v0;
	v0 =	vld [tilespmem:$0x5220];
	_ =	sdelay $0x4  }
0x3a9: {  	[tilespmem:$0x1F2A0] =	vst v0;
	v0 =	vld [tilespmem:$0x5420];
	_ =	sdelay $0x4  }
0x3aa: {  	[tilespmem:$0x1F2D0] =	vst v0;
	v0 =	vld [tilespmem:$0x5620];
	_ =	sdelay $0x4  }
0x3ab: {  	[tilespmem:$0x1F300] =	vst v0;
	v0 =	vld [tilespmem:$0x5820];
	_ =	sdelay $0x4  }
0x3ac: {  	[tilespmem:$0x1F330] =	vst v0;
	v0 =	vld [tilespmem:$0x1A30];
	_ =	sdelay $0x1  }
0x3ad: {  	v1 =	vld [tilespmem:$0x1C30];
	_ =	sdelay $0x1  }
0x3ae: {  	v2 =	vld [tilespmem:$0x1E30]  }
0x3af: {  	v0 =	vadd.f32 $0.0e+00, v0  }
0x3b0: {  	v3 =	vld [tilespmem:$0x2030]  }
0x3b1: {  	v0 =	vadd.f32 v1, v0;
	_ =	sdelay $0x1  }
0x3b2: {  	v0 =	vadd.f32 v2, v0;
	_ =	sdelay $0x1  }
0x3b3: {  	v0 =	vadd.f32 v3, v0;
	v3 =	vld [tilespmem:$0x3280];
	_ =	sdelay $0x4  }
0x3b4: {  	[tilespmem:$0x1FBA0] =	vst v3;
	v3 =	vld [tilespmem:$0x3480];
	_ =	sdelay $0x4  }
0x3b5: {  	[tilespmem:$0x1FBC0] =	vst v3;
	v3 =	vld [tilespmem:$0x3680];
	_ =	sdelay $0x4  }
0x3b6: {  	[tilespmem:$0x1FBE0] =	vst v3;
	v3 =	vld [tilespmem:$0x3880];
	_ =	sdelay $0x4  }
0x3b7: {  	[tilespmem:$0x1FC00] =	vst v3;
	v3 =	vld [tilespmem:$0x3A80];
	_ =	sdelay $0x3  }
0x3b8: {  	v8 =	vld [tilespmem:$0x1A20]  }
0x3b9: {  	[tilespmem:$0x1FC20] =	vst v3;
	v3 =	vld [tilespmem:$0x3C80]  }
0x3ba: {  	v10 =	vld [tilespmem:$0x1C20]  }
0x3bb: {  	v2 =	vld [tilespmem:$0x2E80]  }
0x3bc: {  	v13 =	vld [tilespmem:$0x1E20]  }
0x3bd: {  	v29 =	vadd.f32 $0.0e+00, v29;
	v1 =	vld [tilespmem:$0x2A80]  }
0x3be: {  	[tilespmem:$0x1FC40] =	vst v3;
	v3 =	vld [tilespmem:$0x3E80]  }
0x3bf: {  	v29 =	vadd.f32 v32, v29;
	v8 =	vadd.f32 $0.0e+00, v8  }
0x3c0: {  	[tilespmem:$0x1FB60] =	vst v2;
	v2 =	vld [tilespmem:$0x3080]  }
0x3c1: {  	v37 =	vadd.f32 v37, v29;
	v8 =	vadd.f32 v10, v8  }
0x3c2: {  	[tilespmem:$0x1FB20] =	vst v1  }
0x3c3: {  	v1 =	vadd.f32 v13, v8;
	v13 =	vadd.f32 v42, v37;
	[tilespmem:$0x1FC60] =	vst v3;
	v3 =	vld [tilespmem:$0x4080];
	_ =	sdelay $0x1  }
0x3c4: {  	[tilespmem:$0x1FB80] =	vst v2;
	v2 =	vadd.f32 v46, v13  }
0x3c5: {  	v25 =	vld [tilespmem:$0x2810]  }
0x3c6: {  	v2 =	vadd.f32 v51, v2  }
0x3c7: {  	[tilespmem:$0x1FC80] =	vst v3;
	v3 =	vld [tilespmem:$0x1F030]  }
0x3c8: {  	v2 =	vadd.f32 v55, v2;
	_ =	sdelay $0x1  }
0x3c9: {  	v2 =	vadd.f32 v25, v2;
	_ =	sdelay $0x1  }
0x3ca: {  	v2 =	vadd.f32 v3, v2;
	v3 =	vld [tilespmem:$0x4280];
	_ =	sdelay $0x4  }
0x3cb: {  	[tilespmem:$0x1FCB0] =	vst v3;
	v3 =	vld [tilespmem:$0x4480];
	_ =	sdelay $0x4  }
0x3cc: {  	[tilespmem:$0x1FCE0] =	vst v3;
	v3 =	vld [tilespmem:$0x1F040];
	_ =	sdelay $0x4  }
0x3cd: {  	v2 =	vadd.f32 v3, v2;
	v3 =	vld [tilespmem:$0x4680];
	_ =	sdelay $0x4  }
0x3ce: {  	[tilespmem:$0x1FD10] =	vst v3;
	v3 =	vld [tilespmem:$0x4880];
	_ =	sdelay $0x4  }
0x3cf: {  	[tilespmem:$0x1FD40] =	vst v3;
	v3 =	vld [tilespmem:$0x1F050];
	_ =	sdelay $0x2  }
0x3d0: {  	v16 =	vld [tilespmem:$0x2020]  }
0x3d1: {  	v19 =	vld [tilespmem:$0x2220]  }
0x3d2: {  	v2 =	vadd.f32 v3, v2;
	v3 =	vld [tilespmem:$0x4A80]  }
0x3d3: {  	v21 =	vld [tilespmem:$0x2420]  }
0x3d4: {  	v24 =	vld [tilespmem:$0x2620]  }
0x3d5: {  	v27 =	vld [tilespmem:$0x2820]  }
0x3d6: {  	v31 =	vld [tilespmem:$0x2A20]  }
0x3d7: {  	[tilespmem:$0x1FD70] =	vst v3;
	v3 =	vld [tilespmem:$0x4C80]  }
0x3d8: {  	v34 =	vld [tilespmem:$0x2C20]  }
0x3d9: {  	v41 =	vld [tilespmem:$0x2E20]  }
0x3da: {  	v45 =	vld [tilespmem:$0x3020]  }
0x3db: {  	v49 =	vld [tilespmem:$0x3220]  }
0x3dc: {  	[tilespmem:$0x1FDA0] =	vst v3;
	v3 =	vld [tilespmem:$0x1F060]  }
0x3dd: {  	v54 =	vld [tilespmem:$0x3420]  }
0x3de: {  	v59 =	vld [tilespmem:$0x3620]  }
0x3df: {  	v4 =	vld [tilespmem:$0x2230]  }
0x3e0: {  	v5 =	vld [tilespmem:$0x2430]  }
0x3e1: {  	v2 =	vadd.f32 v3, v2;
	v3 =	vld [tilespmem:$0x4E80]  }
0x3e2: {  	v6 =	vld [tilespmem:$0x2630]  }
0x3e3: {  	v7 =	vld [tilespmem:$0x2830]  }
0x3e4: {  	v9 =	vld [tilespmem:$0x2A30]  }
0x3e5: {  	v12 =	vld [tilespmem:$0x2C30]  }
0x3e6: {  	[tilespmem:$0x1FDD0] =	vst v3;
	v3 =	vld [tilespmem:$0x5080]  }
0x3e7: {  	v15 =	vld [tilespmem:$0x2E30]  }
0x3e8: {  	v17 =	vld [tilespmem:$0x3030]  }
0x3e9: {  	v20 =	vld [tilespmem:$0x3230]  }
0x3ea: {  	v22 =	vld [tilespmem:$0x3430]  }
0x3eb: {  	[tilespmem:$0x1FE00] =	vst v3;
	v3 =	vld [tilespmem:$0x1F070]  }
0x3ec: {  	v26 =	vld [tilespmem:$0x3630]  }
0x3ed: {  	v30 =	vld [tilespmem:$0x3830]  }
0x3ee: {  	v33 =	vld [tilespmem:$0x3A30]  }
0x3ef: {  	v38 =	vld [tilespmem:$0x3C30]  }
0x3f0: {  	v2 =	vadd.f32 v3, v2;
	v3 =	vld [tilespmem:$0x5280]  }
0x3f1: {  	v43 =	vld [tilespmem:$0x3E30]  }
0x3f2: {  	v47 =	vld [tilespmem:$0x4030]  }
0x3f3: {  	v53 =	vld [tilespmem:$0x4230]  }
0x3f4: {  	v57 =	vld [tilespmem:$0x4430]  }
0x3f5: {  	[tilespmem:$0x1FE30] =	vst v3;
	v3 =	vld [tilespmem:$0x5480]  }
0x3f6: {  	v28 =	vld [tilespmem:$0x4630]  }
0x3f7: {  	v39 =	vld [tilespmem:$0x4830]  }
0x3f8: {  	v40 =	vld [tilespmem:$0x4A30]  }
0x3f9: {  	v44 =	vld [tilespmem:$0x4C30]  }
0x3fa: {  	[tilespmem:$0x1FE60] =	vst v3;
	v3 =	vld [tilespmem:$0x1F080]  }
0x3fb: {  	v48 =	vld [tilespmem:$0x4E30]  }
0x3fc: {  	v50 =	vld [tilespmem:$0x5030]  }
0x3fd: {  	v52 =	vld [tilespmem:$0x5230]  }
0x3fe: {  	v62 =	vld [tilespmem:$0x1C40]  }
0x3ff: {  	v2 =	vadd.f32 v3, v2;
	v3 =	vld [tilespmem:$0x5680]  }
0x400: {  	v56 =	vld [tilespmem:$0x5430]  }
0x401: {  	v58 =	vld [tilespmem:$0x5630]  }
0x402: {  	v60 =	vld [tilespmem:$0x5830]  }
0x403: {  	[tilespmem:$0x1F370] =	vst v62;
	v62 =	vld [tilespmem:$0x3E40]  }
0x404: {  	[tilespmem:$0x1FE90] =	vst v3;
	v3 =	vld [tilespmem:$0x5880]  }
0x405: {  	v61 =	vld [tilespmem:$0x1A40];
	v1 =	vadd.f32 v16, v1  }
0x406: {  	v63 =	vld [tilespmem:$0x1E40]  }
0x407: {  	v14 =	vld [tilespmem:$0x2040];
	v1 =	vadd.f32 v19, v1  }
0x408: {  	[tilespmem:$0x1F6A0] =	vst v62;
	v62 =	vld [tilespmem:$0x2050]  }
0x409: {  	v1 =	vadd.f32 v21, v1;
	[tilespmem:$0x1FEC0] =	vst v3;
	v3 =	vld [tilespmem:$0x1F090]  }
0x40a: {  	v18 =	vld [tilespmem:$0x2240]  }
0x40b: {  	v23 =	vld [tilespmem:$0x2440];
	v1 =	vadd.f32 v24, v1  }
0x40c: {  	v35 =	vld [tilespmem:$0x2640]  }
0x40d: {  	[tilespmem:$0x1F3C0] =	vst v62;
	v62 =	vld [tilespmem:$0x4250];
	v1 =	vadd.f32 v27, v1  }
0x40e: {  	v2 =	vadd.f32 v3, v2;
	v3 =	vld [tilespmem:$0x1F0A0]  }
0x40f: {  	v36 =	vld [tilespmem:$0x2840];
	v1 =	vadd.f32 v31, v1  }
0x410: {  	v11 =	vld [tilespmem:$0x1A70]  }
0x411: {  	v32 =	vld [tilespmem:$0x2880];
	v1 =	vadd.f32 v34, v1  }
0x412: {  	[tilespmem:$0x1F740] =	vst v62;
	v62 =	vld [tilespmem:$0x2E60]  }
0x413: {  	v1 =	vadd.f32 v41, v1;
	v2 =	vadd.f32 v3, v2;
	v3 =	vld [tilespmem:$0x1E90]  }
0x414: {  	[tilespmem:$0x1F1D0] =	vst v39;
	v39 =	vld [tilespmem:$0x2A40]  }
0x415: {  	[tilespmem:$0x1F200] =	vst v40;
	v40 =	vld [tilespmem:$0x2C40];
	v1 =	vadd.f32 v45, v1  }
0x416: {  	[tilespmem:$0x1F230] =	vst v44;
	v44 =	vld [tilespmem:$0x2E40]  }
0x417: {  	[tilespmem:$0x1F500] =	vst v62;
	v62 =	vld [tilespmem:$0x4460];
	v1 =	vadd.f32 v49, v1  }
0x418: {  	[tilespmem:$0x1FA70] =	vst v3;
	v3 =	vld [tilespmem:$0x1F0B0]  }
0x419: {  	[tilespmem:$0x1F260] =	vst v48;
	v48 =	vld [tilespmem:$0x3040];
	v1 =	vadd.f32 v54, v1  }
0x41a: {  	[tilespmem:$0x1F290] =	vst v50;
	v50 =	vld [tilespmem:$0x3240]  }
0x41b: {  	[tilespmem:$0x1F2C0] =	vst v52;
	v52 =	vld [tilespmem:$0x3440];
	v1 =	vadd.f32 v59, v1  }
0x41c: {  	[tilespmem:$0x1F7B0] =	vst v62;
	v62 =	vld [tilespmem:$0x3070]  }
0x41d: {  	v1 =	vadd.f32 v3, v1;
	v3 =	vld [tilespmem:$0x2090]  }
0x41e: {  	[tilespmem:$0x1F2F0] =	vst v56;
	v56 =	vld [tilespmem:$0x3640]  }
0x41f: {  	[tilespmem:$0x1F320] =	vst v58;
	v58 =	vld [tilespmem:$0x3840]  }
0x420: {  	[tilespmem:$0x1F350] =	vst v60;
	v60 =	vld [tilespmem:$0x3A40]  }
0x421: {  	[tilespmem:$0x1F550] =	vst v62;
	v62 =	vld [tilespmem:$0x3270]  }
0x422: {  	[tilespmem:$0x1FA90] =	vst v3;
	v3 =	vld [tilespmem:$0x1F0C0]  }
0x423: {  	[tilespmem:$0x1F340] =	vst v61;
	v61 =	vld [tilespmem:$0x3C40]  }
0x424: {  	[tilespmem:$0x1F390] =	vst v63;
	v63 =	vld [tilespmem:$0x4040]  }
0x425: {  	[tilespmem:$0x1F3B0] =	vst v14;
	v14 =	vld [tilespmem:$0x4240]  }
0x426: {  	[tilespmem:$0x1F590] =	vst v62;
	v62 =	vld [tilespmem:$0x3470]  }
0x427: {  	v2 =	vadd.f32 v3, v2;
	v3 =	vld [tilespmem:$0x2290]  }
0x428: {  	[tilespmem:$0x1F3D0] =	vst v18;
	v18 =	vld [tilespmem:$0x4440]  }
0x429: {  	[tilespmem:$0x1F3F0] =	vst v23;
	v23 =	vld [tilespmem:$0x4640]  }
0x42a: {  	[tilespmem:$0x1F410] =	vst v35;
	v35 =	vld [tilespmem:$0x4840]  }
0x42b: {  	[tilespmem:$0x1F5D0] =	vst v62;
	v62 =	vld [tilespmem:$0x3670]  }
0x42c: {  	[tilespmem:$0x1FAB0] =	vst v3;
	v3 =	vld [tilespmem:$0x1F0D0]  }
0x42d: {  	[tilespmem:$0x1F430] =	vst v36;
	v36 =	vld [tilespmem:$0x4A40]  }
0x42e: {  	[tilespmem:$0x1F460] =	vst v39;
	v39 =	vld [tilespmem:$0x4C40]  }
0x42f: {  	[tilespmem:$0x1F490] =	vst v40;
	v40 =	vld [tilespmem:$0x4E40]  }
0x430: {  	[tilespmem:$0x1F610] =	vst v62;
	v62 =	vld [tilespmem:$0x3870]  }
0x431: {  	v1 =	vadd.f32 v3, v1;
	v3 =	vld [tilespmem:$0x2490]  }
0x432: {  	[tilespmem:$0x1F4C0] =	vst v44;
	v44 =	vld [tilespmem:$0x5040]  }
0x433: {  	[tilespmem:$0x1F4F0] =	vst v48;
	v48 =	vld [tilespmem:$0x5240]  }
0x434: {  	[tilespmem:$0x1F520] =	vst v50;
	v50 =	vld [tilespmem:$0x5440]  }
0x435: {  	[tilespmem:$0x1F650] =	vst v62;
	v62 =	vld [tilespmem:$0x3A70]  }
0x436: {  	[tilespmem:$0x1FAD0] =	vst v3;
	v3 =	vld [tilespmem:$0x1F0E0]  }
0x437: {  	[tilespmem:$0x1F560] =	vst v52;
	v52 =	vld [tilespmem:$0x5640]  }
0x438: {  	[tilespmem:$0x1F5A0] =	vst v56;
	v56 =	vld [tilespmem:$0x5840]  }
0x439: {  	[tilespmem:$0x1F5E0] =	vst v58;
	v58 =	vld [tilespmem:$0x1A50]  }
0x43a: {  	[tilespmem:$0x1F690] =	vst v62;
	v62 =	vld [tilespmem:$0x3C70]  }
0x43b: {  	v2 =	vadd.f32 v3, v2;
	v3 =	vld [tilespmem:$0x2690]  }
0x43c: {  	[tilespmem:$0x1F620] =	vst v60;
	v60 =	vld [tilespmem:$0x1C50]  }
0x43d: {  	[tilespmem:$0x1F660] =	vst v61;
	v61 =	vld [tilespmem:$0x1E50]  }
0x43e: {  	[tilespmem:$0x1F6E0] =	vst v63;
	v63 =	vld [tilespmem:$0x2250]  }
0x43f: {  	[tilespmem:$0x1F6D0] =	vst v62;
	v62 =	vld [tilespmem:$0x3E70]  }
0x440: {  	[tilespmem:$0x1FAF0] =	vst v3;
	v3 =	vld [tilespmem:$0x1F0F0]  }
0x441: {  	[tilespmem:$0x1F720] =	vst v14;
	v14 =	vld [tilespmem:$0x2450]  }
0x442: {  	[tilespmem:$0x1F760] =	vst v18;
	v18 =	vld [tilespmem:$0x2650]  }
0x443: {  	[tilespmem:$0x1F7A0] =	vst v23;
	v23 =	vld [tilespmem:$0x2850]  }
0x444: {  	[tilespmem:$0x1F710] =	vst v62;
	v62 =	vld [tilespmem:$0x4070]  }
0x445: {  	v1 =	vadd.f32 v3, v1;
	v3 =	vld [tilespmem:$0x2890]  }
0x446: {  	[tilespmem:$0x1F7E0] =	vst v35;
	v35 =	vld [tilespmem:$0x2A50]  }
0x447: {  	[tilespmem:$0x1F820] =	vst v36;
	v36 =	vld [tilespmem:$0x2C50]  }
0x448: {  	[tilespmem:$0x1F860] =	vst v39;
	v39 =	vld [tilespmem:$0x2E50]  }
0x449: {  	[tilespmem:$0x1F750] =	vst v62;
	v62 =	vld [tilespmem:$0x4270]  }
0x44a: {  	[tilespmem:$0x1FB10] =	vst v3;
	v3 =	vld [tilespmem:$0x1F100]  }
0x44b: {  	[tilespmem:$0x1F8A0] =	vst v40;
	v40 =	vld [tilespmem:$0x3050]  }
0x44c: {  	[tilespmem:$0x1F8E0] =	vst v44;
	v44 =	vld [tilespmem:$0x3250]  }
0x44d: {  	[tilespmem:$0x1F920] =	vst v48;
	v48 =	vld [tilespmem:$0x3450]  }
0x44e: {  	[tilespmem:$0x1F790] =	vst v62;
	v62 =	vld [tilespmem:$0x4470]  }
0x44f: {  	v2 =	vadd.f32 v3, v2;
	v3 =	vld [tilespmem:$0x2A90]  }
0x450: {  	[tilespmem:$0x1F960] =	vst v50;
	v50 =	vld [tilespmem:$0x3650]  }
0x451: {  	[tilespmem:$0x1F9A0] =	vst v52;
	v52 =	vld [tilespmem:$0x3850]  }
0x452: {  	[tilespmem:$0x1F9E0] =	vst v56;
	v56 =	vld [tilespmem:$0x3A50]  }
0x453: {  	[tilespmem:$0x1F7D0] =	vst v62;
	v62 =	vld [tilespmem:$0x4670]  }
0x454: {  	[tilespmem:$0x1FB30] =	vst v3;
	v3 =	vld [tilespmem:$0x1F110]  }
0x455: {  	[tilespmem:$0x1F360] =	vst v58;
	v58 =	vld [tilespmem:$0x3C50]  }
0x456: {  	[tilespmem:$0x1F380] =	vst v60;
	v60 =	vld [tilespmem:$0x3E50]  }
0x457: {  	[tilespmem:$0x1F3A0] =	vst v61;
	v61 =	vld [tilespmem:$0x4050]  }
0x458: {  	[tilespmem:$0x1F810] =	vst v62;
	v62 =	vld [tilespmem:$0x4870]  }
0x459: {  	v1 =	vadd.f32 v3, v1;
	v3 =	vld [tilespmem:$0x2C90]  }
0x45a: {  	[tilespmem:$0x1F3E0] =	vst v63;
	v63 =	vld [tilespmem:$0x4450]  }
0x45b: {  	[tilespmem:$0x1F400] =	vst v14;
	v14 =	vld [tilespmem:$0x4650]  }
0x45c: {  	[tilespmem:$0x1F420] =	vst v18;
	v18 =	vld [tilespmem:$0x4850]  }
0x45d: {  	[tilespmem:$0x1F850] =	vst v62;
	v62 =	vld [tilespmem:$0x4A70]  }
0x45e: {  	[tilespmem:$0x1FB50] =	vst v3;
	v3 =	vld [tilespmem:$0x1F120]  }
0x45f: {  	[tilespmem:$0x1F450] =	vst v23;
	v23 =	vld [tilespmem:$0x4A50]  }
0x460: {  	[tilespmem:$0x1F480] =	vst v35;
	v35 =	vld [tilespmem:$0x4C50]  }
0x461: {  	[tilespmem:$0x1F4B0] =	vst v36;
	v36 =	vld [tilespmem:$0x4E50]  }
0x462: {  	[tilespmem:$0x1F890] =	vst v62;
	v62 =	vld [tilespmem:$0x4C70]  }
0x463: {  	v2 =	vadd.f32 v3, v2;
	v3 =	vld [tilespmem:$0x2E90]  }
0x464: {  	[tilespmem:$0x1F4E0] =	vst v39;
	v39 =	vld [tilespmem:$0x5050]  }
0x465: {  	[tilespmem:$0x1F510] =	vst v40;
	v40 =	vld [tilespmem:$0x5250]  }
0x466: {  	[tilespmem:$0x1F540] =	vst v44;
	v44 =	vld [tilespmem:$0x5450]  }
0x467: {  	[tilespmem:$0x1F8D0] =	vst v62;
	v62 =	vld [tilespmem:$0x4E70]  }
0x468: {  	[tilespmem:$0x1FB70] =	vst v3;
	v3 =	vld [tilespmem:$0x1F130]  }
0x469: {  	[tilespmem:$0x1F580] =	vst v48;
	v48 =	vld [tilespmem:$0x5650]  }
0x46a: {  	[tilespmem:$0x1F5C0] =	vst v50;
	v50 =	vld [tilespmem:$0x5850]  }
0x46b: {  	[tilespmem:$0x1F880] =	vst v35;
	v35 =	vld [tilespmem:$0x1A60]  }
0x46c: {  	[tilespmem:$0x1F910] =	vst v62;
	v62 =	vld [tilespmem:$0x5070]  }
0x46d: {  	v1 =	vadd.f32 v3, v1;
	v3 =	vld [tilespmem:$0x3090]  }
0x46e: {  	[tilespmem:$0x1F640] =	vst v56;
	v56 =	vld [tilespmem:$0x2260]  }
0x46f: {  	[tilespmem:$0x1F780] =	vst v63;
	v63 =	vld [tilespmem:$0x2460]  }
0x470: {  	[tilespmem:$0x1F600] =	vst v52;
	v52 =	vld [tilespmem:$0x2660]  }
0x471: {  	[tilespmem:$0x1F950] =	vst v62;
	v62 =	vld [tilespmem:$0x5270]  }
0x472: {  	[tilespmem:$0x1FB90] =	vst v3;
	v3 =	vld [tilespmem:$0x1F140]  }
0x473: {  	[tilespmem:$0x1F680] =	vst v58;
	v58 =	vld [tilespmem:$0x2860]  }
0x474: {  	[tilespmem:$0x1F6C0] =	vst v60;
	v60 =	vld [tilespmem:$0x2A60]  }
0x475: {  	[tilespmem:$0x1F700] =	vst v61;
	v61 =	vld [tilespmem:$0x2C60]  }
0x476: {  	[tilespmem:$0x1F990] =	vst v62;
	v62 =	vld [tilespmem:$0x5470]  }
0x477: {  	v2 =	vadd.f32 v3, v2;
	v3 =	vld [tilespmem:$0x3290]  }
0x478: {  	[tilespmem:$0x1F7C0] =	vst v14;
	v14 =	vld [tilespmem:$0x3060]  }
0x479: {  	[tilespmem:$0x1F800] =	vst v18;
	v18 =	vld [tilespmem:$0x3260]  }
0x47a: {  	[tilespmem:$0x1F840] =	vst v23;
	v23 =	vld [tilespmem:$0x3460]  }
0x47b: {  	[tilespmem:$0x1F9D0] =	vst v62;
	v62 =	vld [tilespmem:$0x5670]  }
0x47c: {  	[tilespmem:$0x1FBB0] =	vst v3;
	v3 =	vld [tilespmem:$0x1F150]  }
0x47d: {  	[tilespmem:$0x1F8C0] =	vst v36;
	v36 =	vld [tilespmem:$0x3660]  }
0x47e: {  	[tilespmem:$0x1F900] =	vst v39;
	v39 =	vld [tilespmem:$0x1C60]  }
0x47f: {  	[tilespmem:$0x1F980] =	vst v44;
	v44 =	vld [tilespmem:$0x1E60]  }
0x480: {  	[tilespmem:$0x1FA10] =	vst v62;
	v62 =	vld [tilespmem:$0x5870]  }
0x481: {  	v1 =	vadd.f32 v3, v1;
	v3 =	vld [tilespmem:$0x3490]  }
0x482: {  	[tilespmem:$0x1FA00] =	vst v50;
	v50 =	vld [tilespmem:$0x2060]  }
0x483: {  	[tilespmem:$0x1F940] =	vst v40;
	v40 =	vld [tilespmem:$0x3860]  }
0x484: {  	[tilespmem:$0x1F9C0] =	vst v48;
	v48 =	vld [tilespmem:$0x3A60]  }
0x485: {  	[tilespmem:$0x1FA40] =	vst v62;
	v62 =	vld [tilespmem:$0x1A80]  }
0x486: {  	[tilespmem:$0x1FBD0] =	vst v3;
	v3 =	vld [tilespmem:$0x1F160]  }
0x487: {  	[tilespmem:$0x1F440] =	vst v52;
	v52 =	vld [tilespmem:$0x3C60]  }
0x488: {  	[tilespmem:$0x1F470] =	vst v58;
	v58 =	vld [tilespmem:$0x3E60]  }
0x489: {  	[tilespmem:$0x1F4A0] =	vst v60;
	v60 =	vld [tilespmem:$0x4060]  }
0x48a: {  	[tilespmem:$0x1FA30] =	vst v62;
	v62 =	vld [tilespmem:$0x1C80]  }
0x48b: {  	v2 =	vadd.f32 v3, v2;
	v3 =	vld [tilespmem:$0x3690]  }
0x48c: {  	[tilespmem:$0x1F4D0] =	vst v61;
	v61 =	vld [tilespmem:$0x4260]  }
0x48d: {  	[tilespmem:$0x1F530] =	vst v14;
	v14 =	vld [tilespmem:$0x4660]  }
0x48e: {  	[tilespmem:$0x1F570] =	vst v18;
	v18 =	vld [tilespmem:$0x4860]  }
0x48f: {  	[tilespmem:$0x1FA50] =	vst v62;
	v62 =	vld [tilespmem:$0x1E80]  }
0x490: {  	[tilespmem:$0x1FBF0] =	vst v3;
	v3 =	vld [tilespmem:$0x1F170]  }
0x491: {  	[tilespmem:$0x1F5B0] =	vst v23;
	v23 =	vld [tilespmem:$0x4A60]  }
0x492: {  	[tilespmem:$0x1F5F0] =	vst v36;
	v36 =	vld [tilespmem:$0x4C60]  }
0x493: {  	[tilespmem:$0x1F630] =	vst v40;
	v40 =	vld [tilespmem:$0x4E60]  }
0x494: {  	[tilespmem:$0x1FA60] =	vst v62;
	v62 =	vld [tilespmem:$0x2080]  }
0x495: {  	v1 =	vadd.f32 v3, v1;
	v3 =	vld [tilespmem:$0x3890]  }
0x496: {  	[tilespmem:$0x1F670] =	vst v48;
	v48 =	vld [tilespmem:$0x5060]  }
0x497: {  	[tilespmem:$0x1F6B0] =	vst v52;
	v52 =	vld [tilespmem:$0x5260]  }
0x498: {  	[tilespmem:$0x1F6F0] =	vst v58;
	v58 =	vld [tilespmem:$0x5460]  }
0x499: {  	[tilespmem:$0x1FA80] =	vst v62;
	v62 =	vld [tilespmem:$0x2280]  }
0x49a: {  	[tilespmem:$0x1FC10] =	vst v3;
	v3 =	vld [tilespmem:$0x1F180]  }
0x49b: {  	[tilespmem:$0x1F730] =	vst v60;
	v60 =	vld [tilespmem:$0x5660]  }
0x49c: {  	[tilespmem:$0x1F770] =	vst v61;
	v61 =	vld [tilespmem:$0x5860]  }
0x49d: {  	[tilespmem:$0x1F7F0] =	vst v14;
	v14 =	vld [tilespmem:$0x1C70]  }
0x49e: {  	[tilespmem:$0x1FAA0] =	vst v62;
	v62 =	vld [tilespmem:$0x2480]  }
0x49f: {  	v2 =	vadd.f32 v3, v2;
	v3 =	vld [tilespmem:$0x3A90]  }
0x4a0: {  	[tilespmem:$0x1F830] =	vst v18;
	v18 =	vld [tilespmem:$0x1E70]  }
0x4a1: {  	[tilespmem:$0x1F870] =	vst v23;
	v23 =	vld [tilespmem:$0x2070]  }
0x4a2: {  	[tilespmem:$0x1F8B0] =	vst v36;
	v36 =	vld [tilespmem:$0x2670]  }
0x4a3: {  	[tilespmem:$0x1FAC0] =	vst v62;
	v62 =	vld [tilespmem:$0x2680]  }
0x4a4: {  	[tilespmem:$0x1FC30] =	vst v3;
	v3 =	vld [tilespmem:$0x1F190]  }
0x4a5: {  	[tilespmem:$0x1F9F0] =	vst v60;
	v60 =	vld [tilespmem:$0x2270]  }
0x4a6: {  	[tilespmem:$0x1FA20] =	vst v61;
	v61 =	vld [tilespmem:$0x2470]  }
0x4a7: {  	[tilespmem:$0x1F8F0] =	vst v40;
	v40 =	vld [tilespmem:$0x2870];
	v0 =	vadd.f32 v4, v0  }
0x4a8: {  	[tilespmem:$0x1FAE0] =	vst v62;
	v62 =	vld [tilespmem:$0x2C80]  }
0x4a9: {  	[tilespmem:$0x1FB00] =	vst v32;
	v0 =	vadd.f32 v5, v0;
	v1 =	vadd.f32 v3, v1;
	v3 =	vld [tilespmem:$0x3C90]  }
0x4aa: {  	[tilespmem:$0x1F930] =	vst v48;
	v48 =	vld [tilespmem:$0x2A70]  }
0x4ab: {  	[tilespmem:$0x1F970] =	vst v52;
	v52 =	vld [tilespmem:$0x2C70];
	v0 =	vadd.f32 v6, v0  }
0x4ac: {  	[tilespmem:$0x1F9B0] =	vst v58;
	v58 =	vld [tilespmem:$0x2E70]  }
0x4ad: {  	[tilespmem:$0x1FB40] =	vst v62;
	v0 =	vadd.f32 v7, v0;
	v31 =	vld [tilespmem:$0x1C90]  }
0x4ae: {  	v41 =	vld [tilespmem:$0x1A90];
	[tilespmem:$0x1FC50] =	vst v3  }
0x4af: {  	v0 =	vadd.f32 v9, v0;
	v3 =	vld [tilespmem:$0x1F1A0];
	_ =	sdelay $0x1  }
0x4b0: {  	v0 =	vadd.f32 v12, v0;
	_ =	sdelay $0x1  }
0x4b1: {  	v0 =	vadd.f32 v15, v0  }
0x4b2: {  	v2 =	vadd.f32 v3, v2;
	v3 =	vld [tilespmem:$0x3E90]  }
0x4b3: {  	v0 =	vadd.f32 v17, v0;
	_ =	sdelay $0x1  }
0x4b4: {  	v0 =	vadd.f32 v20, v0;
	_ =	sdelay $0x1  }
0x4b5: {  	v0 =	vadd.f32 v22, v0;
	[tilespmem:$0x1FC70] =	vst v3;
	v3 =	vld [tilespmem:$0x1F1B0];
	_ =	sdelay $0x1  }
0x4b6: {  	v0 =	vadd.f32 v26, v0;
	_ =	sdelay $0x1  }
0x4b7: {  	v0 =	vadd.f32 v30, v0  }
0x4b8: {  	v1 =	vadd.f32 v3, v1;
	v3 =	vld [tilespmem:$0x4090]  }
0x4b9: {  	v0 =	vadd.f32 v33, v0;
	_ =	sdelay $0x1  }
0x4ba: {  	v0 =	vadd.f32 v38, v0;
	_ =	sdelay $0x1  }
0x4bb: {  	v0 =	vadd.f32 v43, v0;
	[tilespmem:$0x1FCA0] =	vst v3;
	v3 =	vld [tilespmem:$0x1F1C0];
	_ =	sdelay $0x1  }
0x4bc: {  	v0 =	vadd.f32 v47, v0;
	_ =	sdelay $0x1  }
0x4bd: {  	v0 =	vadd.f32 v53, v0  }
0x4be: {  	v2 =	vadd.f32 v3, v2;
	v3 =	vld [tilespmem:$0x1F1D0]  }
0x4bf: {  	v0 =	vadd.f32 v57, v0;
	_ =	sdelay $0x1  }
0x4c0: {  	v0 =	vadd.f32 v28, v0;
	_ =	sdelay $0x1  }
0x4c1: {  	v0 =	vadd.f32 v3, v0;
	v3 =	vld [tilespmem:$0x4290];
	_ =	sdelay $0x4  }
0x4c2: {  	[tilespmem:$0x1FCD0] =	vst v3;
	v3 =	vld [tilespmem:$0x1F1E0];
	_ =	sdelay $0x4  }
0x4c3: {  	v1 =	vadd.f32 v3, v1;
	v3 =	vld [tilespmem:$0x4490];
	_ =	sdelay $0x4  }
0x4c4: {  	[tilespmem:$0x1FD00] =	vst v3;
	v3 =	vld [tilespmem:$0x1F1F0];
	_ =	sdelay $0x4  }
0x4c5: {  	v2 =	vadd.f32 v3, v2;
	v3 =	vld [tilespmem:$0x1F200];
	_ =	sdelay $0x4  }
0x4c6: {  	v0 =	vadd.f32 v3, v0;
	v3 =	vld [tilespmem:$0x4690];
	_ =	sdelay $0x4  }
0x4c7: {  	[tilespmem:$0x1FD30] =	vst v3;
	v3 =	vld [tilespmem:$0x1F210];
	_ =	sdelay $0x4  }
0x4c8: {  	v1 =	vadd.f32 v3, v1;
	v3 =	vld [tilespmem:$0x4890];
	_ =	sdelay $0x4  }
0x4c9: {  	[tilespmem:$0x1FD60] =	vst v3;
	v3 =	vld [tilespmem:$0x1F220];
	_ =	sdelay $0x4  }
0x4ca: {  	v2 =	vadd.f32 v3, v2;
	v3 =	vld [tilespmem:$0x1F230];
	_ =	sdelay $0x4  }
0x4cb: {  	v0 =	vadd.f32 v3, v0;
	v3 =	vld [tilespmem:$0x4A90];
	_ =	sdelay $0x4  }
0x4cc: {  	[tilespmem:$0x1FD90] =	vst v3;
	v3 =	vld [tilespmem:$0x1F240];
	_ =	sdelay $0x4  }
0x4cd: {  	v1 =	vadd.f32 v3, v1;
	v3 =	vld [tilespmem:$0x4C90];
	_ =	sdelay $0x4  }
0x4ce: {  	[tilespmem:$0x1FDC0] =	vst v3;
	v3 =	vld [tilespmem:$0x1F250];
	_ =	sdelay $0x4  }
0x4cf: {  	v2 =	vadd.f32 v3, v2;
	v3 =	vld [tilespmem:$0x1F260];
	_ =	sdelay $0x4  }
0x4d0: {  	v0 =	vadd.f32 v3, v0;
	v3 =	vld [tilespmem:$0x4E90];
	_ =	sdelay $0x4  }
0x4d1: {  	[tilespmem:$0x1FDF0] =	vst v3;
	v3 =	vld [tilespmem:$0x1F270];
	_ =	sdelay $0x4  }
0x4d2: {  	v1 =	vadd.f32 v3, v1;
	v3 =	vld [tilespmem:$0x5090];
	_ =	sdelay $0x4  }
0x4d3: {  	[tilespmem:$0x1FE20] =	vst v3;
	v3 =	vld [tilespmem:$0x1F280];
	_ =	sdelay $0x4  }
0x4d4: {  	v2 =	vadd.f32 v3, v2;
	v3 =	vld [tilespmem:$0x1F290];
	_ =	sdelay $0x4  }
0x4d5: {  	v0 =	vadd.f32 v3, v0;
	v3 =	vld [tilespmem:$0x5290];
	_ =	sdelay $0x4  }
0x4d6: {  	[tilespmem:$0x1FE50] =	vst v3;
	v3 =	vld [tilespmem:$0x1F2A0];
	_ =	sdelay $0x4  }
0x4d7: {  	v1 =	vadd.f32 v3, v1;
	v3 =	vld [tilespmem:$0x5490];
	_ =	sdelay $0x4  }
0x4d8: {  	[tilespmem:$0x1FE80] =	vst v3;
	v3 =	vld [tilespmem:$0x1F2B0];
	_ =	sdelay $0x4  }
0x4d9: {  	v2 =	vadd.f32 v3, v2;
	v3 =	vld [tilespmem:$0x1F2C0];
	_ =	sdelay $0x4  }
0x4da: {  	v0 =	vadd.f32 v3, v0;
	v3 =	vld [tilespmem:$0x5690];
	_ =	sdelay $0x4  }
0x4db: {  	[tilespmem:$0x1FEB0] =	vst v3;
	v3 =	vld [tilespmem:$0x1F2D0];
	_ =	sdelay $0x4  }
0x4dc: {  	v1 =	vadd.f32 v3, v1;
	v3 =	vld [tilespmem:$0x5890];
	_ =	sdelay $0x4  }
0x4dd: {  	[tilespmem:$0x1FEE0] =	vst v3;
	v3 =	vld [tilespmem:$0x1F2E0];
	_ =	sdelay $0x4  }
0x4de: {  	v2 =	vadd.f32 v3, v2;
	v3 =	vld [tilespmem:$0x1F2F0];
	_ =	sdelay $0x4  }
0x4df: {  	v0 =	vadd.f32 v3, v0;
	v3 =	vld [tilespmem:$0x1F300];
	_ =	sdelay $0x4  }
0x4e0: {  	v1 =	vadd.f32 v3, v1;
	v3 =	vld [tilespmem:$0x1F310];
	_ =	sdelay $0x4  }
0x4e1: {  	v2 =	vadd.f32 v3, v2;
	_ =	sdelay $0x1  }
0x4e2: {  	[tilespmem:$0x1FF50] =	vst v2;
	v2 =	vld [tilespmem:$0x1F320];
	_ =	sdelay $0x2  }
0x4e3: {  	v17 =	vld [tilespmem:$0x1F390]  }
0x4e4: {  	v19 =	vld [tilespmem:$0x1F3A0]  }
0x4e5: {  	v0 =	vadd.f32 v2, v0;
	v2 =	vld [tilespmem:$0x1F330]  }
0x4e6: {  	v20 =	vld [tilespmem:$0x1F3B0]  }
0x4e7: {  	v21 =	vld [tilespmem:$0x1F3C0]  }
0x4e8: {  	v22 =	vld [tilespmem:$0x1F3D0]  }
0x4e9: {  	v25 =	vld [tilespmem:$0x1F3E0]  }
0x4ea: {  	v1 =	vadd.f32 v2, v1;
	v2 =	vld [tilespmem:$0x1F350]  }
0x4eb: {  	v27 =	vld [tilespmem:$0x1F3F0]  }
0x4ec: {  	v30 =	vld [tilespmem:$0x1F400]  }
0x4ed: {  	v32 =	vld [tilespmem:$0x1F410]  }
0x4ee: {  	v45 =	vld [tilespmem:$0x1F450]  }
0x4ef: {  	v47 =	vld [tilespmem:$0x3EA0];
	v0 =	vadd.f32 v2, v0  }
0x4f0: {  	v53 =	vld [tilespmem:$0x1F470]  }
0x4f1: {  	[tilespmem:$0x1FF70] =	vst v0;
	v0 =	vld [tilespmem:$0x1F360]  }
0x4f2: {  	[tilespmem:$0x1FF60] =	vst v1;
	v1 =	vld [tilespmem:$0x1F340]  }
0x4f3: {  	v3 =	vld [tilespmem:$0x1F380]  }
0x4f4: {  	v2 =	vld [tilespmem:$0x1F370]  }
0x4f5: {  	v54 =	vld [tilespmem:$0x40A0]  }
0x4f6: {  	v8 =	vld [tilespmem:$0x1F4A0];
	v0 =	vadd.f32 $0.0e+00, v0  }
0x4f7: {  	v9 =	vld [tilespmem:$0x44A0];
	v1 =	vadd.f32 $0.0e+00, v1  }
0x4f8: {  	v10 =	vld [tilespmem:$0x1F4B0];
	v0 =	vadd.f32 v3, v0  }
0x4f9: {  	v12 =	vld [tilespmem:$0x1F4C0];
	v1 =	vadd.f32 v2, v1;
	v2 =	vadd.f32 $0.0e+00, v35  }
0x4fa: {  	v13 =	vld [tilespmem:$0x1F4D0];
	v0 =	vadd.f32 v19, v0  }
0x4fb: {  	v15 =	vld [tilespmem:$0x1F4E0];
	v2 =	vadd.f32 v39, v2;
	v3 =	vadd.f32 $0.0e+00, v11  }
0x4fc: {  	[tilespmem:$0x1FC90] =	vst v47;
	v47 =	vld [tilespmem:$0x1F5A0];
	v0 =	vadd.f32 v21, v0  }
0x4fd: {  	v35 =	vld [tilespmem:$0x1F420];
	v2 =	vadd.f32 v44, v2;
	v3 =	vadd.f32 v14, v3  }
0x4fe: {  	[tilespmem:$0x1FCC0] =	vst v54;
	v54 =	vld [tilespmem:$0x1F5E0];
	v0 =	vadd.f32 v25, v0  }
0x4ff: {  	[tilespmem:$0x1FD20] =	vst v9;
	v9 =	vld [tilespmem:$0x1F640];
	v2 =	vadd.f32 v50, v2;
	v3 =	vadd.f32 v18, v3  }
0x500: {  	v1 =	vadd.f32 v17, v1;
	v39 =	vld [tilespmem:$0x1F430];
	v0 =	vadd.f32 v30, v0  }
0x501: {  	v2 =	vadd.f32 v56, v2;
	v56 =	vld [tilespmem:$0x1F480];
	v3 =	vadd.f32 v23, v3  }
0x502: {  	v17 =	vld [tilespmem:$0x1F4F0];
	v0 =	vadd.f32 v35, v0  }
0x503: {  	v1 =	vadd.f32 v20, v1;
	v44 =	vld [tilespmem:$0x1F440];
	v3 =	vadd.f32 v60, v3  }
0x504: {  	v11 =	vld [tilespmem:$0x46A0];
	v0 =	vadd.f32 v45, v0  }
0x505: {  	v20 =	vld [tilespmem:$0x1F510];
	v1 =	vadd.f32 v22, v1;
	v3 =	vadd.f32 v61, v3  }
0x506: {  	v50 =	vld [tilespmem:$0x1F460];
	v0 =	vadd.f32 v56, v0  }
0x507: {  	v22 =	vld [tilespmem:$0x1F520];
	v1 =	vadd.f32 v27, v1;
	v3 =	vadd.f32 v36, v3  }
0x508: {  	v18 =	vld [tilespmem:$0x1F500];
	v0 =	vadd.f32 v10, v0  }
0x509: {  	v27 =	vld [tilespmem:$0x1F540];
	v1 =	vadd.f32 v32, v1;
	v3 =	vadd.f32 v40, v3  }
0x50a: {  	v2 =	vadd.f32 v63, v2;
	v63 =	vld [tilespmem:$0x1F490];
	v0 =	vadd.f32 v15, v0  }
0x50b: {  	v40 =	vld [tilespmem:$0x1F580];
	v3 =	vadd.f32 v48, v3  }
0x50c: {  	v1 =	vadd.f32 v39, v1;
	v30 =	vld [tilespmem:$0x1F550];
	v0 =	vadd.f32 v20, v0  }
0x50d: {  	v2 =	vadd.f32 v44, v2;
	v3 =	vadd.f32 v52, v3;
	v52 =	vld [tilespmem:$0x1F5C0]  }
0x50e: {  	v1 =	vadd.f32 v50, v1;
	v61 =	vld [tilespmem:$0x42A0];
	v0 =	vadd.f32 v27, v0  }
0x50f: {  	v2 =	vadd.f32 v53, v2;
	v3 =	vadd.f32 v58, v3;
	v58 =	vld [tilespmem:$0x1F600]  }
0x510: {  	v44 =	vld [tilespmem:$0x1F590];
	v1 =	vadd.f32 v63, v1;
	v0 =	vadd.f32 v40, v0  }
0x511: {  	v35 =	vld [tilespmem:$0x1F560];
	v2 =	vadd.f32 v8, v2  }
0x512: {  	v53 =	vld [tilespmem:$0x1F5D0];
	v1 =	vadd.f32 v12, v1;
	v0 =	vadd.f32 v52, v0  }
0x513: {  	v2 =	vadd.f32 v13, v2;
	v13 =	vld [tilespmem:$0x1F680];
	v3 =	vadd.f32 v30, v3  }
0x514: {  	[tilespmem:$0x1FCF0] =	vst v61;
	v61 =	vld [tilespmem:$0x1F610];
	v1 =	vadd.f32 v17, v1;
	v0 =	vadd.f32 v58, v0  }
0x515: {  	v23 =	vld [tilespmem:$0x1F530];
	v3 =	vadd.f32 v44, v3  }
0x516: {  	v10 =	vld [tilespmem:$0x1F650];
	v1 =	vadd.f32 v22, v1;
	v0 =	vadd.f32 v9, v0  }
0x517: {  	v36 =	vld [tilespmem:$0x1F570];
	v3 =	vadd.f32 v53, v3  }
0x518: {  	v1 =	vadd.f32 v35, v1;
	v5 =	vadd.f32 v13, v0;
	v0 =	vld [tilespmem:$0x1F690]  }
0x519: {  	v63 =	vld [tilespmem:$0x1F620];
	v2 =	vadd.f32 v18, v2;
	v3 =	vadd.f32 v61, v3  }
0x51a: {  	v48 =	vld [tilespmem:$0x1F5B0];
	v1 =	vadd.f32 v47, v1  }
0x51b: {  	[tilespmem:$0x1FD50] =	vst v11;
	v11 =	vld [tilespmem:$0x1F660];
	v2 =	vadd.f32 v23, v2;
	v3 =	vadd.f32 v10, v3  }
0x51c: {  	v56 =	vld [tilespmem:$0x1F5F0];
	v1 =	vadd.f32 v54, v1  }
0x51d: {  	v2 =	vadd.f32 v36, v2;
	v3 =	vadd.f32 v0, v3;
	v0 =	vld [tilespmem:$0x1F6A0]  }
0x51e: {  	v8 =	vld [tilespmem:$0x1F630];
	v1 =	vadd.f32 v63, v1  }
0x51f: {  	v2 =	vadd.f32 v48, v2  }
0x520: {  	v12 =	vld [tilespmem:$0x1F670];
	v1 =	vadd.f32 v11, v1  }
0x521: {  	v2 =	vadd.f32 v56, v2  }
0x522: {  	v1 =	vadd.f32 v0, v1;
	v0 =	vld [tilespmem:$0x1F6B0]  }
0x523: {  	v2 =	vadd.f32 v8, v2;
	_ =	sdelay $0x1  }
0x524: {  	v2 =	vadd.f32 v12, v2;
	_ =	sdelay $0x1  }
0x525: {  	v2 =	vadd.f32 v0, v2;
	v0 =	vld [tilespmem:$0x1F6C0];
	_ =	sdelay $0x4  }
0x526: {  	v5 =	vadd.f32 v0, v5;
	v0 =	vld [tilespmem:$0x1F6D0];
	_ =	sdelay $0x3  }
0x527: {  	v14 =	vld [tilespmem:$0x48A0]  }
0x528: {  	v3 =	vadd.f32 v0, v3;
	v0 =	vld [tilespmem:$0x1F6E0];
	_ =	sdelay $0x4  }
0x529: {  	[tilespmem:$0x1FD80] =	vst v14;
	v14 =	vadd.f32 v0, v1;
	v0 =	vld [tilespmem:$0x1F6F0];
	_ =	sdelay $0x4  }
0x52a: {  	v2 =	vadd.f32 v0, v2;
	v0 =	vld [tilespmem:$0x1F700];
	_ =	sdelay $0x4  }
0x52b: {  	v5 =	vadd.f32 v0, v5;
	v0 =	vld [tilespmem:$0x1F710];
	_ =	sdelay $0x4  }
0x52c: {  	v3 =	vadd.f32 v0, v3;
	v0 =	vld [tilespmem:$0x1F720];
	_ =	sdelay $0x4  }
0x52d: {  	v6 =	vadd.f32 v0, v14;
	v0 =	vld [tilespmem:$0x1F730];
	_ =	sdelay $0x3  }
0x52e: {  	v16 =	vld [tilespmem:$0x4AA0]  }
0x52f: {  	v15 =	vadd.f32 v0, v2;
	v0 =	vld [tilespmem:$0x1F740];
	_ =	sdelay $0x4  }
0x530: {  	[tilespmem:$0x1FDB0] =	vst v16;
	v16 =	vadd.f32 v0, v5;
	v0 =	vld [tilespmem:$0x1F750];
	_ =	sdelay $0x4  }
0x531: {  	v17 =	vadd.f32 v0, v3;
	v0 =	vld [tilespmem:$0x1F760];
	_ =	sdelay $0x4  }
0x532: {  	v18 =	vadd.f32 v0, v6;
	v0 =	vld [tilespmem:$0x1F770];
	_ =	sdelay $0x4  }
0x533: {  	v7 =	vadd.f32 v0, v15;
	v0 =	vld [tilespmem:$0x1F780];
	_ =	sdelay $0x4  }
0x534: {  	v8 =	vadd.f32 v0, v16;
	v0 =	vld [tilespmem:$0x1F790];
	_ =	sdelay $0x4  }
0x535: {  	v9 =	vadd.f32 v0, v17;
	v0 =	vld [tilespmem:$0x1F7A0];
	_ =	sdelay $0x3  }
0x536: {  	v21 =	vld [tilespmem:$0x4EA0]  }
0x537: {  	v10 =	vadd.f32 v0, v18;
	v0 =	vld [tilespmem:$0x1F7B0];
	_ =	sdelay $0x3  }
0x538: {  	v25 =	vld [tilespmem:$0x50A0]  }
0x539: {  	[tilespmem:$0x1FE10] =	vst v21;
	v21 =	vadd.f32 v0, v7;
	v0 =	vld [tilespmem:$0x1F7C0];
	_ =	sdelay $0x4  }
0x53a: {  	[tilespmem:$0x1FE40] =	vst v25;
	v25 =	vadd.f32 v0, v8;
	v0 =	vld [tilespmem:$0x1F7D0];
	_ =	sdelay $0x3  }
0x53b: {  	v32 =	vld [tilespmem:$0x52A0]  }
0x53c: {  	v30 =	vadd.f32 v0, v9;
	v0 =	vld [tilespmem:$0x1F7E0];
	_ =	sdelay $0x4  }
0x53d: {  	[tilespmem:$0x1FE70] =	vst v32;
	v32 =	vadd.f32 v0, v10;
	v0 =	vld [tilespmem:$0x1F7F0];
	_ =	sdelay $0x4  }
0x53e: {  	v11 =	vadd.f32 v0, v21;
	v0 =	vld [tilespmem:$0x1F800];
	_ =	sdelay $0x4  }
0x53f: {  	v12 =	vadd.f32 v0, v25;
	v0 =	vld [tilespmem:$0x1F810];
	_ =	sdelay $0x3  }
0x540: {  	v39 =	vld [tilespmem:$0x54A0]  }
0x541: {  	v13 =	vadd.f32 v0, v30;
	v0 =	vld [tilespmem:$0x1F820];
	_ =	sdelay $0x4  }
0x542: {  	[tilespmem:$0x1FEA0] =	vst v39;
	v39 =	vadd.f32 v0, v32;
	v0 =	vld [tilespmem:$0x1F830];
	_ =	sdelay $0x4  }
0x543: {  	v44 =	vadd.f32 v0, v11;
	v0 =	vld [tilespmem:$0x1F840];
	_ =	sdelay $0x4  }
0x544: {  	v47 =	vadd.f32 v0, v12;
	v0 =	vld [tilespmem:$0x1F850];
	_ =	sdelay $0x4  }
0x545: {  	v13 =	vadd.f32 v0, v13;
	v0 =	vld [tilespmem:$0x1F860];
	_ =	sdelay $0x4  }
0x546: {  	v15 =	vadd.f32 v0, v39;
	v0 =	vld [tilespmem:$0x1F870];
	_ =	sdelay $0x4  }
0x547: {  	v16 =	vadd.f32 v0, v44;
	v0 =	vld [tilespmem:$0x1F880];
	_ =	sdelay $0x4  }
0x548: {  	v17 =	vadd.f32 v0, v47;
	v0 =	vld [tilespmem:$0x1F890];
	_ =	sdelay $0x4  }
0x549: {  	v13 =	vadd.f32 v0, v13;
	v0 =	vld [tilespmem:$0x1F8A0];
	_ =	sdelay $0x4  }
0x54a: {  	v15 =	vadd.f32 v0, v15;
	v0 =	vld [tilespmem:$0x1F8B0];
	_ =	sdelay $0x4  }
0x54b: {  	v16 =	vadd.f32 v0, v16;
	v0 =	vld [tilespmem:$0x1F8C0];
	_ =	sdelay $0x4  }
0x54c: {  	v17 =	vadd.f32 v0, v17;
	v0 =	vld [tilespmem:$0x1F8D0];
	_ =	sdelay $0x3  }
0x54d: {  	v50 =	vld [tilespmem:$0x58A0]  }
0x54e: {  	v48 =	vadd.f32 v0, v13;
	v0 =	vld [tilespmem:$0x1F8E0];
	_ =	sdelay $0x4  }
0x54f: {  	[tilespmem:$0x1FEF0] =	vst v50;
	v50 =	vadd.f32 v0, v15;
	v0 =	vld [tilespmem:$0x1F8F0];
	_ =	sdelay $0x4  }
0x550: {  	v53 =	vadd.f32 v0, v16;
	v0 =	vld [tilespmem:$0x1F900];
	_ =	sdelay $0x4  }
0x551: {  	v54 =	vadd.f32 v0, v17;
	v0 =	vld [tilespmem:$0x1F910];
	_ =	sdelay $0x4  }
0x552: {  	v18 =	vadd.f32 v0, v48;
	v0 =	vld [tilespmem:$0x1F920];
	_ =	sdelay $0x4  }
0x553: {  	v21 =	vadd.f32 v0, v50;
	v0 =	vld [tilespmem:$0x1F930];
	_ =	sdelay $0x4  }
0x554: {  	v39 =	vadd.f32 v0, v53;
	v0 =	vld [tilespmem:$0x1F940];
	_ =	sdelay $0x4  }
0x555: {  	v44 =	vadd.f32 v0, v54;
	v0 =	vld [tilespmem:$0x1F950];
	_ =	sdelay $0x4  }
0x556: {  	v58 =	vadd.f32 v0, v18;
	v0 =	vld [tilespmem:$0x1F960];
	_ =	sdelay $0x4  }
0x557: {  	v21 =	vadd.f32 v0, v21;
	v0 =	vld [tilespmem:$0x1F970];
	_ =	sdelay $0x4  }
0x558: {  	v39 =	vadd.f32 v0, v39;
	v0 =	vld [tilespmem:$0x1F980];
	_ =	sdelay $0x4  }
0x559: {  	v44 =	vadd.f32 v0, v44;
	v0 =	vld [tilespmem:$0x1F990];
	_ =	sdelay $0x4  }
0x55a: {  	v48 =	vadd.f32 v0, v58;
	v0 =	vld [tilespmem:$0x1F9A0];
	_ =	sdelay $0x4  }
0x55b: {  	v21 =	vadd.f32 v0, v21;
	v0 =	vld [tilespmem:$0x1F9B0];
	_ =	sdelay $0x4  }
0x55c: {  	v39 =	vadd.f32 v0, v39;
	v0 =	vld [tilespmem:$0x1F9C0];
	_ =	sdelay $0x4  }
0x55d: {  	v44 =	vadd.f32 v0, v44;
	v0 =	vld [tilespmem:$0x1F9D0];
	_ =	sdelay $0x4  }
0x55e: {  	v47 =	vadd.f32 v0, v48;
	v0 =	vld [tilespmem:$0x1F9E0];
	_ =	sdelay $0x4  }
0x55f: {  	v0 =	vadd.f32 v0, v21;
	_ =	sdelay $0x1  }
0x560: {  	[tilespmem:$0x1FF80] =	vst v0;
	v0 =	vld [tilespmem:$0x1F9F0];
	_ =	sdelay $0x3  }
0x561: {  	v24 =	vld [tilespmem:$0x1AA0]  }
0x562: {  	v39 =	vadd.f32 v0, v39;
	v0 =	vld [tilespmem:$0x1FA00]  }
0x563: {  	v38 =	vld [tilespmem:$0x1CA0]  }
0x564: {  	v26 =	vld [tilespmem:$0x1EA0]  }
0x565: {  	v33 =	vld [tilespmem:$0x20A0]  }
0x566: {  	v49 =	vld [tilespmem:$0x22A0]  }
0x567: {  	v29 =	vld [tilespmem:$0x24A0];
	v0 =	vadd.f32 v0, v44  }
0x568: {  	v28 =	vld [tilespmem:$0x26A0]  }
0x569: {  	[tilespmem:$0x1FFA0] =	vst v0;
	v0 =	vld [tilespmem:$0x1FA10]  }
0x56a: {  	v34 =	vld [tilespmem:$0x28A0]  }
0x56b: {  	v42 =	vld [tilespmem:$0x2AA0]  }
0x56c: {  	v35 =	vld [tilespmem:$0x1AB0]  }
0x56d: {  	v36 =	vld [tilespmem:$0x1CB0]  }
0x56e: {  	v53 =	vadd.f32 v0, v47;
	v0 =	vld [tilespmem:$0x1FA20]  }
0x56f: {  	v62 =	vld [tilespmem:$0x2CA0]  }
0x570: {  	v20 =	vld [tilespmem:$0x1EB0]  }
0x571: {  	v19 =	vld [tilespmem:$0x4CA0];
	v1 =	vadd.f32 $0.0e+00, v35  }
0x572: {  	v27 =	vld [tilespmem:$0x20B0]  }
0x573: {  	v57 =	vld [tilespmem:$0x2EA0];
	v1 =	vadd.f32 v36, v1;
	v0 =	vadd.f32 v0, v39  }
0x574: {  	v4 =	vld [tilespmem:$0x22B0]  }
0x575: {  	v1 =	vadd.f32 v20, v1;
	[tilespmem:$0x1FFB0] =	vst v0;
	v0 =	vld [tilespmem:$0x1FA30]  }
0x576: {  	v56 =	vld [tilespmem:$0x24B0]  }
0x577: {  	[tilespmem:$0x1FDE0] =	vst v19;
	v19 =	vld [tilespmem:$0x28B0];
	v1 =	vadd.f32 v27, v1  }
0x578: {  	v23 =	vld [tilespmem:$0x26B0]  }
0x579: {  	v24 =	vadd.f32 $0.0e+00, v24;
	v45 =	vld [tilespmem:$0x56A0];
	v1 =	vadd.f32 v4, v1  }
0x57a: {  	v16 =	vadd.f32 $0.0e+00, v0;
	v0 =	vld [tilespmem:$0x1FA40]  }
0x57b: {  	v37 =	vld [tilespmem:$0x30A0];
	v24 =	vadd.f32 v38, v24;
	v1 =	vadd.f32 v56, v1  }
0x57c: {  	v40 =	vld [tilespmem:$0x2AB0]  }
0x57d: {  	v24 =	vadd.f32 v26, v24;
	v26 =	vld [tilespmem:$0x1FA90];
	v1 =	vadd.f32 v23, v1  }
0x57e: {  	v22 =	vld [tilespmem:$0x2CB0]  }
0x57f: {  	[tilespmem:$0x1FED0] =	vst v45;
	v45 =	vld [tilespmem:$0x2EB0];
	v1 =	vadd.f32 v19, v1;
	v0 =	vadd.f32 v0, v53  }
0x580: {  	v2 =	vld [tilespmem:$0x30B0]  }
0x581: {  	v1 =	vadd.f32 v40, v1;
	[tilespmem:$0x1FFD0] =	vst v0;
	v0 =	vld [tilespmem:$0x1FA50]  }
0x582: {  	v53 =	vld [tilespmem:$0x1FA70]  }
0x583: {  	v1 =	vadd.f32 v22, v1;
	v21 =	vadd.f32 $0.0e+00, v41;
	v47 =	vld [tilespmem:$0x1FA60]  }
0x584: {  	v27 =	vld [tilespmem:$0x1FAC0]  }
0x585: {  	v23 =	vld [tilespmem:$0x1FB20];
	v1 =	vadd.f32 v45, v1;
	v31 =	vadd.f32 v31, v21  }
0x586: {  	v21 =	vld [tilespmem:$0x1FA80];
	v0 =	vadd.f32 v0, v16  }
0x587: {  	v1 =	vadd.f32 v2, v1;
	v2 =	vld [tilespmem:$0x52C0];
	v31 =	vadd.f32 v53, v31  }
0x588: {  	v53 =	vadd.f32 v33, v24;
	v0 =	vadd.f32 v47, v0;
	v47 =	vld [tilespmem:$0x1FAA0]  }
0x589: {  	v3 =	vld [tilespmem:$0x32B0]  }
0x58a: {  	v24 =	vld [tilespmem:$0x1FAB0];
	v20 =	vadd.f32 v49, v53  }
0x58b: {  	v53 =	vld [tilespmem:$0x1FAD0];
	v0 =	vadd.f32 v21, v0  }
0x58c: {  	v4 =	vadd.f32 v29, v20;
	v20 =	vld [tilespmem:$0x38C0]  }
0x58d: {  	v16 =	vld [tilespmem:$0x1FAE0];
	v0 =	vadd.f32 v47, v0  }
0x58e: {  	v26 =	vadd.f32 v26, v31;
	v21 =	vld [tilespmem:$0x1FAF0]  }
0x58f: {  	v0 =	vadd.f32 v27, v0;
	v27 =	vld [tilespmem:$0x1FB00]  }
0x590: {  	v1 =	vadd.f32 v3, v1;
	v3 =	vld [tilespmem:$0x56C0];
	v24 =	vadd.f32 v24, v26  }
0x591: {  	v4 =	vadd.f32 v28, v4;
	[tilespmem:$0x1FF00] =	vst v20;
	v20 =	vld [tilespmem:$0x1FB10]  }
0x592: {  	v28 =	vld [tilespmem:$0x3CC0];
	v24 =	vadd.f32 v53, v24;
	v0 =	vadd.f32 v16, v0  }
0x593: {  	v4 =	vadd.f32 v34, v4;
	v34 =	vld [tilespmem:$0x1FB40]  }
0x594: {  	v26 =	vadd.f32 v21, v24;
	v0 =	vadd.f32 v27, v0;
	v27 =	vld [tilespmem:$0x42C0]  }
0x595: {  	v24 =	vld [tilespmem:$0x40C0]  }
0x596: {  	v21 =	vadd.f32 v20, v26;
	v26 =	vld [tilespmem:$0x1FB30]  }
0x597: {  	v0 =	vadd.f32 v23, v0;
	v23 =	vld [tilespmem:$0x1FB60]  }
0x598: {  	v20 =	vld [tilespmem:$0x1FB50]  }
0x599: {  	v4 =	vadd.f32 v42, v4;
	[tilespmem:$0x1FF30] =	vst v27;
	v27 =	vld [tilespmem:$0x1FB80]  }
0x59a: {  	[tilespmem:$0x1FF20] =	vst v24;
	v24 =	vld [tilespmem:$0x1FB70];
	v0 =	vadd.f32 v34, v0  }
0x59b: {  	[tilespmem:$0x1FF10] =	vst v28;
	v4 =	vadd.f32 v62, v4;
	v28 =	vadd.f32 v26, v21;
	v34 =	vld [tilespmem:$0x1FBA0]  }
0x59c: {  	[tilespmem:$0x1FF90] =	vst v2;
	v2 =	vld [tilespmem:$0x1FBC0];
	v0 =	vadd.f32 v23, v0  }
0x59d: {  	v4 =	vadd.f32 v57, v4;
	v21 =	vadd.f32 v20, v28;
	v28 =	vld [tilespmem:$0x1FB90]  }
0x59e: {  	[tilespmem:$0x1FFE0] =	vst v3;
	v3 =	vld [tilespmem:$0x1FBE0];
	v0 =	vadd.f32 v27, v0  }
0x59f: {  	v4 =	vadd.f32 v37, v4;
	v37 =	vld [tilespmem:$0x1FBB0]  }
0x5a0: {  	v43 =	vld [tilespmem:$0x32A0];
	v19 =	vadd.f32 v24, v21;
	v0 =	vadd.f32 v34, v0  }
0x5a1: {  	v16 =	vld [tilespmem:$0x1FBD0]  }
0x5a2: {  	v19 =	vadd.f32 v28, v19;
	v0 =	vadd.f32 v2, v0;
	_ =	sdelay $0x1  }
0x5a3: {  	v19 =	vadd.f32 v37, v19;
	v0 =	vadd.f32 v3, v0;
	v3 =	vld [tilespmem:$0x58C0];
	_ =	sdelay $0x1  }
0x5a4: {  	v2 =	vadd.f32 v43, v4;
	v4 =	vadd.f32 v16, v19;
	v19 =	vld [tilespmem:$0x1FC00]  }
0x5a5: {  	v26 =	vld [tilespmem:$0x4AC0]  }
0x5a6: {  	v21 =	vld [tilespmem:$0x1FC20]  }
0x5a7: {  	[tilespmem:$0x1FFF0] =	vst v3;
	v3 =	vld [tilespmem:$0x1FBF0]  }
0x5a8: {  	v24 =	vld [tilespmem:$0x1FC40]  }
0x5a9: {  	v20 =	vld [tilespmem:$0x1FC10];
	v0 =	vadd.f32 v19, v0  }
0x5aa: {  	v27 =	vld [tilespmem:$0x1FC60]  }
0x5ab: {  	v23 =	vld [tilespmem:$0x1FC30];
	v0 =	vadd.f32 v21, v0  }
0x5ac: {  	v3 =	vadd.f32 v3, v4  }
0x5ad: {  	[tilespmem:$0x1FF40] =	vst v26;
	v26 =	vld [tilespmem:$0x1FC50];
	v0 =	vadd.f32 v24, v0  }
0x5ae: {  	v46 =	vld [tilespmem:$0x34A0];
	v3 =	vadd.f32 v20, v3  }
0x5af: {  	v28 =	vadd.f32 v27, v0;
	v0 =	vld [tilespmem:$0x1FC70]  }
0x5b0: {  	v3 =	vadd.f32 v23, v3  }
0x5b1: {  	v51 =	vld [tilespmem:$0x36A0]  }
0x5b2: {  	v3 =	vadd.f32 v26, v3  }
0x5b3: {  	v59 =	vld [tilespmem:$0x38A0]  }
0x5b4: {  	v2 =	vadd.f32 v46, v2;
	v3 =	vadd.f32 v0, v3;
	v0 =	vld [tilespmem:$0x1FC80]  }
0x5b5: {  	v55 =	vld [tilespmem:$0x3AA0]  }
0x5b6: {  	v2 =	vadd.f32 v51, v2  }
0x5b7: {  	v60 =	vld [tilespmem:$0x3CA0]  }
0x5b8: {  	v2 =	vadd.f32 v59, v2  }
0x5b9: {  	v20 =	vadd.f32 v0, v28;
	v0 =	vld [tilespmem:$0x1FC90]  }
0x5ba: {  	v2 =	vadd.f32 v55, v2;
	_ =	sdelay $0x1  }
0x5bb: {  	v2 =	vadd.f32 v60, v2  }
0x5bc: {  	v43 =	vld [tilespmem:$0x54C0]  }
0x5bd: {  	v37 =	vadd.f32 v0, v2;
	v0 =	vld [tilespmem:$0x1FCA0];
	_ =	sdelay $0x4  }
0x5be: {  	[tilespmem:$0x1FFC0] =	vst v43;
	v43 =	vadd.f32 v0, v3;
	v0 =	vld [tilespmem:$0x1FCB0];
	_ =	sdelay $0x4  }
0x5bf: {  	v20 =	vadd.f32 v0, v20;
	v0 =	vld [tilespmem:$0x1FCC0];
	_ =	sdelay $0x4  }
0x5c0: {  	v23 =	vadd.f32 v0, v37;
	v0 =	vld [tilespmem:$0x1FCD0];
	_ =	sdelay $0x4  }
0x5c1: {  	v24 =	vadd.f32 v0, v43;
	v0 =	vld [tilespmem:$0x1FCE0];
	_ =	sdelay $0x2  }
0x5c2: {  	v5 =	vld [tilespmem:$0x34B0]  }
0x5c3: {  	v6 =	vld [tilespmem:$0x36B0]  }
0x5c4: {  	v46 =	vadd.f32 v0, v20;
	v0 =	vld [tilespmem:$0x1FCF0];
	_ =	sdelay $0x1  }
0x5c5: {  	v7 =	vld [tilespmem:$0x38B0]  }
0x5c6: {  	v1 =	vadd.f32 v5, v1  }
0x5c7: {  	v8 =	vld [tilespmem:$0x3AB0]  }
0x5c8: {  	v1 =	vadd.f32 v6, v1;
	v51 =	vadd.f32 v0, v23;
	v0 =	vld [tilespmem:$0x1FD00]  }
0x5c9: {  	v9 =	vld [tilespmem:$0x3CB0]  }
0x5ca: {  	v1 =	vadd.f32 v7, v1  }
0x5cb: {  	v10 =	vld [tilespmem:$0x3EB0]  }
0x5cc: {  	v1 =	vadd.f32 v8, v1;
	v11 =	vld [tilespmem:$0x40B0]  }
0x5cd: {  	v24 =	vadd.f32 v0, v24;
	v0 =	vld [tilespmem:$0x1FD10]  }
0x5ce: {  	v9 =	vadd.f32 v9, v1;
	_ =	sdelay $0x1  }
0x5cf: {  	v10 =	vadd.f32 v10, v9;
	_ =	sdelay $0x1  }
0x5d0: {  	v10 =	vadd.f32 v11, v10;
	v11 =	vadd.f32 v0, v46;
	v0 =	vld [tilespmem:$0x1FD20];
	_ =	sdelay $0x4  }
0x5d1: {  	v26 =	vadd.f32 v0, v51;
	v0 =	vld [tilespmem:$0x1FD30];
	_ =	sdelay $0x4  }
0x5d2: {  	v28 =	vadd.f32 v0, v24;
	v0 =	vld [tilespmem:$0x1FD40]  }
0x5d3: {  	v38 =	vld [tilespmem:$0x2AC0]  }
0x5d4: {  	v52 =	vld [tilespmem:$0x46B0]  }
0x5d5: {  	v63 =	vld [tilespmem:$0x54B0]  }
0x5d6: {  	v61 =	vld [tilespmem:$0x56B0]  }
0x5d7: {  	v11 =	vadd.f32 v0, v11;
	v0 =	vld [tilespmem:$0x1FD50]  }
0x5d8: {  	v35 =	vld [tilespmem:$0x28C0]  }
0x5d9: {  	v36 =	vld [tilespmem:$0x2CC0]  }
0x5da: {  	v56 =	vld [tilespmem:$0x3AC0]  }
0x5db: {  	v40 =	vld [tilespmem:$0x46C0]  }
0x5dc: {  	v37 =	vadd.f32 v0, v26;
	v0 =	vld [tilespmem:$0x1FD60]  }
0x5dd: {  	v22 =	vld [tilespmem:$0x1AD0]  }
0x5de: {  	v14 =	vld [tilespmem:$0x42B0]  }
0x5df: {  	v45 =	vld [tilespmem:$0x4EC0]  }
0x5e0: {  	v5 =	vld [tilespmem:$0x20D0]  }
0x5e1: {  	v28 =	vadd.f32 v0, v28;
	v0 =	vld [tilespmem:$0x1FD70]  }
0x5e2: {  	v6 =	vld [tilespmem:$0x22D0]  }
0x5e3: {  	v7 =	vld [tilespmem:$0x24D0]  }
0x5e4: {  	v8 =	vld [tilespmem:$0x26D0]  }
0x5e5: {  	v12 =	vld [tilespmem:$0x44B0]  }
0x5e6: {  	v26 =	vadd.f32 v0, v11;
	v0 =	vld [tilespmem:$0x1FD80]  }
0x5e7: {  	v1 =	vld [tilespmem:$0x1FE90]  }
0x5e8: {  	v9 =	vld [tilespmem:$0x30D0]  }
0x5e9: {  	v25 =	vld [tilespmem:$0x48B0];
	v10 =	vadd.f32 v14, v10  }
0x5ea: {  	v30 =	vld [tilespmem:$0x50B0]  }
0x5eb: {  	v10 =	vadd.f32 v12, v10;
	v12 =	vadd.f32 v0, v37;
	v0 =	vld [tilespmem:$0x1FD90]  }
0x5ec: {  	v32 =	vld [tilespmem:$0x1AC0]  }
0x5ed: {  	v13 =	vld [tilespmem:$0x4AB0]  }
0x5ee: {  	v15 =	vld [tilespmem:$0x4CB0]  }
0x5ef: {  	v17 =	vld [tilespmem:$0x4EB0]  }
0x5f0: {  	v14 =	vadd.f32 v0, v28;
	v0 =	vld [tilespmem:$0x1FDA0]  }
0x5f1: {  	v48 =	vld [tilespmem:$0x1CC0]  }
0x5f2: {  	v50 =	vld [tilespmem:$0x20C0]  }
0x5f3: {  	v58 =	vld [tilespmem:$0x1EC0]  }
0x5f4: {  	v32 =	vadd.f32 $0.0e+00, v32;
	v54 =	vld [tilespmem:$0x58B0]  }
0x5f5: {  	v23 =	vadd.f32 v0, v26;
	v0 =	vld [tilespmem:$0x1FDB0]  }
0x5f6: {  	v18 =	vld [tilespmem:$0x52B0];
	v32 =	vadd.f32 v48, v32  }
0x5f7: {  	v41 =	vld [tilespmem:$0x22C0]  }
0x5f8: {  	v48 =	vld [tilespmem:$0x1EF0];
	v32 =	vadd.f32 v58, v32  }
0x5f9: {  	v39 =	vld [tilespmem:$0x24C0]  }
0x5fa: {  	v32 =	vadd.f32 v50, v32;
	v28 =	vadd.f32 v0, v12;
	v0 =	vld [tilespmem:$0x1FDC0]  }
0x5fb: {  	v58 =	vld [tilespmem:$0x20F0]  }
0x5fc: {  	v32 =	vadd.f32 v41, v32;
	v44 =	vld [tilespmem:$0x26C0]  }
0x5fd: {  	v50 =	vld [tilespmem:$0x22F0]  }
0x5fe: {  	v41 =	vld [tilespmem:$0x28E0];
	v32 =	vadd.f32 v39, v32  }
0x5ff: {  	v24 =	vadd.f32 v52, v10;
	v52 =	vadd.f32 v0, v14;
	v0 =	vld [tilespmem:$0x1FDD0]  }
0x600: {  	v39 =	vld [tilespmem:$0x26F0]  }
0x601: {  	v32 =	vadd.f32 v44, v32;
	v44 =	vld [tilespmem:$0x28F0]  }
0x602: {  	v33 =	vld [tilespmem:$0x30C0];
	v20 =	vadd.f32 v25, v24  }
0x603: {  	v31 =	vld [tilespmem:$0x2EC0]  }
0x604: {  	v13 =	vadd.f32 v13, v20;
	v20 =	vadd.f32 v0, v23;
	v0 =	vld [tilespmem:$0x1FDE0]  }
0x605: {  	v49 =	vld [tilespmem:$0x34C0]  }
0x606: {  	v19 =	vld [tilespmem:$0x1CD0]  }
0x607: {  	v29 =	vld [tilespmem:$0x3EC0]  }
0x608: {  	v4 =	vld [tilespmem:$0x1ED0]  }
0x609: {  	v22 =	vadd.f32 $0.0e+00, v22;
	v23 =	vadd.f32 v0, v28;
	v0 =	vld [tilespmem:$0x1FDF0]  }
0x60a: {  	v53 =	vld [tilespmem:$0x36C0]  }
0x60b: {  	v47 =	vld [tilespmem:$0x32C0];
	v19 =	vadd.f32 v19, v22  }
0x60c: {  	v42 =	vld [tilespmem:$0x44C0]  }
0x60d: {  	v62 =	vld [tilespmem:$0x48C0];
	v4 =	vadd.f32 v4, v19  }
0x60e: {  	v24 =	vadd.f32 v0, v52;
	v0 =	vld [tilespmem:$0x1FE00]  }
0x60f: {  	v57 =	vld [tilespmem:$0x4CC0];
	v4 =	vadd.f32 v5, v4  }
0x610: {  	v34 =	vld [tilespmem:$0x50C0]  }
0x611: {  	v16 =	vld [tilespmem:$0x28D0];
	v4 =	vadd.f32 v6, v4  }
0x612: {  	v59 =	vld [tilespmem:$0x34D0]  }
0x613: {  	v4 =	vadd.f32 v7, v4;
	v20 =	vadd.f32 v0, v20;
	v0 =	vld [tilespmem:$0x1FE10]  }
0x614: {  	v21 =	vld [tilespmem:$0x2AD0]  }
0x615: {  	v55 =	vld [tilespmem:$0x36D0];
	v4 =	vadd.f32 v8, v4  }
0x616: {  	v27 =	vld [tilespmem:$0x2CD0]  }
0x617: {  	v4 =	vadd.f32 v16, v4;
	v3 =	vld [tilespmem:$0x2ED0]  }
0x618: {  	v23 =	vadd.f32 v0, v23;
	v0 =	vld [tilespmem:$0x1FE20]  }
0x619: {  	v60 =	vld [tilespmem:$0x32D0];
	v4 =	vadd.f32 v21, v4  }
0x61a: {  	v22 =	vld [tilespmem:$0x20E0]  }
0x61b: {  	v19 =	vld [tilespmem:$0x22E0];
	v4 =	vadd.f32 v27, v4  }
0x61c: {  	v16 =	vld [tilespmem:$0x42E0]  }
0x61d: {  	v3 =	vadd.f32 v3, v4;
	v24 =	vadd.f32 v0, v24;
	v0 =	vld [tilespmem:$0x1FE30]  }
0x61e: {  	v21 =	vld [tilespmem:$0x2EE0]  }
0x61f: {  	v2 =	vld [tilespmem:$0x1FEC0];
	v3 =	vadd.f32 v9, v3  }
0x620: {  	v27 =	vld [tilespmem:$0x30E0]  }
0x621: {  	v3 =	vadd.f32 v60, v3;
	v60 =	vld [tilespmem:$0x3EF0]  }
0x622: {  	v26 =	vadd.f32 v0, v20;
	v0 =	vld [tilespmem:$0x1FE40]  }
0x623: {  	v46 =	vld [tilespmem:$0x38D0]  }
0x624: {  	v3 =	vadd.f32 v59, v3;
	v59 =	vld [tilespmem:$0x1FF10]  }
0x625: {  	v43 =	vld [tilespmem:$0x3AD0]  }
0x626: {  	v3 =	vadd.f32 v55, v3;
	v55 =	vld [tilespmem:$0x3CE0]  }
0x627: {  	v23 =	vadd.f32 v0, v23;
	v0 =	vld [tilespmem:$0x1FE50]  }
0x628: {  	v51 =	vld [tilespmem:$0x3CD0];
	v3 =	vadd.f32 v46, v3  }
0x629: {  	v46 =	vld [tilespmem:$0x52E0]  }
0x62a: {  	v3 =	vadd.f32 v43, v3;
	v43 =	vld [tilespmem:$0x50E0]  }
0x62b: {  	v10 =	vld [tilespmem:$0x3ED0]  }
0x62c: {  	v24 =	vadd.f32 v0, v24;
	v0 =	vld [tilespmem:$0x1FE60]  }
0x62d: {  	v3 =	vadd.f32 v51, v3;
	v51 =	vld [tilespmem:$0x1FF80];
	v15 =	vadd.f32 v15, v13  }
0x62e: {  	v13 =	vld [tilespmem:$0x4CD0]  }
0x62f: {  	v25 =	vadd.f32 v17, v15;
	v15 =	vld [tilespmem:$0x4ED0]  }
0x630: {  	v37 =	vld [tilespmem:$0x40D0]  }
0x631: {  	v17 =	vadd.f32 v30, v25;
	v25 =	vadd.f32 v0, v26;
	v0 =	vld [tilespmem:$0x1FE70]  }
0x632: {  	v11 =	vld [tilespmem:$0x42D0]  }
0x633: {  	v17 =	vadd.f32 v18, v17;
	v18 =	vadd.f32 v1, v25;
	v1 =	vld [tilespmem:$0x1FEA0]  }
0x634: {  	v3 =	vadd.f32 v10, v3;
	v12 =	vld [tilespmem:$0x44D0]  }
0x635: {  	v63 =	vadd.f32 v63, v17;
	v17 =	vadd.f32 v2, v18;
	v2 =	vld [tilespmem:$0x1FED0]  }
0x636: {  	v3 =	vadd.f32 v37, v3;
	v26 =	vadd.f32 v0, v23;
	v0 =	vld [tilespmem:$0x1FE80]  }
0x637: {  	v14 =	vld [tilespmem:$0x46D0]  }
0x638: {  	v3 =	vadd.f32 v11, v3;
	v25 =	vadd.f32 v1, v26;
	v1 =	vld [tilespmem:$0x1FEB0]  }
0x639: {  	v28 =	vld [tilespmem:$0x48D0]  }
0x63a: {  	v3 =	vadd.f32 v12, v3;
	v18 =	vadd.f32 v2, v25;
	v25 =	vld [tilespmem:$0x1FEE0]  }
0x63b: {  	v52 =	vld [tilespmem:$0x4AD0];
	v0 =	vadd.f32 v0, v24  }
0x63c: {  	v30 =	vld [tilespmem:$0x52D0];
	v3 =	vadd.f32 v14, v3  }
0x63d: {  	v37 =	vld [tilespmem:$0x4AF0];
	v0 =	vadd.f32 v1, v0  }
0x63e: {  	v3 =	vadd.f32 v28, v3;
	v1 =	vld [tilespmem:$0x1AE0]  }
0x63f: {  	v25 =	vadd.f32 v25, v0;
	v0 =	vadd.f32 v61, v63;
	v63 =	vld [tilespmem:$0x1FEF0]  }
0x640: {  	v3 =	vadd.f32 v52, v3;
	v52 =	vld [tilespmem:$0x1FF90]  }
0x641: {  	v61 =	vld [tilespmem:$0x1CE0]  }
0x642: {  	v2 =	vld [tilespmem:$0x1AF0]  }
0x643: {  	v0 =	vadd.f32 v54, v0;
	v54 =	vld [tilespmem:$0x1EE0]  }
0x644: {  	v1 =	vadd.f32 $0.0e+00, v1;
	v18 =	vadd.f32 v63, v18;
	v63 =	vld [tilespmem:$0x1CF0]  }
0x645: {  	v20 =	vld [tilespmem:$0x50D0]  }
0x646: {  	v23 =	vld [tilespmem:$0x54D0];
	v1 =	vadd.f32 v61, v1  }
0x647: {  	v26 =	vld [tilespmem:$0x58D0];
	v2 =	vadd.f32 $0.0e+00, v2  }
0x648: {  	v24 =	vld [tilespmem:$0x56D0];
	v1 =	vadd.f32 v54, v1  }
0x649: {  	v54 =	vld [tilespmem:$0x24E0];
	v2 =	vadd.f32 v63, v2  }
0x64a: {  	v61 =	vld [tilespmem:$0x24F0];
	v1 =	vadd.f32 v22, v1  }
0x64b: {  	v63 =	vld [tilespmem:$0x26E0];
	v2 =	vadd.f32 v48, v2  }
0x64c: {  	v22 =	vld [tilespmem:$0x2EF0];
	v1 =	vadd.f32 v19, v1  }
0x64d: {  	v48 =	vld [tilespmem:$0x2AE0];
	v2 =	vadd.f32 v58, v2  }
0x64e: {  	v1 =	vadd.f32 v54, v1;
	v54 =	vld [tilespmem:$0x2AF0]  }
0x64f: {  	v58 =	vld [tilespmem:$0x2CE0];
	v2 =	vadd.f32 v50, v2;
	v50 =	vadd.f32 v35, v32  }
0x650: {  	v1 =	vadd.f32 v63, v1;
	v63 =	vld [tilespmem:$0x2CF0]  }
0x651: {  	v32 =	vld [tilespmem:$0x30F0];
	v2 =	vadd.f32 v61, v2;
	v61 =	vadd.f32 v38, v50  }
0x652: {  	v35 =	vld [tilespmem:$0x32E0];
	v1 =	vadd.f32 v41, v1  }
0x653: {  	v41 =	vld [tilespmem:$0x34F0];
	v2 =	vadd.f32 v39, v2;
	v19 =	vadd.f32 v36, v61  }
0x654: {  	v38 =	vld [tilespmem:$0x32F0];
	v1 =	vadd.f32 v48, v1  }
0x655: {  	v50 =	vld [tilespmem:$0x3AE0];
	v2 =	vadd.f32 v44, v2;
	v19 =	vadd.f32 v31, v19  }
0x656: {  	v48 =	vld [tilespmem:$0x38E0];
	v1 =	vadd.f32 v58, v1  }
0x657: {  	v39 =	vld [tilespmem:$0x34E0];
	v2 =	vadd.f32 v54, v2;
	v36 =	vadd.f32 v33, v19  }
0x658: {  	v61 =	vld [tilespmem:$0x40E0];
	v1 =	vadd.f32 v21, v1  }
0x659: {  	v58 =	vld [tilespmem:$0x3EE0];
	v2 =	vadd.f32 v63, v2;
	v7 =	vadd.f32 v47, v36  }
0x65a: {  	v44 =	vld [tilespmem:$0x36E0];
	v1 =	vadd.f32 v27, v1  }
0x65b: {  	v31 =	vld [tilespmem:$0x46E0];
	v2 =	vadd.f32 v22, v2;
	v7 =	vadd.f32 v49, v7  }
0x65c: {  	v21 =	vld [tilespmem:$0x42F0];
	v1 =	vadd.f32 v35, v1  }
0x65d: {  	v2 =	vadd.f32 v32, v2;
	v7 =	vadd.f32 v53, v7;
	v53 =	vld [tilespmem:$0x1FF00]  }
0x65e: {  	v47 =	vld [tilespmem:$0x36F0]  }
0x65f: {  	v54 =	vld [tilespmem:$0x3AF0];
	v1 =	vadd.f32 v39, v1;
	v2 =	vadd.f32 v38, v2  }
0x660: {  	v49 =	vld [tilespmem:$0x38F0]  }
0x661: {  	v19 =	vld [tilespmem:$0x1FF20];
	v1 =	vadd.f32 v44, v1;
	v2 =	vadd.f32 v41, v2  }
0x662: {  	v33 =	vld [tilespmem:$0x48E0];
	v7 =	vadd.f32 v53, v7  }
0x663: {  	v27 =	vld [tilespmem:$0x1FF30];
	v1 =	vadd.f32 v48, v1;
	v2 =	vadd.f32 v47, v2  }
0x664: {  	v7 =	vadd.f32 v56, v7;
	v56 =	vld [tilespmem:$0x3CF0]  }
0x665: {  	v63 =	vld [tilespmem:$0x40F0];
	v1 =	vadd.f32 v50, v1;
	v2 =	vadd.f32 v49, v2  }
0x666: {  	v36 =	vld [tilespmem:$0x4AE0]  }
0x667: {  	v35 =	vld [tilespmem:$0x48F0];
	v1 =	vadd.f32 v55, v1;
	v2 =	vadd.f32 v54, v2  }
0x668: {  	v22 =	vld [tilespmem:$0x44E0];
	v7 =	vadd.f32 v59, v7  }
0x669: {  	v39 =	vld [tilespmem:$0x1FF40];
	v1 =	vadd.f32 v58, v1;
	v2 =	vadd.f32 v56, v2  }
0x66a: {  	v32 =	vld [tilespmem:$0x46F0];
	v7 =	vadd.f32 v29, v7  }
0x66b: {  	v44 =	vld [tilespmem:$0x50F0];
	v1 =	vadd.f32 v61, v1;
	v2 =	vadd.f32 v60, v2  }
0x66c: {  	v29 =	vld [tilespmem:$0x44F0];
	v7 =	vadd.f32 v19, v7  }
0x66d: {  	v38 =	vld [tilespmem:$0x4CE0];
	v1 =	vadd.f32 v16, v1;
	v2 =	vadd.f32 v63, v2  }
0x66e: {  	v3 =	vadd.f32 v13, v3;
	v48 =	vld [tilespmem:$0x52F0];
	v7 =	vadd.f32 v27, v7  }
0x66f: {  	v41 =	vld [tilespmem:$0x4EE0];
	v1 =	vadd.f32 v22, v1;
	v2 =	vadd.f32 v21, v2  }
0x670: {  	v3 =	vadd.f32 v15, v3;
	v50 =	vld [tilespmem:$0x54E0];
	v7 =	vadd.f32 v42, v7  }
0x671: {  	v53 =	vld [tilespmem:$0x54F0];
	v1 =	vadd.f32 v31, v1;
	v2 =	vadd.f32 v29, v2  }
0x672: {  	v3 =	vadd.f32 v20, v3;
	v47 =	vld [tilespmem:$0x1FF60];
	v7 =	vadd.f32 v40, v7  }
0x673: {  	v55 =	vld [tilespmem:$0x56E0];
	v1 =	vadd.f32 v33, v1;
	v2 =	vadd.f32 v32, v2  }
0x674: {  	v3 =	vadd.f32 v30, v3;
	v40 =	vld [tilespmem:$0x4CF0];
	v7 =	vadd.f32 v62, v7  }
0x675: {  	v49 =	vld [tilespmem:$0x1FF70];
	v1 =	vadd.f32 v36, v1;
	v2 =	vadd.f32 v35, v2  }
0x676: {  	v3 =	vadd.f32 v23, v3;
	v42 =	vld [tilespmem:$0x4EF0];
	v7 =	vadd.f32 v39, v7  }
0x677: {  	v58 =	vld [tilespmem:$0x56F0];
	v1 =	vadd.f32 v38, v1;
	v2 =	vadd.f32 v37, v2  }
0x678: {  	v3 =	vadd.f32 v24, v3;
	v59 =	vld [tilespmem:$0x1FFD0];
	v7 =	vadd.f32 v57, v7  }
0x679: {  	[tilespmem:$0x5A40] =	vst v51;
	v54 =	vld [tilespmem:$0x1FFA0];
	v1 =	vadd.f32 v41, v1;
	v2 =	vadd.f32 v40, v2  }
0x67a: {  	[tilespmem:$0x5AB0] =	vst v0;
	v0 =	vadd.f32 v26, v3;
	v61 =	vld [tilespmem:$0x1FFE0];
	v7 =	vadd.f32 v45, v7  }
0x67b: {  	[tilespmem:$0x5A80] =	vst v17;
	v57 =	vld [tilespmem:$0x1FFC0];
	v1 =	vadd.f32 v43, v1;
	v2 =	vadd.f32 v42, v2  }
0x67c: {  	[tilespmem:$0x5A90] =	vst v25;
	v56 =	vld [tilespmem:$0x1FFB0];
	v7 =	vadd.f32 v34, v7  }
0x67d: {  	[tilespmem:$0x5AD0] =	vst v0;
	v60 =	vld [tilespmem:$0x58E0];
	v1 =	vadd.f32 v46, v1;
	v2 =	vadd.f32 v44, v2  }
0x67e: {  	[tilespmem:$0x5AA0] =	vst v18;
	v63 =	vld [tilespmem:$0x1FFF0];
	v7 =	vadd.f32 v52, v7  }
0x67f: {  	[tilespmem:$0x5A20] =	vst v47;
	v45 =	vld [tilespmem:$0x1FF50];
	v1 =	vadd.f32 v50, v1;
	v2 =	vadd.f32 v48, v2  }
0x680: {  	[tilespmem:$0x5A30] =	vst v49;
	v62 =	vld [tilespmem:$0x58F0];
	v7 =	vadd.f32 v57, v7  }
0x681: {  	[tilespmem:$0x5A70] =	vst v59;
	v1 =	vadd.f32 v55, v1;
	v2 =	vadd.f32 v53, v2  }
0x682: {  	[tilespmem:$0x5A50] =	vst v54;
	v7 =	vadd.f32 v61, v7  }
0x683: {  	[tilespmem:$0x5A60] =	vst v56;
	v1 =	vadd.f32 v60, v1;
	v2 =	vadd.f32 v58, v2  }
0x684: {  	[tilespmem:$0x5A10] =	vst v45;
	v4 =	vadd.f32 v63, v7  }
0x685: {  	[tilespmem:$0x5AE0] =	vst v1;
	v0 =	vadd.f32 v62, v2  }
0x686: {  	[tilespmem:$0x5AC0] =	vst v4  }
0x687: {  	s16 =	simm.s32 $0x0;
	[tilespmem:$0x5AF0] =	vst v0  }
0x688: {  	v1 =	vld [tilespmem:s16+$0xC80];
	_ =	sdelay $0x7  }
0x689: {  	v0 =	vld.idx.msk [tilespmem:v1+s13+$0x0], $0xffff;
	_ =	sdelay $0x4  }
0x68a: {  	v2 =	vadd.f32 $9.999999930e-09, v0;
	_ =	sdelay $0x1  }
0x68b: {  	(erf) = vrcp.f32 v2;
	_ =	sdelay $0x4  }
0x68c: {  	v0 =	vld [tilespmem:s16+$0x0]  }
0x68d: {  	s18 =	simm.s32 $0x10;
	s17 =	simm.s32 $0x80;
	v1 =	vld.idx.msk [tilespmem:v1+s12+$0x0], $0xffff  }
.LBB2_2:
0x68e: {  	p0 =	sne.s32 s17, $0x30C0;
	v2 =	vld [tilespmem:s18+$0xC80];
	_ =	sdelay $0x1  }
0x68f: {  	v3 =	vpop (erf)  }
0x690: {  	v0 =	vmul.f32 v3, v0;
	_ =	sdelay $0x1  }
0x691: {  	v0 =	vmul.f32 v0, v1;
	_ =	sdelay $0x1  }
0x692: {  	[tilespmem:s16+$0x5D00] =	vst v0;
	s16 =	smov.u32 s18  }
0x693: {  	v0 =	vld.idx.msk [tilespmem:v2+s13+$0x0], $0xffff;
	_ =	sdelay $0x5  }
0x694: {  	v0 =	vadd.f32 $9.999999930e-09, v0;
	_ =	sdelay $0x1  }
0x695: {  	(erf) = vrcp.f32 v0;
	_ =	sdelay $0x1  }
.Ltmp0:
0x696: {  	(pc) =	sbr.rel @p0 .LBB2_2-.Ltmp0, $3  }
0x697: {  	_ =	sdelay $0x1  }
0x698: {  	v0 =	vld [tilespmem:s16+$0x0]  }
0x699: {  	s18 =	sshra.s32 s17, $0x2;
	s17 =	sadd.s32 $0x40, s17;
	v1 =	vld.idx.msk [tilespmem:v2+s12+$0x0], $0xffff  }
0x69a: {  	v2 =	vld [tilespmem:s18+$0xC80];
	_ =	sdelay $0x1  }
0x69b: {  	v3 =	vpop (erf)  }
0x69c: {  	v0 =	vmul.f32 v3, v0;
	_ =	sdelay $0x1  }
0x69d: {  	v0 =	vmul.f32 v0, v1;
	_ =	sdelay $0x1  }
0x69e: {  	[tilespmem:s16+$0x5D00] =	vst v0  }
0x69f: {  	v0 =	vld.idx.msk [tilespmem:v2+s13+$0x0], $0xffff;
	_ =	sdelay $0x4  }
0x6a0: {  	v0 =	vadd.f32 $9.999999930e-09, v0;
	_ =	sdelay $0x1  }
0x6a1: {  	(erf) = vrcp.f32 v0;
	_ =	sdelay $0x4  }
0x6a2: {  	v61 =	vld [tilespmem:s18+$0x0];
	_ =	sdelay $0x1  }
0x6a3: {  	v62 =	vld.idx.msk [tilespmem:v2+s12+$0x0], $0xffff;
	_ =	sdelay $0x1  }
0x6a4: {  	v63 =	vpop (erf)  }
0x6a5: {  	v0 =	vmul.f32 v63, v61;
	_ =	sdelay $0x1  }
0x6a6: {  	s15 =	sadd.s32 $0x1, s15;
	v0 =	vmul.f32 v0, v62  }
0x6a7: {  	p0 =	sne.s32 s15, s8  }
.Ltmp1:
0x6a8: {  	[tilespmem:s18+$0x5D00] =	vst v0;
	(pc) =	sbr.rel @p0 .LBB2_1-.Ltmp1, $4  }
0x6a9: {  	[hbm4b:s7+s2] =	stream.linear.scatter [tilespmem:s14], [sflag:$0x1], $0xC40, $0x38;
	[tilespmem:$0x6980] =	vst v63  }
0x6aa: {  	_ =	swait.ge [sflag:s9], $0xC40  }
0x6ab: {  	[sflag:s9] =	ssyncset.done $0x0  }
0x6ac: {  	[sflag:s9] =	ssyncadd.s32 $0xFFFFF3C0  }
0x6ad: {  	_ =	sfence.sel $0x180000  }
0x6ae: {  	[bflag:$0x0] =	sbarrier.arrive $0xFFFF  }
0x6af: {  	p0 =	sne.s32 s0, $0x0;
	_ =	strace $0x9000004A  }
0x6b0: {  	s0 =	sadd.s32 @!p0 $0x100000, s1;
	[bflag:$0x2] =	sbarrier.arrive $0xFFFF  }
0x6b1: {  	[sflag:s0] =	ssyncadd.tile.s32 @!p0 $0x1;
	_ =	shalt  }
.Lfunc_end2:
_tile_overlayer_lowered:
.L_overlay_start_2:
0x6b2: {  	(tag) =	ssettag $0x2  }
0x6b3: {  	s0 =	rddreg [dreg:$0x0];
	s2 =	stileid.u32  }
0x6b4: {  	s1 =	rddreg [dreg:$0x1];
	p0 =	sne.s32 s2, $0x0  }
0x6b5: {  	s3 =	rddreg [dreg:$0x2];
	[bflag:$0x3] =	sbarrier.arrive $0xFFFF;
	s2 =	simm.s32 @!p0 $0x1C01  }
0x6b6: {  	[timem:s3], [sflag:s2] =	dma.local @!p0 [hbm:s0], s1  }
0x6b7: {  	s0 =	simm.s32 @!p0 $0x1  }
0x6b8: {  	_ =	swait.ge @!p0 [sflag:s0], s1  }
0x6b9: {  	s1 =	ssub.s32 @!p0 $0x0, s1;
	[sflag:s0] =	ssyncset.done @!p0 $0x0  }
0x6ba: {  	[sflag:s0] =	ssyncadd.s32 @!p0 s1  }
0x6bb: {  	[bflag:$0x3] =	sbarrier.arrive $0xFFFF  }
0x6bc: {  	_ =	shalt  }

</sc_bundles>
